<compile_context>
chip_gen: v7x
topology: tpu7x:2x2x1
jax: 0.10.2.dev20260603
libtpu: 0.0.44.dev20260713+nightly
codegen_flags: <defaults>
</compile_context>

<pallas_src>
import functools

import jax
import jax.numpy as jnp
from jax import lax
from jax.experimental import pallas as pl
from jax.experimental.pallas import tpu as pltpu
from jax.experimental.pallas import tpu_sc as plsc

N = 10000
E = 320000
D = 128

NC = 2
NS = 16
NW = NC * NS
EPW = E // NW
CH = 80
NCHUNK = EPW // CH
N_PAD = 10240
RPT = N_PAD // NS
WB = 128

@functools.lru_cache(maxsize=None)
def _mesh():
    return plsc.VectorSubcoreMesh(
        core_axis_name="c", subcore_axis_name="s", num_cores=NC,
        num_subcores=NS,
    )


def _zero_vmem(ref, rows, cols):
    zer = jnp.zeros((16,), jnp.float32)

    def body(i, _):
        r = i // (cols // 16)
        cidx = i % (cols // 16)
        ref[r, pl.ds(cidx * 16, 16)] = zer
        return 0

    lax.fori_loop(0, rows * (cols // 16), body, 0)


def _sc_gather_scatter(table, src_idx, dst_idx):

    def body(table_h, src_h, dst_h, out_h, src_v, dst_v, rows_v,
             acc_sh, sem):
        c = lax.axis_index("c")
        s = lax.axis_index("s")
        wid = c * NS + s

        _zero_vmem(rows_v, CH, D)

        def zb2(m, _):
            pltpu.sync_copy(rows_v, acc_sh.at[pl.ds(s * RPT + m * CH, CH)])
            return 0

        lax.fori_loop(0, RPT // CH, zb2, 0)
        plsc.subcore_barrier()

        pltpu.sync_copy(src_h.at[wid], src_v)
        pltpu.sync_copy(dst_h.at[wid], dst_v)

        def chunk(g, _):
            pltpu.async_copy(table_h.at[src_v.at[g]], rows_v, sem).wait()
            pltpu.sync_copy(rows_v, acc_sh.at[dst_v.at[g]], add=True)
            return 0

        lax.fori_loop(0, NCHUNK, chunk, 0)
        plsc.subcore_barrier()

        def wb(m, _):
            base = s * RPT + m * CH
            pltpu.sync_copy(acc_sh.at[pl.ds(base, CH)], rows_v)
            pltpu.sync_copy(rows_v, out_h.at[c, pl.ds(base, CH)])
            return 0

        lax.fori_loop(0, RPT // CH, wb, 0)

    f = pl.kernel(
        body,
        out_type=jax.ShapeDtypeStruct((NC, N_PAD, D), jnp.float32),
        mesh=_mesh(),
        scratch_types=[
            pltpu.VMEM((NCHUNK, CH), jnp.int32),
            pltpu.VMEM((NCHUNK, CH), jnp.int32),
            pltpu.VMEM((CH, D), jnp.float32),
            pltpu.VMEM_SHARED((N_PAD, D), jnp.float32),
            pltpu.SemaphoreType.DMA,
        ],
    )
    return f(table, src_idx, dst_idx)



BN = 1000


def _tc0(degp, x):

    def body(degp_ref, x_ref, dis_ref, u_ref):
        deg = degp_ref[0, :, 0:1] + degp_ref[1, :, 0:1]
        good = deg > 0.0
        dis = jnp.where(good, lax.rsqrt(jnp.where(good, deg, 1.0)), 0.0)
        dis_ref[...] = dis
        u_ref[...] = x_ref[...] * dis

    return pl.pallas_call(
        body,
        grid=(N // BN,),
        in_specs=[
            pl.BlockSpec((NC, BN, D), lambda i: (0, i, 0)),
            pl.BlockSpec((BN, D), lambda i: (i, 0)),
        ],
        out_specs=[
            pl.BlockSpec((BN, 1), lambda i: (i, 0)),
            pl.BlockSpec((BN, D), lambda i: (i, 0)),
        ],
        out_shape=[
            jax.ShapeDtypeStruct((N, 1), jnp.float32),
            jax.ShapeDtypeStruct((N, D), jnp.float32),
        ],
    )(degp, x)


def _tc_mid(sp, z, dis, W):
    dout = W.shape[2]

    def body(sp_ref, z_ref, dis_ref, w_ref, outa_ref, u_ref):
        dis = dis_ref[...]
        tx1 = -(sp_ref[0] + sp_ref[1]) * dis
        z = z_ref[...]
        outa_ref[...] = (
            jnp.dot(z, w_ref[0], preferred_element_type=jnp.float32)
            + jnp.dot(tx1, w_ref[1], preferred_element_type=jnp.float32)
        )
        u_ref[...] = tx1 * dis

    return pl.pallas_call(
        body,
        grid=(N // BN,),
        in_specs=[
            pl.BlockSpec((NC, BN, D), lambda i: (0, i, 0)),
            pl.BlockSpec((BN, D), lambda i: (i, 0)),
            pl.BlockSpec((BN, 1), lambda i: (i, 0)),
            pl.BlockSpec((3, D, dout), lambda i: (0, 0, 0)),
        ],
        out_specs=[
            pl.BlockSpec((BN, dout), lambda i: (i, 0)),
            pl.BlockSpec((BN, D), lambda i: (i, 0)),
        ],
        out_shape=[
            jax.ShapeDtypeStruct((N, dout), jnp.float32),
            jax.ShapeDtypeStruct((N, D), jnp.float32),
        ],
    )(sp, z, dis, W)


def _tc_post1(sp, z, outa, dis, W, b):

    def body(sp_ref, z_ref, outa_ref, dis_ref, w_ref, b_ref, h_ref, u_ref):
        dis = dis_ref[...]
        tx2 = -2.0 * (sp_ref[0] + sp_ref[1]) * dis - z_ref[...]
        h = outa_ref[...] + jnp.dot(
            tx2, w_ref[2], preferred_element_type=jnp.float32) + b_ref[...]
        h = jnp.maximum(h, 0.0)
        h_ref[...] = h
        u_ref[...] = h * dis

    return pl.pallas_call(
        body,
        grid=(N // BN,),
        in_specs=[
            pl.BlockSpec((NC, BN, D), lambda i: (0, i, 0)),
            pl.BlockSpec((BN, D), lambda i: (i, 0)),
            pl.BlockSpec((BN, D), lambda i: (i, 0)),
            pl.BlockSpec((BN, 1), lambda i: (i, 0)),
            pl.BlockSpec((3, D, D), lambda i: (0, 0, 0)),
            pl.BlockSpec((1, D), lambda i: (0, 0)),
        ],
        out_specs=[
            pl.BlockSpec((BN, D), lambda i: (i, 0)),
            pl.BlockSpec((BN, D), lambda i: (i, 0)),
        ],
        out_shape=[
            jax.ShapeDtypeStruct((N, D), jnp.float32),
            jax.ShapeDtypeStruct((N, D), jnp.float32),
        ],
    )(sp, z, outa, dis, W, b)


def _tc_post2(sp, z, outb, dis, W, b):
    dout = W.shape[2]

    def body(sp_ref, z_ref, outb_ref, dis_ref, w_ref, b_ref, o_ref):
        dis = dis_ref[...]
        tx2 = -2.0 * (sp_ref[0] + sp_ref[1]) * dis - z_ref[...]
        logits = outb_ref[...] + jnp.dot(
            tx2, w_ref[2], preferred_element_type=jnp.float32) + b_ref[...]
        m = jnp.max(logits, axis=1, keepdims=True)
        sh = logits - m
        lse = jnp.log(jnp.sum(jnp.exp(sh), axis=1, keepdims=True))
        o_ref[...] = sh - lse

    return pl.pallas_call(
        body,
        grid=(N // BN,),
        in_specs=[
            pl.BlockSpec((NC, BN, D), lambda i: (0, i, 0)),
            pl.BlockSpec((BN, D), lambda i: (i, 0)),
            pl.BlockSpec((BN, dout), lambda i: (i, 0)),
            pl.BlockSpec((BN, 1), lambda i: (i, 0)),
            pl.BlockSpec((3, D, dout), lambda i: (0, 0, 0)),
            pl.BlockSpec((1, dout), lambda i: (0, 0)),
        ],
        out_specs=pl.BlockSpec((BN, dout), lambda i: (i, 0)),
        out_shape=jax.ShapeDtypeStruct((N, dout), jnp.float32),
    )(sp, z, outb, dis, W, b)


def kernel(x, edge_index, W1, b1, W2, b2):
    row = edge_index[0].reshape(NW, NCHUNK, CH)
    col = edge_index[1].reshape(NW, NCHUNK, CH)

    ones_t = jnp.ones((8, D), jnp.float32)
    zeros_i = jnp.zeros((NW, NCHUNK, CH), jnp.int32)
    degp = _sc_gather_scatter(ones_t, zeros_i, row)
    dis, u0 = _tc0(degp, x)

    s1 = _sc_gather_scatter(u0, row, col)
    outa, u1 = _tc_mid(s1, x, dis, W1)
    s2 = _sc_gather_scatter(u1, row, col)
    h, u2 = _tc_post1(s2, x, outa, dis, W1, b1.reshape(1, -1))

    s3 = _sc_gather_scatter(u2, row, col)
    outb, u3 = _tc_mid(s3, h, dis, W2)
    s4 = _sc_gather_scatter(u3, row, col)
    return _tc_post2(s4, h, outb, dis, W2, b2.reshape(1, -1))

# --- scband reference (transcript-rebuilt; emitter-appended) ---
"""Pipeline reference for scband-cheb-net-62663572848803 (READ-ONLY COPY).

The authoritative reference and input builder live on the scoring server;
editing this copy changes nothing except your own understanding.
"""

import jax, jax.numpy as jnp
import numpy as np

N = 10000
E = 320000
D_IN = 128
D_HID = 128
N_CLASSES = 40
K = 3


def setup_inputs(seed: int = 0) -> dict:
    key = jax.random.key(seed)
    ks = jax.random.split(key, 7)
    x = jax.random.normal(ks[0], (N, D_IN), dtype=jnp.float32)
    edge_index = jax.random.randint(ks[1], (2, E), 0, N, dtype=jnp.int32)
    # ChebConv layer 1: K weight matrices [K, in, out] + bias
    W1 = jax.random.normal(ks[2], (K, D_IN, D_HID), dtype=jnp.float32) * 0.05
    b1 = jax.random.normal(ks[3], (D_HID,), dtype=jnp.float32) * 0.05
    # ChebConv layer 2
    W2 = jax.random.normal(ks[4], (K, D_HID, N_CLASSES), dtype=jnp.float32) * 0.05
    b2 = jax.random.normal(ks[5], (N_CLASSES,), dtype=jnp.float32) * 0.05
    return {"x": x, "edge_index": edge_index, "W1": W1, "b1": b1, "W2": W2, "b2": b2}


def _cheb_conv(x, row, col, W, b):
    # Symmetric-normalized scaled Laplacian, lambda_max = 2 (PyG ChebConv default):
    # L_tilde = 2/lambda_max * (I - D^{-1/2} A D^{-1/2}) - I = -D^{-1/2} A D^{-1/2}
    ones = jnp.ones(row.shape, x.dtype)
    deg = jax.ops.segment_sum(ones, row, num_segments=N)
    dis = jnp.where(deg > 0, 1.0 / jnp.sqrt(jnp.where(deg > 0, deg, 1.0)), 0.0)
    w = -dis[row] * dis[col]  # edge weights of L_tilde (diagonal is 0)

    def lap(z):
        return jax.ops.segment_sum(w[:, None] * jnp.take(z, row, axis=0), col, num_segments=N)

    Tx0 = x
    out = Tx0 @ W[0]
    Tx1 = lap(x)
    out = out + Tx1 @ W[1]
    for k in range(2, W.shape[0]):
        Tx2 = 2.0 * lap(Tx1) - Tx0
        out = out + Tx2 @ W[k]
        Tx0, Tx1 = Tx1, Tx2
    return out + b


def reference(x, edge_index, W1, b1, W2, b2):
    row = edge_index[0]
    col = edge_index[1]
    # eval-mode dropout is identity
    h = _cheb_conv(x, row, col, W1, b1)
    h = jax.nn.relu(h)
    h = _cheb_conv(h, row, col, W2, b2)
    return jax.nn.log_softmax(h, axis=1)

if __name__ == "__main__":
    import jax
    _d = setup_inputs()
    print(jax.jit(kernel)(*tuple(_d.values())))

</pallas_src>

<mosaic_0001>
#map = affine_map<(d0, d1) -> (0, 0)>
#map1 = affine_map<(d0, d1) -> (0, 0, 0)>
module attributes {stable_mosaic.version = 14 : i64} {
  func.func @body(%arg0: i32, %arg1: i32, %arg2: memref<10000x128xf32, #tpu.memory_space<hbm>>, %arg3: memref<32x125x80xi32, #tpu.memory_space<hbm>>, %arg4: memref<32x125x80xi32, #tpu.memory_space<hbm>>, %arg5: memref<2x10240x128xf32, #tpu.memory_space<hbm>>, %arg6: memref<125x80xi32, #tpu.memory_space<vmem>>, %arg7: memref<125x80xi32, #tpu.memory_space<vmem>>, %arg8: memref<80x128xf32, #tpu.memory_space<vmem>>, %arg9: memref<10240x128xf32, #tpu.memory_space<vmem_shared>>, %arg10: memref<!tpu.dma_semaphore, #tpu.memory_space<semaphore_mem>>) attributes {dimension_semantics = [#tpu.dimension_semantics<core_parallel>, #tpu.dimension_semantics<subcore_parallel>], iteration_bounds = array<i64: 2, 16>, scalar_prefetch = 0 : i64, scratch_operands = 5 : i64, tpu.core_type = #tpu.core_type<sc_vector_subcore>, window_params = [{transform_indices = #map}, {transform_indices = #map1}, {transform_indices = #map1}, {transform_indices = #map1}]} {
    %mul3A = arith.constant 16 : i32
    %mul3A_0 = arith.muli %arg0, %mul3A : i32
    %add3A = arith.addi %mul3A_0, %arg1 : i32
    %broadcast_in_dim3A = arith.constant 0.000000e+00 : f32
    %broadcast_in_dim3A_1 = vector.broadcast %broadcast_in_dim3A : f32 to vector<16xf32>
    %scan3A = arith.constant 0 : i32
    %scan3A_2 = arith.constant 0 : i32
    %scan3A_3 = arith.constant 640 : i32
    %scan3A_4 = arith.addi %scan3A_2, %scan3A_3 : i32
    %scan3A_5 = arith.constant 1 : i32
    %scan3A_6 = scf.for %scan3A_30 = %scan3A_2 to %scan3A_4 step %scan3A_5 iter_args(%scan3A_31 = %scan3A) -> (i32)  : i32 {
      %jit3A = arith.constant 8 : i32
      %div3A = arith.divsi %scan3A_30, %jit3A : i32
      %sign3A = arith.constant 0 : i32
      %sign3A_32 = arith.cmpi sgt, %scan3A_30, %sign3A : i32
      %sign3A_33 = arith.extui %sign3A_32 : i1 to i32
      %sign3A_34 = arith.constant 0 : i32
      %sign3A_35 = arith.cmpi slt, %scan3A_30, %sign3A_34 : i32
      %sign3A_36 = arith.extui %sign3A_35 : i1 to i32
      %sign3A_37 = arith.subi %sign3A_33, %sign3A_36 : i32
      %sign3A_38 = arith.constant 0 : i32
      %sign3A_39 = arith.cmpi sgt, %jit3A, %sign3A_38 : i32
      %sign3A_40 = arith.extui %sign3A_39 : i1 to i32
      %sign3A_41 = arith.constant 0 : i32
      %sign3A_42 = arith.cmpi slt, %jit3A, %sign3A_41 : i32
      %sign3A_43 = arith.extui %sign3A_42 : i1 to i32
      %sign3A_44 = arith.subi %sign3A_40, %sign3A_43 : i32
      %ne3A = arith.cmpi ne, %sign3A_37, %sign3A_44 : i32
      %rem3A = arith.remsi %scan3A_30, %jit3A : i32
      %ne3A_45 = arith.constant 0 : i32
      %ne3A_46 = arith.cmpi ne, %rem3A, %ne3A_45 : i32
      %and3A = arith.andi %ne3A, %ne3A_46 : i1
      %sub3A = arith.constant 1 : i32
      %sub3A_47 = arith.subi %div3A, %sub3A : i32
      %select_n3A = arith.select %and3A, %sub3A_47, %div3A : i32
      %jit3A_48 = arith.constant 8 : i32
      %eq3A = arith.constant 0 : i32
      %eq3A_49 = arith.cmpi eq, %jit3A_48, %eq3A : i32
      %jit3A_50 = arith.constant 1 : i32
      %select_n3A_51 = arith.select %eq3A_49, %jit3A_50, %jit3A_48 : i32
      %rem3A_52 = arith.remsi %scan3A_30, %select_n3A_51 : i32
      %ne3A_53 = arith.constant 0 : i32
      %ne3A_54 = arith.cmpi ne, %rem3A_52, %ne3A_53 : i32
      %lt3A = arith.constant 0 : i32
      %lt3A_55 = arith.cmpi slt, %rem3A_52, %lt3A : i32
      %lt3A_56 = arith.constant 0 : i32
      %lt3A_57 = arith.cmpi slt, %select_n3A_51, %lt3A_56 : i32
      %ne3A_58 = arith.xori %lt3A_55, %lt3A_57 : i1
      %and3A_59 = arith.andi %ne3A_58, %ne3A_54 : i1
      %add3A_60 = arith.addi %rem3A_52, %select_n3A_51 : i32
      %select_n3A_61 = arith.select %and3A_59, %add3A_60, %rem3A_52 : i32
      %mul3A_62 = arith.constant 16 : i32
      %mul3A_63 = arith.muli %select_n3A_61, %mul3A_62 : i32
      %swap3A = arith.index_cast %select_n3A : i32 to index
      %swap3A_64 = arith.index_cast %mul3A_63 : i32 to index
      %swap3A_65 = tpu.vector_load %arg8[%swap3A, %swap3A_64] {strides = array<i32>} : memref<80x128xf32, #tpu.memory_space<vmem>>, vector<1x16xf32>,
      %swap3A_66 = vector.shape_cast %swap3A_65 : vector<1x16xf32> to vector<16xf32>
      %swap3A_67 = vector.shape_cast %broadcast_in_dim3A_1 : vector<16xf32> to vector<1x16xf32>
      tpu.vector_store %arg8[%swap3A, %swap3A_64], %swap3A_67 {strides = array<i32>} : memref<80x128xf32, #tpu.memory_space<vmem>>, vector<1x16xf32>,
      %scan3A_68 = arith.constant 0 : i32
      scf.yield %scan3A_68 : i32
    }
    %scan3A_7 = arith.constant 640 : i32
    %scan3A_8 = arith.constant 0 : i32
    %scan3A_9 = arith.constant 0 : i32
    %scan3A_10 = arith.constant 8 : i32
    %scan3A_11 = arith.addi %scan3A_9, %scan3A_10 : i32
    %scan3A_12 = arith.constant 1 : i32
    %scan3A_13 = scf.for %scan3A_30 = %scan3A_9 to %scan3A_11 step %scan3A_12 iter_args(%scan3A_31 = %scan3A_8) -> (i32)  : i32 {
      %mul3A_32 = arith.constant 640 : i32
      %mul3A_33 = arith.muli %arg1, %mul3A_32 : i32
      %mul3A_34 = arith.constant 80 : i32
      %mul3A_35 = arith.muli %scan3A_30, %mul3A_34 : i32
      %add3A_36 = arith.addi %mul3A_33, %mul3A_35 : i32
      "tpu.region"() ({
        %run_scoped3A = tpu.sem_alloc : memref<!tpu.dma_semaphore, #tpu.memory_space<semaphore_mem>>
        %dma_start3A = arith.constant 0 : i32
        %dma_start3A_38 = tpu.memref_slice %arg9[%add3A_36, %dma_start3A] : memref<10240x128xf32, #tpu.memory_space<vmem_shared>> -> memref<80x128xf32, #tpu.memory_space<vmem_shared>>
        %dma_start3A_39 = arith.constant 0 : i32
        %dma_start3A_40 = tpu.memref_slice %arg9[%add3A_36, %dma_start3A_39] : memref<10240x128xf32, #tpu.memory_space<vmem_shared>> -> memref<80x128xf32, #tpu.memory_space<vmem_shared>>
        tpu.enqueue_dma source(%arg8 : memref<80x128xf32, #tpu.memory_space<vmem>>) target(%dma_start3A_40 : memref<80x128xf32, #tpu.memory_space<vmem_shared>>) target_semaphore(%run_scoped3A : memref<!tpu.dma_semaphore, #tpu.memory_space<semaphore_mem>>)
        %dma_wait3A = arith.constant 0 : i32
        %dma_wait3A_41 = tpu.memref_slice %arg9[%add3A_36, %dma_wait3A] : memref<10240x128xf32, #tpu.memory_space<vmem_shared>> -> memref<80x128xf32, #tpu.memory_space<vmem_shared>>
        %dma_wait3A_42 = arith.constant 0 : i32
        %dma_wait3A_43 = tpu.memref_slice %arg9[%add3A_36, %dma_wait3A_42] : memref<10240x128xf32, #tpu.memory_space<vmem_shared>> -> memref<80x128xf32, #tpu.memory_space<vmem_shared>>
        tpu.wait_dma2 semaphore(%run_scoped3A : memref<!tpu.dma_semaphore, #tpu.memory_space<semaphore_mem>>) src(%arg8 : memref<80x128xf32, #tpu.memory_space<vmem>>) dst(%dma_wait3A_43 : memref<80x128xf32, #tpu.memory_space<vmem_shared>>)
        tpu.yield
      }) : () -> ()
      %scan3A_37 = arith.constant 0 : i32
      scf.yield %scan3A_37 : i32
    }
    %scan3A_14 = arith.constant 8 : i32
    %barrier3A = arith.constant 0 : index
    tpu.barrier barrier_id(%barrier3A)
    "tpu.region"() ({
      %run_scoped3A = tpu.sem_alloc : memref<!tpu.dma_semaphore, #tpu.memory_space<semaphore_mem>>
      %dma_start3A = arith.constant 0 : i32
      %dma_start3A_30 = arith.constant 0 : i32
      %dma_start3A_31 = tpu.memref_slice %arg3[%add3A, %dma_start3A, %dma_start3A_30] : memref<32x125x80xi32, #tpu.memory_space<hbm>> -> memref<1x125x80xi32, #tpu.memory_space<hbm>>
      %dma_start3A_32 = tpu.memref_squeeze %dma_start3A_31 : memref<1x125x80xi32, #tpu.memory_space<hbm>> -> memref<125x80xi32, #tpu.memory_space<hbm>>
      %dma_start3A_33 = arith.constant 0 : i32
      %dma_start3A_34 = arith.constant 0 : i32
      %dma_start3A_35 = tpu.memref_slice %arg3[%add3A, %dma_start3A_33, %dma_start3A_34] : memref<32x125x80xi32, #tpu.memory_space<hbm>> -> memref<1x125x80xi32, #tpu.memory_space<hbm>>
      %dma_start3A_36 = tpu.memref_squeeze %dma_start3A_35 : memref<1x125x80xi32, #tpu.memory_space<hbm>> -> memref<125x80xi32, #tpu.memory_space<hbm>>
      tpu.enqueue_dma source(%dma_start3A_36 : memref<125x80xi32, #tpu.memory_space<hbm>>) target(%arg6 : memref<125x80xi32, #tpu.memory_space<vmem>>) target_semaphore(%run_scoped3A : memref<!tpu.dma_semaphore, #tpu.memory_space<semaphore_mem>>)
      %dma_wait3A = arith.constant 0 : i32
      %dma_wait3A_37 = arith.constant 0 : i32
      %dma_wait3A_38 = tpu.memref_slice %arg3[%add3A, %dma_wait3A, %dma_wait3A_37] : memref<32x125x80xi32, #tpu.memory_space<hbm>> -> memref<1x125x80xi32, #tpu.memory_space<hbm>>
      %dma_wait3A_39 = tpu.memref_squeeze %dma_wait3A_38 : memref<1x125x80xi32, #tpu.memory_space<hbm>> -> memref<125x80xi32, #tpu.memory_space<hbm>>
      %dma_wait3A_40 = arith.constant 0 : i32
      %dma_wait3A_41 = arith.constant 0 : i32
      %dma_wait3A_42 = tpu.memref_slice %arg3[%add3A, %dma_wait3A_40, %dma_wait3A_41] : memref<32x125x80xi32, #tpu.memory_space<hbm>> -> memref<1x125x80xi32, #tpu.memory_space<hbm>>
      %dma_wait3A_43 = tpu.memref_squeeze %dma_wait3A_42 : memref<1x125x80xi32, #tpu.memory_space<hbm>> -> memref<125x80xi32, #tpu.memory_space<hbm>>
      tpu.wait_dma2 semaphore(%run_scoped3A : memref<!tpu.dma_semaphore, #tpu.memory_space<semaphore_mem>>) src(%dma_wait3A_43 : memref<125x80xi32, #tpu.memory_space<hbm>>) dst(%arg6 : memref<125x80xi32, #tpu.memory_space<vmem>>)
      tpu.yield
    }) : () -> ()
    "tpu.region"() ({
      %run_scoped3A = tpu.sem_alloc : memref<!tpu.dma_semaphore, #tpu.memory_space<semaphore_mem>>
      %dma_start3A = arith.constant 0 : i32
      %dma_start3A_30 = arith.constant 0 : i32
      %dma_start3A_31 = tpu.memref_slice %arg4[%add3A, %dma_start3A, %dma_start3A_30] : memref<32x125x80xi32, #tpu.memory_space<hbm>> -> memref<1x125x80xi32, #tpu.memory_space<hbm>>
      %dma_start3A_32 = tpu.memref_squeeze %dma_start3A_31 : memref<1x125x80xi32, #tpu.memory_space<hbm>> -> memref<125x80xi32, #tpu.memory_space<hbm>>
      %dma_start3A_33 = arith.constant 0 : i32
      %dma_start3A_34 = arith.constant 0 : i32
      %dma_start3A_35 = tpu.memref_slice %arg4[%add3A, %dma_start3A_33, %dma_start3A_34] : memref<32x125x80xi32, #tpu.memory_space<hbm>> -> memref<1x125x80xi32, #tpu.memory_space<hbm>>
      %dma_start3A_36 = tpu.memref_squeeze %dma_start3A_35 : memref<1x125x80xi32, #tpu.memory_space<hbm>> -> memref<125x80xi32, #tpu.memory_space<hbm>>
      tpu.enqueue_dma source(%dma_start3A_36 : memref<125x80xi32, #tpu.memory_space<hbm>>) target(%arg7 : memref<125x80xi32, #tpu.memory_space<vmem>>) target_semaphore(%run_scoped3A : memref<!tpu.dma_semaphore, #tpu.memory_space<semaphore_mem>>)
      %dma_wait3A = arith.constant 0 : i32
      %dma_wait3A_37 = arith.constant 0 : i32
      %dma_wait3A_38 = tpu.memref_slice %arg4[%add3A, %dma_wait3A, %dma_wait3A_37] : memref<32x125x80xi32, #tpu.memory_space<hbm>> -> memref<1x125x80xi32, #tpu.memory_space<hbm>>
      %dma_wait3A_39 = tpu.memref_squeeze %dma_wait3A_38 : memref<1x125x80xi32, #tpu.memory_space<hbm>> -> memref<125x80xi32, #tpu.memory_space<hbm>>
      %dma_wait3A_40 = arith.constant 0 : i32
      %dma_wait3A_41 = arith.constant 0 : i32
      %dma_wait3A_42 = tpu.memref_slice %arg4[%add3A, %dma_wait3A_40, %dma_wait3A_41] : memref<32x125x80xi32, #tpu.memory_space<hbm>> -> memref<1x125x80xi32, #tpu.memory_space<hbm>>
      %dma_wait3A_43 = tpu.memref_squeeze %dma_wait3A_42 : memref<1x125x80xi32, #tpu.memory_space<hbm>> -> memref<125x80xi32, #tpu.memory_space<hbm>>
      tpu.wait_dma2 semaphore(%run_scoped3A : memref<!tpu.dma_semaphore, #tpu.memory_space<semaphore_mem>>) src(%dma_wait3A_43 : memref<125x80xi32, #tpu.memory_space<hbm>>) dst(%arg7 : memref<125x80xi32, #tpu.memory_space<vmem>>)
      tpu.yield
    }) : () -> ()
    %scan3A_15 = arith.constant 0 : i32
    %scan3A_16 = arith.constant 0 : i32
    %scan3A_17 = arith.constant 125 : i32
    %scan3A_18 = arith.addi %scan3A_16, %scan3A_17 : i32
    %scan3A_19 = arith.constant 1 : i32
    %scan3A_20 = scf.for %scan3A_30 = %scan3A_16 to %scan3A_18 step %scan3A_19 iter_args(%scan3A_31 = %scan3A_15) -> (i32)  : i32 {
      %dma_start3A = arith.constant 0 : i32
      %dma_start3A_32 = tpu.memref_slice %arg6[%scan3A_30, %dma_start3A] : memref<125x80xi32, #tpu.memory_space<vmem>> -> memref<1x80xi32, #tpu.memory_space<vmem>>
      %dma_start3A_33 = tpu.memref_squeeze %dma_start3A_32 : memref<1x80xi32, #tpu.memory_space<vmem>> -> memref<80xi32, #tpu.memory_space<vmem>>
      %dma_start3A_34 = arith.constant 0 : i32
      %dma_start3A_35 = arith.constant 0 : i32
      %dma_start3A_36 = tpu.memref_slice %arg2[%dma_start3A_34, %dma_start3A_35] : memref<10000x128xf32, #tpu.memory_space<hbm>> -> memref<10000x128xf32, #tpu.memory_space<hbm>>
      tpu.enqueue_indirect_dma source(%dma_start3A_36 : memref<10000x128xf32, #tpu.memory_space<hbm>>) target(%arg8 : memref<80x128xf32, #tpu.memory_space<vmem>>) offsets(%dma_start3A_33 : memref<80xi32, #tpu.memory_space<vmem>>) semaphore(%arg10 : memref<!tpu.dma_semaphore, #tpu.memory_space<semaphore_mem>>)
      %dma_wait3A = arith.constant 0 : i32
      %dma_wait3A_37 = tpu.memref_slice %arg6[%scan3A_30, %dma_wait3A] : memref<125x80xi32, #tpu.memory_space<vmem>> -> memref<1x80xi32, #tpu.memory_space<vmem>>
      %dma_wait3A_38 = tpu.memref_squeeze %dma_wait3A_37 : memref<1x80xi32, #tpu.memory_space<vmem>> -> memref<80xi32, #tpu.memory_space<vmem>>
      %dma_wait3A_39 = arith.constant 0 : i32
      %dma_wait3A_40 = arith.constant 0 : i32
      %dma_wait3A_41 = tpu.memref_slice %arg2[%dma_wait3A_39, %dma_wait3A_40] : memref<10000x128xf32, #tpu.memory_space<hbm>> -> memref<10000x128xf32, #tpu.memory_space<hbm>>
      tpu.wait_indirect_dma semaphore(%arg10 : memref<!tpu.dma_semaphore, #tpu.memory_space<semaphore_mem>>) src(%dma_wait3A_41 : memref<10000x128xf32, #tpu.memory_space<hbm>>) dst(%arg8 : memref<80x128xf32, #tpu.memory_space<vmem>>)
      "tpu.region"() ({
        %run_scoped3A = tpu.sem_alloc : memref<!tpu.dma_semaphore, #tpu.memory_space<semaphore_mem>>
        %dma_start3A_43 = arith.constant 0 : i32
        %dma_start3A_44 = tpu.memref_slice %arg7[%scan3A_30, %dma_start3A_43] : memref<125x80xi32, #tpu.memory_space<vmem>> -> memref<1x80xi32, #tpu.memory_space<vmem>>
        %dma_start3A_45 = tpu.memref_squeeze %dma_start3A_44 : memref<1x80xi32, #tpu.memory_space<vmem>> -> memref<80xi32, #tpu.memory_space<vmem>>
        %dma_start3A_46 = arith.constant 0 : i32
        %dma_start3A_47 = arith.constant 0 : i32
        %dma_start3A_48 = tpu.memref_slice %arg9[%dma_start3A_46, %dma_start3A_47] : memref<10240x128xf32, #tpu.memory_space<vmem_shared>> -> memref<10240x128xf32, #tpu.memory_space<vmem_shared>>
        tpu.enqueue_indirect_dma source(%arg8 : memref<80x128xf32, #tpu.memory_space<vmem>>) target(%dma_start3A_48 : memref<10240x128xf32, #tpu.memory_space<vmem_shared>>) offsets(%dma_start3A_45 : memref<80xi32, #tpu.memory_space<vmem>>) semaphore(%run_scoped3A : memref<!tpu.dma_semaphore, #tpu.memory_space<semaphore_mem>>) {add = true}
        %dma_wait3A_49 = arith.constant 0 : i32
        %dma_wait3A_50 = tpu.memref_slice %arg7[%scan3A_30, %dma_wait3A_49] : memref<125x80xi32, #tpu.memory_space<vmem>> -> memref<1x80xi32, #tpu.memory_space<vmem>>
        %dma_wait3A_51 = tpu.memref_squeeze %dma_wait3A_50 : memref<1x80xi32, #tpu.memory_space<vmem>> -> memref<80xi32, #tpu.memory_space<vmem>>
        %dma_wait3A_52 = arith.constant 0 : i32
        %dma_wait3A_53 = arith.constant 0 : i32
        %dma_wait3A_54 = tpu.memref_slice %arg9[%dma_wait3A_52, %dma_wait3A_53] : memref<10240x128xf32, #tpu.memory_space<vmem_shared>> -> memref<10240x128xf32, #tpu.memory_space<vmem_shared>>
        tpu.wait_indirect_dma semaphore(%run_scoped3A : memref<!tpu.dma_semaphore, #tpu.memory_space<semaphore_mem>>) src(%arg8 : memref<80x128xf32, #tpu.memory_space<vmem>>) dst(%dma_wait3A_54 : memref<10240x128xf32, #tpu.memory_space<vmem_shared>>)
        tpu.yield
      }) : () -> ()
      %scan3A_42 = arith.constant 0 : i32
      scf.yield %scan3A_42 : i32
    }
    %scan3A_21 = arith.constant 125 : i32
    %barrier3A_22 = arith.constant 0 : index
    tpu.barrier barrier_id(%barrier3A_22)
    %scan3A_23 = arith.constant 0 : i32
    %scan3A_24 = arith.constant 0 : i32
    %scan3A_25 = arith.constant 8 : i32
    %scan3A_26 = arith.addi %scan3A_24, %scan3A_25 : i32
    %scan3A_27 = arith.constant 1 : i32
    %scan3A_28 = scf.for %scan3A_30 = %scan3A_24 to %scan3A_26 step %scan3A_27 iter_args(%scan3A_31 = %scan3A_23) -> (i32)  : i32 {
      %mul3A_32 = arith.constant 640 : i32
      %mul3A_33 = arith.muli %arg1, %mul3A_32 : i32
      %mul3A_34 = arith.constant 80 : i32
      %mul3A_35 = arith.muli %scan3A_30, %mul3A_34 : i32
      %add3A_36 = arith.addi %mul3A_33, %mul3A_35 : i32
      "tpu.region"() ({
        %run_scoped3A = tpu.sem_alloc : memref<!tpu.dma_semaphore, #tpu.memory_space<semaphore_mem>>
        %dma_start3A = arith.constant 0 : i32
        %dma_start3A_38 = tpu.memref_slice %arg9[%add3A_36, %dma_start3A] : memref<10240x128xf32, #tpu.memory_space<vmem_shared>> -> memref<80x128xf32, #tpu.memory_space<vmem_shared>>
        %dma_start3A_39 = arith.constant 0 : i32
        %dma_start3A_40 = tpu.memref_slice %arg9[%add3A_36, %dma_start3A_39] : memref<10240x128xf32, #tpu.memory_space<vmem_shared>> -> memref<80x128xf32, #tpu.memory_space<vmem_shared>>
        tpu.enqueue_dma source(%dma_start3A_40 : memref<80x128xf32, #tpu.memory_space<vmem_shared>>) target(%arg8 : memref<80x128xf32, #tpu.memory_space<vmem>>) target_semaphore(%run_scoped3A : memref<!tpu.dma_semaphore, #tpu.memory_space<semaphore_mem>>)
        %dma_wait3A = arith.constant 0 : i32
        %dma_wait3A_41 = tpu.memref_slice %arg9[%add3A_36, %dma_wait3A] : memref<10240x128xf32, #tpu.memory_space<vmem_shared>> -> memref<80x128xf32, #tpu.memory_space<vmem_shared>>
        %dma_wait3A_42 = arith.constant 0 : i32
        %dma_wait3A_43 = tpu.memref_slice %arg9[%add3A_36, %dma_wait3A_42] : memref<10240x128xf32, #tpu.memory_space<vmem_shared>> -> memref<80x128xf32, #tpu.memory_space<vmem_shared>>
        tpu.wait_dma2 semaphore(%run_scoped3A : memref<!tpu.dma_semaphore, #tpu.memory_space<semaphore_mem>>) src(%dma_wait3A_43 : memref<80x128xf32, #tpu.memory_space<vmem_shared>>) dst(%arg8 : memref<80x128xf32, #tpu.memory_space<vmem>>)
        tpu.yield
      }) : () -> ()
      "tpu.region"() ({
        %run_scoped3A = tpu.sem_alloc : memref<!tpu.dma_semaphore, #tpu.memory_space<semaphore_mem>>
        %dma_start3A = arith.constant 0 : i32
        %dma_start3A_38 = tpu.memref_slice %arg5[%arg0, %add3A_36, %dma_start3A] : memref<2x10240x128xf32, #tpu.memory_space<hbm>> -> memref<1x80x128xf32, #tpu.memory_space<hbm>>
        %dma_start3A_39 = tpu.memref_squeeze %dma_start3A_38 : memref<1x80x128xf32, #tpu.memory_space<hbm>> -> memref<80x128xf32, #tpu.memory_space<hbm>>
        %dma_start3A_40 = arith.constant 0 : i32
        %dma_start3A_41 = tpu.memref_slice %arg5[%arg0, %add3A_36, %dma_start3A_40] : memref<2x10240x128xf32, #tpu.memory_space<hbm>> -> memref<1x80x128xf32, #tpu.memory_space<hbm>>
        %dma_start3A_42 = tpu.memref_squeeze %dma_start3A_41 : memref<1x80x128xf32, #tpu.memory_space<hbm>> -> memref<80x128xf32, #tpu.memory_space<hbm>>
        tpu.enqueue_dma source(%arg8 : memref<80x128xf32, #tpu.memory_space<vmem>>) target(%dma_start3A_42 : memref<80x128xf32, #tpu.memory_space<hbm>>) target_semaphore(%run_scoped3A : memref<!tpu.dma_semaphore, #tpu.memory_space<semaphore_mem>>)
        %dma_wait3A = arith.constant 0 : i32
        %dma_wait3A_43 = tpu.memref_slice %arg5[%arg0, %add3A_36, %dma_wait3A] : memref<2x10240x128xf32, #tpu.memory_space<hbm>> -> memref<1x80x128xf32, #tpu.memory_space<hbm>>
        %dma_wait3A_44 = tpu.memref_squeeze %dma_wait3A_43 : memref<1x80x128xf32, #tpu.memory_space<hbm>> -> memref<80x128xf32, #tpu.memory_space<hbm>>
        %dma_wait3A_45 = arith.constant 0 : i32
        %dma_wait3A_46 = tpu.memref_slice %arg5[%arg0, %add3A_36, %dma_wait3A_45] : memref<2x10240x128xf32, #tpu.memory_space<hbm>> -> memref<1x80x128xf32, #tpu.memory_space<hbm>>
        %dma_wait3A_47 = tpu.memref_squeeze %dma_wait3A_46 : memref<1x80x128xf32, #tpu.memory_space<hbm>> -> memref<80x128xf32, #tpu.memory_space<hbm>>
        tpu.wait_dma2 semaphore(%run_scoped3A : memref<!tpu.dma_semaphore, #tpu.memory_space<semaphore_mem>>) src(%arg8 : memref<80x128xf32, #tpu.memory_space<vmem>>) dst(%dma_wait3A_47 : memref<80x128xf32, #tpu.memory_space<hbm>>)
        tpu.yield
      }) : () -> ()
      %scan3A_37 = arith.constant 0 : i32
      scf.yield %scan3A_37 : i32
    }
    %scan3A_29 = arith.constant 8 : i32
    return
  }
}

#map = affine_map<(d0, d1) -> (0, 0)>
#map1 = affine_map<(d0, d1) -> (0, 0, 0)>
module attributes {stable_mosaic.version = 14 : i64} {
  func.func @body(%arg0: i32, %arg1: i32, %arg2: memref<8x128xf32, #tpu.memory_space<hbm>>, %arg3: memref<32x125x80xi32, #tpu.memory_space<hbm>>, %arg4: memref<32x125x80xi32, #tpu.memory_space<hbm>>, %arg5: memref<2x10240x128xf32, #tpu.memory_space<hbm>>, %arg6: memref<125x80xi32, #tpu.memory_space<vmem>>, %arg7: memref<125x80xi32, #tpu.memory_space<vmem>>, %arg8: memref<80x128xf32, #tpu.memory_space<vmem>>, %arg9: memref<10240x128xf32, #tpu.memory_space<vmem_shared>>, %arg10: memref<!tpu.dma_semaphore, #tpu.memory_space<semaphore_mem>>) attributes {dimension_semantics = [#tpu.dimension_semantics<core_parallel>, #tpu.dimension_semantics<subcore_parallel>], iteration_bounds = array<i64: 2, 16>, scalar_prefetch = 0 : i64, scratch_operands = 5 : i64, tpu.core_type = #tpu.core_type<sc_vector_subcore>, window_params = [{transform_indices = #map}, {transform_indices = #map1}, {transform_indices = #map1}, {transform_indices = #map1}]} {
    %mul3A = arith.constant 16 : i32
    %mul3A_0 = arith.muli %arg0, %mul3A : i32
    %add3A = arith.addi %mul3A_0, %arg1 : i32
    %broadcast_in_dim3A = arith.constant 0.000000e+00 : f32
    %broadcast_in_dim3A_1 = vector.broadcast %broadcast_in_dim3A : f32 to vector<16xf32>
    %scan3A = arith.constant 0 : i32
    %scan3A_2 = arith.constant 0 : i32
    %scan3A_3 = arith.constant 640 : i32
    %scan3A_4 = arith.addi %scan3A_2, %scan3A_3 : i32
    %scan3A_5 = arith.constant 1 : i32
    %scan3A_6 = scf.for %scan3A_30 = %scan3A_2 to %scan3A_4 step %scan3A_5 iter_args(%scan3A_31 = %scan3A) -> (i32)  : i32 {
      %jit3A = arith.constant 8 : i32
      %div3A = arith.divsi %scan3A_30, %jit3A : i32
      %sign3A = arith.constant 0 : i32
      %sign3A_32 = arith.cmpi sgt, %scan3A_30, %sign3A : i32
      %sign3A_33 = arith.extui %sign3A_32 : i1 to i32
      %sign3A_34 = arith.constant 0 : i32
      %sign3A_35 = arith.cmpi slt, %scan3A_30, %sign3A_34 : i32
      %sign3A_36 = arith.extui %sign3A_35 : i1 to i32
      %sign3A_37 = arith.subi %sign3A_33, %sign3A_36 : i32
      %sign3A_38 = arith.constant 0 : i32
      %sign3A_39 = arith.cmpi sgt, %jit3A, %sign3A_38 : i32
      %sign3A_40 = arith.extui %sign3A_39 : i1 to i32
      %sign3A_41 = arith.constant 0 : i32
      %sign3A_42 = arith.cmpi slt, %jit3A, %sign3A_41 : i32
      %sign3A_43 = arith.extui %sign3A_42 : i1 to i32
      %sign3A_44 = arith.subi %sign3A_40, %sign3A_43 : i32
      %ne3A = arith.cmpi ne, %sign3A_37, %sign3A_44 : i32
      %rem3A = arith.remsi %scan3A_30, %jit3A : i32
      %ne3A_45 = arith.constant 0 : i32
      %ne3A_46 = arith.cmpi ne, %rem3A, %ne3A_45 : i32
      %and3A = arith.andi %ne3A, %ne3A_46 : i1
      %sub3A = arith.constant 1 : i32
      %sub3A_47 = arith.subi %div3A, %sub3A : i32
      %select_n3A = arith.select %and3A, %sub3A_47, %div3A : i32
      %jit3A_48 = arith.constant 8 : i32
      %eq3A = arith.constant 0 : i32
      %eq3A_49 = arith.cmpi eq, %jit3A_48, %eq3A : i32
      %jit3A_50 = arith.constant 1 : i32
      %select_n3A_51 = arith.select %eq3A_49, %jit3A_50, %jit3A_48 : i32
      %rem3A_52 = arith.remsi %scan3A_30, %select_n3A_51 : i32
      %ne3A_53 = arith.constant 0 : i32
      %ne3A_54 = arith.cmpi ne, %rem3A_52, %ne3A_53 : i32
      %lt3A = arith.constant 0 : i32
      %lt3A_55 = arith.cmpi slt, %rem3A_52, %lt3A : i32
      %lt3A_56 = arith.constant 0 : i32
      %lt3A_57 = arith.cmpi slt, %select_n3A_51, %lt3A_56 : i32
      %ne3A_58 = arith.xori %lt3A_55, %lt3A_57 : i1
      %and3A_59 = arith.andi %ne3A_58, %ne3A_54 : i1
      %add3A_60 = arith.addi %rem3A_52, %select_n3A_51 : i32
      %select_n3A_61 = arith.select %and3A_59, %add3A_60, %rem3A_52 : i32
      %mul3A_62 = arith.constant 16 : i32
      %mul3A_63 = arith.muli %select_n3A_61, %mul3A_62 : i32
      %swap3A = arith.index_cast %select_n3A : i32 to index
      %swap3A_64 = arith.index_cast %mul3A_63 : i32 to index
      %swap3A_65 = tpu.vector_load %arg8[%swap3A, %swap3A_64] {strides = array<i32>} : memref<80x128xf32, #tpu.memory_space<vmem>>, vector<1x16xf32>,
      %swap3A_66 = vector.shape_cast %swap3A_65 : vector<1x16xf32> to vector<16xf32>
      %swap3A_67 = vector.shape_cast %broadcast_in_dim3A_1 : vector<16xf32> to vector<1x16xf32>
      tpu.vector_store %arg8[%swap3A, %swap3A_64], %swap3A_67 {strides = array<i32>} : memref<80x128xf32, #tpu.memory_space<vmem>>, vector<1x16xf32>,
      %scan3A_68 = arith.constant 0 : i32
      scf.yield %scan3A_68 : i32
    }
    %scan3A_7 = arith.constant 640 : i32
    %scan3A_8 = arith.constant 0 : i32
    %scan3A_9 = arith.constant 0 : i32
    %scan3A_10 = arith.constant 8 : i32
    %scan3A_11 = arith.addi %scan3A_9, %scan3A_10 : i32
    %scan3A_12 = arith.constant 1 : i32
    %scan3A_13 = scf.for %scan3A_30 = %scan3A_9 to %scan3A_11 step %scan3A_12 iter_args(%scan3A_31 = %scan3A_8) -> (i32)  : i32 {
      %mul3A_32 = arith.constant 640 : i32
      %mul3A_33 = arith.muli %arg1, %mul3A_32 : i32
      %mul3A_34 = arith.constant 80 : i32
      %mul3A_35 = arith.muli %scan3A_30, %mul3A_34 : i32
      %add3A_36 = arith.addi %mul3A_33, %mul3A_35 : i32
      "tpu.region"() ({
        %run_scoped3A = tpu.sem_alloc : memref<!tpu.dma_semaphore, #tpu.memory_space<semaphore_mem>>
        %dma_start3A = arith.constant 0 : i32
        %dma_start3A_38 = tpu.memref_slice %arg9[%add3A_36, %dma_start3A] : memref<10240x128xf32, #tpu.memory_space<vmem_shared>> -> memref<80x128xf32, #tpu.memory_space<vmem_shared>>
        %dma_start3A_39 = arith.constant 0 : i32
        %dma_start3A_40 = tpu.memref_slice %arg9[%add3A_36, %dma_start3A_39] : memref<10240x128xf32, #tpu.memory_space<vmem_shared>> -> memref<80x128xf32, #tpu.memory_space<vmem_shared>>
        tpu.enqueue_dma source(%arg8 : memref<80x128xf32, #tpu.memory_space<vmem>>) target(%dma_start3A_40 : memref<80x128xf32, #tpu.memory_space<vmem_shared>>) target_semaphore(%run_scoped3A : memref<!tpu.dma_semaphore, #tpu.memory_space<semaphore_mem>>)
        %dma_wait3A = arith.constant 0 : i32
        %dma_wait3A_41 = tpu.memref_slice %arg9[%add3A_36, %dma_wait3A] : memref<10240x128xf32, #tpu.memory_space<vmem_shared>> -> memref<80x128xf32, #tpu.memory_space<vmem_shared>>
        %dma_wait3A_42 = arith.constant 0 : i32
        %dma_wait3A_43 = tpu.memref_slice %arg9[%add3A_36, %dma_wait3A_42] : memref<10240x128xf32, #tpu.memory_space<vmem_shared>> -> memref<80x128xf32, #tpu.memory_space<vmem_shared>>
        tpu.wait_dma2 semaphore(%run_scoped3A : memref<!tpu.dma_semaphore, #tpu.memory_space<semaphore_mem>>) src(%arg8 : memref<80x128xf32, #tpu.memory_space<vmem>>) dst(%dma_wait3A_43 : memref<80x128xf32, #tpu.memory_space<vmem_shared>>)
        tpu.yield
      }) : () -> ()
      %scan3A_37 = arith.constant 0 : i32
      scf.yield %scan3A_37 : i32
    }
    %scan3A_14 = arith.constant 8 : i32
    %barrier3A = arith.constant 0 : index
    tpu.barrier barrier_id(%barrier3A)
    "tpu.region"() ({
      %run_scoped3A = tpu.sem_alloc : memref<!tpu.dma_semaphore, #tpu.memory_space<semaphore_mem>>
      %dma_start3A = arith.constant 0 : i32
      %dma_start3A_30 = arith.constant 0 : i32
      %dma_start3A_31 = tpu.memref_slice %arg3[%add3A, %dma_start3A, %dma_start3A_30] : memref<32x125x80xi32, #tpu.memory_space<hbm>> -> memref<1x125x80xi32, #tpu.memory_space<hbm>>
      %dma_start3A_32 = tpu.memref_squeeze %dma_start3A_31 : memref<1x125x80xi32, #tpu.memory_space<hbm>> -> memref<125x80xi32, #tpu.memory_space<hbm>>
      %dma_start3A_33 = arith.constant 0 : i32
      %dma_start3A_34 = arith.constant 0 : i32
      %dma_start3A_35 = tpu.memref_slice %arg3[%add3A, %dma_start3A_33, %dma_start3A_34] : memref<32x125x80xi32, #tpu.memory_space<hbm>> -> memref<1x125x80xi32, #tpu.memory_space<hbm>>
      %dma_start3A_36 = tpu.memref_squeeze %dma_start3A_35 : memref<1x125x80xi32, #tpu.memory_space<hbm>> -> memref<125x80xi32, #tpu.memory_space<hbm>>
      tpu.enqueue_dma source(%dma_start3A_36 : memref<125x80xi32, #tpu.memory_space<hbm>>) target(%arg6 : memref<125x80xi32, #tpu.memory_space<vmem>>) target_semaphore(%run_scoped3A : memref<!tpu.dma_semaphore, #tpu.memory_space<semaphore_mem>>)
      %dma_wait3A = arith.constant 0 : i32
      %dma_wait3A_37 = arith.constant 0 : i32
      %dma_wait3A_38 = tpu.memref_slice %arg3[%add3A, %dma_wait3A, %dma_wait3A_37] : memref<32x125x80xi32, #tpu.memory_space<hbm>> -> memref<1x125x80xi32, #tpu.memory_space<hbm>>
      %dma_wait3A_39 = tpu.memref_squeeze %dma_wait3A_38 : memref<1x125x80xi32, #tpu.memory_space<hbm>> -> memref<125x80xi32, #tpu.memory_space<hbm>>
      %dma_wait3A_40 = arith.constant 0 : i32
      %dma_wait3A_41 = arith.constant 0 : i32
      %dma_wait3A_42 = tpu.memref_slice %arg3[%add3A, %dma_wait3A_40, %dma_wait3A_41] : memref<32x125x80xi32, #tpu.memory_space<hbm>> -> memref<1x125x80xi32, #tpu.memory_space<hbm>>
      %dma_wait3A_43 = tpu.memref_squeeze %dma_wait3A_42 : memref<1x125x80xi32, #tpu.memory_space<hbm>> -> memref<125x80xi32, #tpu.memory_space<hbm>>
      tpu.wait_dma2 semaphore(%run_scoped3A : memref<!tpu.dma_semaphore, #tpu.memory_space<semaphore_mem>>) src(%dma_wait3A_43 : memref<125x80xi32, #tpu.memory_space<hbm>>) dst(%arg6 : memref<125x80xi32, #tpu.memory_space<vmem>>)
      tpu.yield
    }) : () -> ()
    "tpu.region"() ({
      %run_scoped3A = tpu.sem_alloc : memref<!tpu.dma_semaphore, #tpu.memory_space<semaphore_mem>>
      %dma_start3A = arith.constant 0 : i32
      %dma_start3A_30 = arith.constant 0 : i32
      %dma_start3A_31 = tpu.memref_slice %arg4[%add3A, %dma_start3A, %dma_start3A_30] : memref<32x125x80xi32, #tpu.memory_space<hbm>> -> memref<1x125x80xi32, #tpu.memory_space<hbm>>
      %dma_start3A_32 = tpu.memref_squeeze %dma_start3A_31 : memref<1x125x80xi32, #tpu.memory_space<hbm>> -> memref<125x80xi32, #tpu.memory_space<hbm>>
      %dma_start3A_33 = arith.constant 0 : i32
      %dma_start3A_34 = arith.constant 0 : i32
      %dma_start3A_35 = tpu.memref_slice %arg4[%add3A, %dma_start3A_33, %dma_start3A_34] : memref<32x125x80xi32, #tpu.memory_space<hbm>> -> memref<1x125x80xi32, #tpu.memory_space<hbm>>
      %dma_start3A_36 = tpu.memref_squeeze %dma_start3A_35 : memref<1x125x80xi32, #tpu.memory_space<hbm>> -> memref<125x80xi32, #tpu.memory_space<hbm>>
      tpu.enqueue_dma source(%dma_start3A_36 : memref<125x80xi32, #tpu.memory_space<hbm>>) target(%arg7 : memref<125x80xi32, #tpu.memory_space<vmem>>) target_semaphore(%run_scoped3A : memref<!tpu.dma_semaphore, #tpu.memory_space<semaphore_mem>>)
      %dma_wait3A = arith.constant 0 : i32
      %dma_wait3A_37 = arith.constant 0 : i32
      %dma_wait3A_38 = tpu.memref_slice %arg4[%add3A, %dma_wait3A, %dma_wait3A_37] : memref<32x125x80xi32, #tpu.memory_space<hbm>> -> memref<1x125x80xi32, #tpu.memory_space<hbm>>
      %dma_wait3A_39 = tpu.memref_squeeze %dma_wait3A_38 : memref<1x125x80xi32, #tpu.memory_space<hbm>> -> memref<125x80xi32, #tpu.memory_space<hbm>>
      %dma_wait3A_40 = arith.constant 0 : i32
      %dma_wait3A_41 = arith.constant 0 : i32
      %dma_wait3A_42 = tpu.memref_slice %arg4[%add3A, %dma_wait3A_40, %dma_wait3A_41] : memref<32x125x80xi32, #tpu.memory_space<hbm>> -> memref<1x125x80xi32, #tpu.memory_space<hbm>>
      %dma_wait3A_43 = tpu.memref_squeeze %dma_wait3A_42 : memref<1x125x80xi32, #tpu.memory_space<hbm>> -> memref<125x80xi32, #tpu.memory_space<hbm>>
      tpu.wait_dma2 semaphore(%run_scoped3A : memref<!tpu.dma_semaphore, #tpu.memory_space<semaphore_mem>>) src(%dma_wait3A_43 : memref<125x80xi32, #tpu.memory_space<hbm>>) dst(%arg7 : memref<125x80xi32, #tpu.memory_space<vmem>>)
      tpu.yield
    }) : () -> ()
    %scan3A_15 = arith.constant 0 : i32
    %scan3A_16 = arith.constant 0 : i32
    %scan3A_17 = arith.constant 125 : i32
    %scan3A_18 = arith.addi %scan3A_16, %scan3A_17 : i32
    %scan3A_19 = arith.constant 1 : i32
    %scan3A_20 = scf.for %scan3A_30 = %scan3A_16 to %scan3A_18 step %scan3A_19 iter_args(%scan3A_31 = %scan3A_15) -> (i32)  : i32 {
      %dma_start3A = arith.constant 0 : i32
      %dma_start3A_32 = tpu.memref_slice %arg6[%scan3A_30, %dma_start3A] : memref<125x80xi32, #tpu.memory_space<vmem>> -> memref<1x80xi32, #tpu.memory_space<vmem>>
      %dma_start3A_33 = tpu.memref_squeeze %dma_start3A_32 : memref<1x80xi32, #tpu.memory_space<vmem>> -> memref<80xi32, #tpu.memory_space<vmem>>
      %dma_start3A_34 = arith.constant 0 : i32
      %dma_start3A_35 = arith.constant 0 : i32
      %dma_start3A_36 = tpu.memref_slice %arg2[%dma_start3A_34, %dma_start3A_35] : memref<8x128xf32, #tpu.memory_space<hbm>> -> memref<8x128xf32, #tpu.memory_space<hbm>>
      tpu.enqueue_indirect_dma source(%dma_start3A_36 : memref<8x128xf32, #tpu.memory_space<hbm>>) target(%arg8 : memref<80x128xf32, #tpu.memory_space<vmem>>) offsets(%dma_start3A_33 : memref<80xi32, #tpu.memory_space<vmem>>) semaphore(%arg10 : memref<!tpu.dma_semaphore, #tpu.memory_space<semaphore_mem>>)
      %dma_wait3A = arith.constant 0 : i32
      %dma_wait3A_37 = tpu.memref_slice %arg6[%scan3A_30, %dma_wait3A] : memref<125x80xi32, #tpu.memory_space<vmem>> -> memref<1x80xi32, #tpu.memory_space<vmem>>
      %dma_wait3A_38 = tpu.memref_squeeze %dma_wait3A_37 : memref<1x80xi32, #tpu.memory_space<vmem>> -> memref<80xi32, #tpu.memory_space<vmem>>
      %dma_wait3A_39 = arith.constant 0 : i32
      %dma_wait3A_40 = arith.constant 0 : i32
      %dma_wait3A_41 = tpu.memref_slice %arg2[%dma_wait3A_39, %dma_wait3A_40] : memref<8x128xf32, #tpu.memory_space<hbm>> -> memref<8x128xf32, #tpu.memory_space<hbm>>
      tpu.wait_indirect_dma semaphore(%arg10 : memref<!tpu.dma_semaphore, #tpu.memory_space<semaphore_mem>>) src(%dma_wait3A_41 : memref<8x128xf32, #tpu.memory_space<hbm>>) dst(%arg8 : memref<80x128xf32, #tpu.memory_space<vmem>>)
      "tpu.region"() ({
        %run_scoped3A = tpu.sem_alloc : memref<!tpu.dma_semaphore, #tpu.memory_space<semaphore_mem>>
        %dma_start3A_43 = arith.constant 0 : i32
        %dma_start3A_44 = tpu.memref_slice %arg7[%scan3A_30, %dma_start3A_43] : memref<125x80xi32, #tpu.memory_space<vmem>> -> memref<1x80xi32, #tpu.memory_space<vmem>>
        %dma_start3A_45 = tpu.memref_squeeze %dma_start3A_44 : memref<1x80xi32, #tpu.memory_space<vmem>> -> memref<80xi32, #tpu.memory_space<vmem>>
        %dma_start3A_46 = arith.constant 0 : i32
        %dma_start3A_47 = arith.constant 0 : i32
        %dma_start3A_48 = tpu.memref_slice %arg9[%dma_start3A_46, %dma_start3A_47] : memref<10240x128xf32, #tpu.memory_space<vmem_shared>> -> memref<10240x128xf32, #tpu.memory_space<vmem_shared>>
        tpu.enqueue_indirect_dma source(%arg8 : memref<80x128xf32, #tpu.memory_space<vmem>>) target(%dma_start3A_48 : memref<10240x128xf32, #tpu.memory_space<vmem_shared>>) offsets(%dma_start3A_45 : memref<80xi32, #tpu.memory_space<vmem>>) semaphore(%run_scoped3A : memref<!tpu.dma_semaphore, #tpu.memory_space<semaphore_mem>>) {add = true}
        %dma_wait3A_49 = arith.constant 0 : i32
        %dma_wait3A_50 = tpu.memref_slice %arg7[%scan3A_30, %dma_wait3A_49] : memref<125x80xi32, #tpu.memory_space<vmem>> -> memref<1x80xi32, #tpu.memory_space<vmem>>
        %dma_wait3A_51 = tpu.memref_squeeze %dma_wait3A_50 : memref<1x80xi32, #tpu.memory_space<vmem>> -> memref<80xi32, #tpu.memory_space<vmem>>
        %dma_wait3A_52 = arith.constant 0 : i32
        %dma_wait3A_53 = arith.constant 0 : i32
        %dma_wait3A_54 = tpu.memref_slice %arg9[%dma_wait3A_52, %dma_wait3A_53] : memref<10240x128xf32, #tpu.memory_space<vmem_shared>> -> memref<10240x128xf32, #tpu.memory_space<vmem_shared>>
        tpu.wait_indirect_dma semaphore(%run_scoped3A : memref<!tpu.dma_semaphore, #tpu.memory_space<semaphore_mem>>) src(%arg8 : memref<80x128xf32, #tpu.memory_space<vmem>>) dst(%dma_wait3A_54 : memref<10240x128xf32, #tpu.memory_space<vmem_shared>>)
        tpu.yield
      }) : () -> ()
      %scan3A_42 = arith.constant 0 : i32
      scf.yield %scan3A_42 : i32
    }
    %scan3A_21 = arith.constant 125 : i32
    %barrier3A_22 = arith.constant 0 : index
    tpu.barrier barrier_id(%barrier3A_22)
    %scan3A_23 = arith.constant 0 : i32
    %scan3A_24 = arith.constant 0 : i32
    %scan3A_25 = arith.constant 8 : i32
    %scan3A_26 = arith.addi %scan3A_24, %scan3A_25 : i32
    %scan3A_27 = arith.constant 1 : i32
    %scan3A_28 = scf.for %scan3A_30 = %scan3A_24 to %scan3A_26 step %scan3A_27 iter_args(%scan3A_31 = %scan3A_23) -> (i32)  : i32 {
      %mul3A_32 = arith.constant 640 : i32
      %mul3A_33 = arith.muli %arg1, %mul3A_32 : i32
      %mul3A_34 = arith.constant 80 : i32
      %mul3A_35 = arith.muli %scan3A_30, %mul3A_34 : i32
      %add3A_36 = arith.addi %mul3A_33, %mul3A_35 : i32
      "tpu.region"() ({
        %run_scoped3A = tpu.sem_alloc : memref<!tpu.dma_semaphore, #tpu.memory_space<semaphore_mem>>
        %dma_start3A = arith.constant 0 : i32
        %dma_start3A_38 = tpu.memref_slice %arg9[%add3A_36, %dma_start3A] : memref<10240x128xf32, #tpu.memory_space<vmem_shared>> -> memref<80x128xf32, #tpu.memory_space<vmem_shared>>
        %dma_start3A_39 = arith.constant 0 : i32
        %dma_start3A_40 = tpu.memref_slice %arg9[%add3A_36, %dma_start3A_39] : memref<10240x128xf32, #tpu.memory_space<vmem_shared>> -> memref<80x128xf32, #tpu.memory_space<vmem_shared>>
        tpu.enqueue_dma source(%dma_start3A_40 : memref<80x128xf32, #tpu.memory_space<vmem_shared>>) target(%arg8 : memref<80x128xf32, #tpu.memory_space<vmem>>) target_semaphore(%run_scoped3A : memref<!tpu.dma_semaphore, #tpu.memory_space<semaphore_mem>>)
        %dma_wait3A = arith.constant 0 : i32
        %dma_wait3A_41 = tpu.memref_slice %arg9[%add3A_36, %dma_wait3A] : memref<10240x128xf32, #tpu.memory_space<vmem_shared>> -> memref<80x128xf32, #tpu.memory_space<vmem_shared>>
        %dma_wait3A_42 = arith.constant 0 : i32
        %dma_wait3A_43 = tpu.memref_slice %arg9[%add3A_36, %dma_wait3A_42] : memref<10240x128xf32, #tpu.memory_space<vmem_shared>> -> memref<80x128xf32, #tpu.memory_space<vmem_shared>>
        tpu.wait_dma2 semaphore(%run_scoped3A : memref<!tpu.dma_semaphore, #tpu.memory_space<semaphore_mem>>) src(%dma_wait3A_43 : memref<80x128xf32, #tpu.memory_space<vmem_shared>>) dst(%arg8 : memref<80x128xf32, #tpu.memory_space<vmem>>)
        tpu.yield
      }) : () -> ()
      "tpu.region"() ({
        %run_scoped3A = tpu.sem_alloc : memref<!tpu.dma_semaphore, #tpu.memory_space<semaphore_mem>>
        %dma_start3A = arith.constant 0 : i32
        %dma_start3A_38 = tpu.memref_slice %arg5[%arg0, %add3A_36, %dma_start3A] : memref<2x10240x128xf32, #tpu.memory_space<hbm>> -> memref<1x80x128xf32, #tpu.memory_space<hbm>>
        %dma_start3A_39 = tpu.memref_squeeze %dma_start3A_38 : memref<1x80x128xf32, #tpu.memory_space<hbm>> -> memref<80x128xf32, #tpu.memory_space<hbm>>
        %dma_start3A_40 = arith.constant 0 : i32
        %dma_start3A_41 = tpu.memref_slice %arg5[%arg0, %add3A_36, %dma_start3A_40] : memref<2x10240x128xf32, #tpu.memory_space<hbm>> -> memref<1x80x128xf32, #tpu.memory_space<hbm>>
        %dma_start3A_42 = tpu.memref_squeeze %dma_start3A_41 : memref<1x80x128xf32, #tpu.memory_space<hbm>> -> memref<80x128xf32, #tpu.memory_space<hbm>>
        tpu.enqueue_dma source(%arg8 : memref<80x128xf32, #tpu.memory_space<vmem>>) target(%dma_start3A_42 : memref<80x128xf32, #tpu.memory_space<hbm>>) target_semaphore(%run_scoped3A : memref<!tpu.dma_semaphore, #tpu.memory_space<semaphore_mem>>)
        %dma_wait3A = arith.constant 0 : i32
        %dma_wait3A_43 = tpu.memref_slice %arg5[%arg0, %add3A_36, %dma_wait3A] : memref<2x10240x128xf32, #tpu.memory_space<hbm>> -> memref<1x80x128xf32, #tpu.memory_space<hbm>>
        %dma_wait3A_44 = tpu.memref_squeeze %dma_wait3A_43 : memref<1x80x128xf32, #tpu.memory_space<hbm>> -> memref<80x128xf32, #tpu.memory_space<hbm>>
        %dma_wait3A_45 = arith.constant 0 : i32
        %dma_wait3A_46 = tpu.memref_slice %arg5[%arg0, %add3A_36, %dma_wait3A_45] : memref<2x10240x128xf32, #tpu.memory_space<hbm>> -> memref<1x80x128xf32, #tpu.memory_space<hbm>>
        %dma_wait3A_47 = tpu.memref_squeeze %dma_wait3A_46 : memref<1x80x128xf32, #tpu.memory_space<hbm>> -> memref<80x128xf32, #tpu.memory_space<hbm>>
        tpu.wait_dma2 semaphore(%run_scoped3A : memref<!tpu.dma_semaphore, #tpu.memory_space<semaphore_mem>>) src(%arg8 : memref<80x128xf32, #tpu.memory_space<vmem>>) dst(%dma_wait3A_47 : memref<80x128xf32, #tpu.memory_space<hbm>>)
        tpu.yield
      }) : () -> ()
      %scan3A_37 = arith.constant 0 : i32
      scf.yield %scan3A_37 : i32
    }
    %scan3A_29 = arith.constant 8 : i32
    return
  }
}

#map = affine_map<(d0, d1) -> (0, 0)>
#map1 = affine_map<(d0, d1) -> (0, 0, 0)>
module attributes {stable_mosaic.version = 14 : i64} {
  func.func @body(%arg0: i32, %arg1: i32, %arg2: memref<10000x128xf32, #tpu.memory_space<hbm>>, %arg3: memref<32x125x80xi32, #tpu.memory_space<hbm>>, %arg4: memref<32x125x80xi32, #tpu.memory_space<hbm>>, %arg5: memref<2x10240x128xf32, #tpu.memory_space<hbm>>, %arg6: memref<125x80xi32, #tpu.memory_space<vmem>>, %arg7: memref<125x80xi32, #tpu.memory_space<vmem>>, %arg8: memref<80x128xf32, #tpu.memory_space<vmem>>, %arg9: memref<10240x128xf32, #tpu.memory_space<vmem_shared>>, %arg10: memref<!tpu.dma_semaphore, #tpu.memory_space<semaphore_mem>>) attributes {dimension_semantics = [#tpu.dimension_semantics<core_parallel>, #tpu.dimension_semantics<subcore_parallel>], iteration_bounds = array<i64: 2, 16>, scalar_prefetch = 0 : i64, scratch_operands = 5 : i64, tpu.core_type = #tpu.core_type<sc_vector_subcore>, window_params = [{transform_indices = #map}, {transform_indices = #map1}, {transform_indices = #map1}, {transform_indices = #map1}]} {
    %mul3A = arith.constant 16 : i32
    %mul3A_0 = arith.muli %arg0, %mul3A : i32
    %add3A = arith.addi %mul3A_0, %arg1 : i32
    %broadcast_in_dim3A = arith.constant 0.000000e+00 : f32
    %broadcast_in_dim3A_1 = vector.broadcast %broadcast_in_dim3A : f32 to vector<16xf32>
    %scan3A = arith.constant 0 : i32
    %scan3A_2 = arith.constant 0 : i32
    %scan3A_3 = arith.constant 640 : i32
    %scan3A_4 = arith.addi %scan3A_2, %scan3A_3 : i32
    %scan3A_5 = arith.constant 1 : i32
    %scan3A_6 = scf.for %scan3A_30 = %scan3A_2 to %scan3A_4 step %scan3A_5 iter_args(%scan3A_31 = %scan3A) -> (i32)  : i32 {
      %jit3A = arith.constant 8 : i32
      %div3A = arith.divsi %scan3A_30, %jit3A : i32
      %sign3A = arith.constant 0 : i32
      %sign3A_32 = arith.cmpi sgt, %scan3A_30, %sign3A : i32
      %sign3A_33 = arith.extui %sign3A_32 : i1 to i32
      %sign3A_34 = arith.constant 0 : i32
      %sign3A_35 = arith.cmpi slt, %scan3A_30, %sign3A_34 : i32
      %sign3A_36 = arith.extui %sign3A_35 : i1 to i32
      %sign3A_37 = arith.subi %sign3A_33, %sign3A_36 : i32
      %sign3A_38 = arith.constant 0 : i32
      %sign3A_39 = arith.cmpi sgt, %jit3A, %sign3A_38 : i32
      %sign3A_40 = arith.extui %sign3A_39 : i1 to i32
      %sign3A_41 = arith.constant 0 : i32
      %sign3A_42 = arith.cmpi slt, %jit3A, %sign3A_41 : i32
      %sign3A_43 = arith.extui %sign3A_42 : i1 to i32
      %sign3A_44 = arith.subi %sign3A_40, %sign3A_43 : i32
      %ne3A = arith.cmpi ne, %sign3A_37, %sign3A_44 : i32
      %rem3A = arith.remsi %scan3A_30, %jit3A : i32
      %ne3A_45 = arith.constant 0 : i32
      %ne3A_46 = arith.cmpi ne, %rem3A, %ne3A_45 : i32
      %and3A = arith.andi %ne3A, %ne3A_46 : i1
      %sub3A = arith.constant 1 : i32
      %sub3A_47 = arith.subi %div3A, %sub3A : i32
      %select_n3A = arith.select %and3A, %sub3A_47, %div3A : i32
      %jit3A_48 = arith.constant 8 : i32
      %eq3A = arith.constant 0 : i32
      %eq3A_49 = arith.cmpi eq, %jit3A_48, %eq3A : i32
      %jit3A_50 = arith.constant 1 : i32
      %select_n3A_51 = arith.select %eq3A_49, %jit3A_50, %jit3A_48 : i32
      %rem3A_52 = arith.remsi %scan3A_30, %select_n3A_51 : i32
      %ne3A_53 = arith.constant 0 : i32
      %ne3A_54 = arith.cmpi ne, %rem3A_52, %ne3A_53 : i32
      %lt3A = arith.constant 0 : i32
      %lt3A_55 = arith.cmpi slt, %rem3A_52, %lt3A : i32
      %lt3A_56 = arith.constant 0 : i32
      %lt3A_57 = arith.cmpi slt, %select_n3A_51, %lt3A_56 : i32
      %ne3A_58 = arith.xori %lt3A_55, %lt3A_57 : i1
      %and3A_59 = arith.andi %ne3A_58, %ne3A_54 : i1
      %add3A_60 = arith.addi %rem3A_52, %select_n3A_51 : i32
      %select_n3A_61 = arith.select %and3A_59, %add3A_60, %rem3A_52 : i32
      %mul3A_62 = arith.constant 16 : i32
      %mul3A_63 = arith.muli %select_n3A_61, %mul3A_62 : i32
      %swap3A = arith.index_cast %select_n3A : i32 to index
      %swap3A_64 = arith.index_cast %mul3A_63 : i32 to index
      %swap3A_65 = tpu.vector_load %arg8[%swap3A, %swap3A_64] {strides = array<i32>} : memref<80x128xf32, #tpu.memory_space<vmem>>, vector<1x16xf32>,
      %swap3A_66 = vector.shape_cast %swap3A_65 : vector<1x16xf32> to vector<16xf32>
      %swap3A_67 = vector.shape_cast %broadcast_in_dim3A_1 : vector<16xf32> to vector<1x16xf32>
      tpu.vector_store %arg8[%swap3A, %swap3A_64], %swap3A_67 {strides = array<i32>} : memref<80x128xf32, #tpu.memory_space<vmem>>, vector<1x16xf32>,
      %scan3A_68 = arith.constant 0 : i32
      scf.yield %scan3A_68 : i32
    }
    %scan3A_7 = arith.constant 640 : i32
    %scan3A_8 = arith.constant 0 : i32
    %scan3A_9 = arith.constant 0 : i32
    %scan3A_10 = arith.constant 8 : i32
    %scan3A_11 = arith.addi %scan3A_9, %scan3A_10 : i32
    %scan3A_12 = arith.constant 1 : i32
    %scan3A_13 = scf.for %scan3A_30 = %scan3A_9 to %scan3A_11 step %scan3A_12 iter_args(%scan3A_31 = %scan3A_8) -> (i32)  : i32 {
      %mul3A_32 = arith.constant 640 : i32
      %mul3A_33 = arith.muli %arg1, %mul3A_32 : i32
      %mul3A_34 = arith.constant 80 : i32
      %mul3A_35 = arith.muli %scan3A_30, %mul3A_34 : i32
      %add3A_36 = arith.addi %mul3A_33, %mul3A_35 : i32
      "tpu.region"() ({
        %run_scoped3A = tpu.sem_alloc : memref<!tpu.dma_semaphore, #tpu.memory_space<semaphore_mem>>
        %dma_start3A = arith.constant 0 : i32
        %dma_start3A_38 = tpu.memref_slice %arg9[%add3A_36, %dma_start3A] : memref<10240x128xf32, #tpu.memory_space<vmem_shared>> -> memref<80x128xf32, #tpu.memory_space<vmem_shared>>
        %dma_start3A_39 = arith.constant 0 : i32
        %dma_start3A_40 = tpu.memref_slice %arg9[%add3A_36, %dma_start3A_39] : memref<10240x128xf32, #tpu.memory_space<vmem_shared>> -> memref<80x128xf32, #tpu.memory_space<vmem_shared>>
        tpu.enqueue_dma source(%arg8 : memref<80x128xf32, #tpu.memory_space<vmem>>) target(%dma_start3A_40 : memref<80x128xf32, #tpu.memory_space<vmem_shared>>) target_semaphore(%run_scoped3A : memref<!tpu.dma_semaphore, #tpu.memory_space<semaphore_mem>>)
        %dma_wait3A = arith.constant 0 : i32
        %dma_wait3A_41 = tpu.memref_slice %arg9[%add3A_36, %dma_wait3A] : memref<10240x128xf32, #tpu.memory_space<vmem_shared>> -> memref<80x128xf32, #tpu.memory_space<vmem_shared>>
        %dma_wait3A_42 = arith.constant 0 : i32
        %dma_wait3A_43 = tpu.memref_slice %arg9[%add3A_36, %dma_wait3A_42] : memref<10240x128xf32, #tpu.memory_space<vmem_shared>> -> memref<80x128xf32, #tpu.memory_space<vmem_shared>>
        tpu.wait_dma2 semaphore(%run_scoped3A : memref<!tpu.dma_semaphore, #tpu.memory_space<semaphore_mem>>) src(%arg8 : memref<80x128xf32, #tpu.memory_space<vmem>>) dst(%dma_wait3A_43 : memref<80x128xf32, #tpu.memory_space<vmem_shared>>)
        tpu.yield
      }) : () -> ()
      %scan3A_37 = arith.constant 0 : i32
      scf.yield %scan3A_37 : i32
    }
    %scan3A_14 = arith.constant 8 : i32
    %barrier3A = arith.constant 0 : index
    tpu.barrier barrier_id(%barrier3A)
    "tpu.region"() ({
      %run_scoped3A = tpu.sem_alloc : memref<!tpu.dma_semaphore, #tpu.memory_space<semaphore_mem>>
      %dma_start3A = arith.constant 0 : i32
      %dma_start3A_30 = arith.constant 0 : i32
      %dma_start3A_31 = tpu.memref_slice %arg3[%add3A, %dma_start3A, %dma_start3A_30] : memref<32x125x80xi32, #tpu.memory_space<hbm>> -> memref<1x125x80xi32, #tpu.memory_space<hbm>>
      %dma_start3A_32 = tpu.memref_squeeze %dma_start3A_31 : memref<1x125x80xi32, #tpu.memory_space<hbm>> -> memref<125x80xi32, #tpu.memory_space<hbm>>
      %dma_start3A_33 = arith.constant 0 : i32
      %dma_start3A_34 = arith.constant 0 : i32
      %dma_start3A_35 = tpu.memref_slice %arg3[%add3A, %dma_start3A_33, %dma_start3A_34] : memref<32x125x80xi32, #tpu.memory_space<hbm>> -> memref<1x125x80xi32, #tpu.memory_space<hbm>>
      %dma_start3A_36 = tpu.memref_squeeze %dma_start3A_35 : memref<1x125x80xi32, #tpu.memory_space<hbm>> -> memref<125x80xi32, #tpu.memory_space<hbm>>
      tpu.enqueue_dma source(%dma_start3A_36 : memref<125x80xi32, #tpu.memory_space<hbm>>) target(%arg6 : memref<125x80xi32, #tpu.memory_space<vmem>>) target_semaphore(%run_scoped3A : memref<!tpu.dma_semaphore, #tpu.memory_space<semaphore_mem>>)
      %dma_wait3A = arith.constant 0 : i32
      %dma_wait3A_37 = arith.constant 0 : i32
      %dma_wait3A_38 = tpu.memref_slice %arg3[%add3A, %dma_wait3A, %dma_wait3A_37] : memref<32x125x80xi32, #tpu.memory_space<hbm>> -> memref<1x125x80xi32, #tpu.memory_space<hbm>>
      %dma_wait3A_39 = tpu.memref_squeeze %dma_wait3A_38 : memref<1x125x80xi32, #tpu.memory_space<hbm>> -> memref<125x80xi32, #tpu.memory_space<hbm>>
      %dma_wait3A_40 = arith.constant 0 : i32
      %dma_wait3A_41 = arith.constant 0 : i32
      %dma_wait3A_42 = tpu.memref_slice %arg3[%add3A, %dma_wait3A_40, %dma_wait3A_41] : memref<32x125x80xi32, #tpu.memory_space<hbm>> -> memref<1x125x80xi32, #tpu.memory_space<hbm>>
      %dma_wait3A_43 = tpu.memref_squeeze %dma_wait3A_42 : memref<1x125x80xi32, #tpu.memory_space<hbm>> -> memref<125x80xi32, #tpu.memory_space<hbm>>
      tpu.wait_dma2 semaphore(%run_scoped3A : memref<!tpu.dma_semaphore, #tpu.memory_space<semaphore_mem>>) src(%dma_wait3A_43 : memref<125x80xi32, #tpu.memory_space<hbm>>) dst(%arg6 : memref<125x80xi32, #tpu.memory_space<vmem>>)
      tpu.yield
    }) : () -> ()
    "tpu.region"() ({
      %run_scoped3A = tpu.sem_alloc : memref<!tpu.dma_semaphore, #tpu.memory_space<semaphore_mem>>
      %dma_start3A = arith.constant 0 : i32
      %dma_start3A_30 = arith.constant 0 : i32
      %dma_start3A_31 = tpu.memref_slice %arg4[%add3A, %dma_start3A, %dma_start3A_30] : memref<32x125x80xi32, #tpu.memory_space<hbm>> -> memref<1x125x80xi32, #tpu.memory_space<hbm>>
      %dma_start3A_32 = tpu.memref_squeeze %dma_start3A_31 : memref<1x125x80xi32, #tpu.memory_space<hbm>> -> memref<125x80xi32, #tpu.memory_space<hbm>>
      %dma_start3A_33 = arith.constant 0 : i32
      %dma_start3A_34 = arith.constant 0 : i32
      %dma_start3A_35 = tpu.memref_slice %arg4[%add3A, %dma_start3A_33, %dma_start3A_34] : memref<32x125x80xi32, #tpu.memory_space<hbm>> -> memref<1x125x80xi32, #tpu.memory_space<hbm>>
      %dma_start3A_36 = tpu.memref_squeeze %dma_start3A_35 : memref<1x125x80xi32, #tpu.memory_space<hbm>> -> memref<125x80xi32, #tpu.memory_space<hbm>>
      tpu.enqueue_dma source(%dma_start3A_36 : memref<125x80xi32, #tpu.memory_space<hbm>>) target(%arg7 : memref<125x80xi32, #tpu.memory_space<vmem>>) target_semaphore(%run_scoped3A : memref<!tpu.dma_semaphore, #tpu.memory_space<semaphore_mem>>)
      %dma_wait3A = arith.constant 0 : i32
      %dma_wait3A_37 = arith.constant 0 : i32
      %dma_wait3A_38 = tpu.memref_slice %arg4[%add3A, %dma_wait3A, %dma_wait3A_37] : memref<32x125x80xi32, #tpu.memory_space<hbm>> -> memref<1x125x80xi32, #tpu.memory_space<hbm>>
      %dma_wait3A_39 = tpu.memref_squeeze %dma_wait3A_38 : memref<1x125x80xi32, #tpu.memory_space<hbm>> -> memref<125x80xi32, #tpu.memory_space<hbm>>
      %dma_wait3A_40 = arith.constant 0 : i32
      %dma_wait3A_41 = arith.constant 0 : i32
      %dma_wait3A_42 = tpu.memref_slice %arg4[%add3A, %dma_wait3A_40, %dma_wait3A_41] : memref<32x125x80xi32, #tpu.memory_space<hbm>> -> memref<1x125x80xi32, #tpu.memory_space<hbm>>
      %dma_wait3A_43 = tpu.memref_squeeze %dma_wait3A_42 : memref<1x125x80xi32, #tpu.memory_space<hbm>> -> memref<125x80xi32, #tpu.memory_space<hbm>>
      tpu.wait_dma2 semaphore(%run_scoped3A : memref<!tpu.dma_semaphore, #tpu.memory_space<semaphore_mem>>) src(%dma_wait3A_43 : memref<125x80xi32, #tpu.memory_space<hbm>>) dst(%arg7 : memref<125x80xi32, #tpu.memory_space<vmem>>)
      tpu.yield
    }) : () -> ()
    %scan3A_15 = arith.constant 0 : i32
    %scan3A_16 = arith.constant 0 : i32
    %scan3A_17 = arith.constant 125 : i32
    %scan3A_18 = arith.addi %scan3A_16, %scan3A_17 : i32
    %scan3A_19 = arith.constant 1 : i32
    %scan3A_20 = scf.for %scan3A_30 = %scan3A_16 to %scan3A_18 step %scan3A_19 iter_args(%scan3A_31 = %scan3A_15) -> (i32)  : i32 {
      %dma_start3A = arith.constant 0 : i32
      %dma_start3A_32 = tpu.memref_slice %arg6[%scan3A_30, %dma_start3A] : memref<125x80xi32, #tpu.memory_space<vmem>> -> memref<1x80xi32, #tpu.memory_space<vmem>>
      %dma_start3A_33 = tpu.memref_squeeze %dma_start3A_32 : memref<1x80xi32, #tpu.memory_space<vmem>> -> memref<80xi32, #tpu.memory_space<vmem>>
      %dma_start3A_34 = arith.constant 0 : i32
      %dma_start3A_35 = arith.constant 0 : i32
      %dma_start3A_36 = tpu.memref_slice %arg2[%dma_start3A_34, %dma_start3A_35] : memref<10000x128xf32, #tpu.memory_space<hbm>> -> memref<10000x128xf32, #tpu.memory_space<hbm>>
      tpu.enqueue_indirect_dma source(%dma_start3A_36 : memref<10000x128xf32, #tpu.memory_space<hbm>>) target(%arg8 : memref<80x128xf32, #tpu.memory_space<vmem>>) offsets(%dma_start3A_33 : memref<80xi32, #tpu.memory_space<vmem>>) semaphore(%arg10 : memref<!tpu.dma_semaphore, #tpu.memory_space<semaphore_mem>>)
      %dma_wait3A = arith.constant 0 : i32
      %dma_wait3A_37 = tpu.memref_slice %arg6[%scan3A_30, %dma_wait3A] : memref<125x80xi32, #tpu.memory_space<vmem>> -> memref<1x80xi32, #tpu.memory_space<vmem>>
      %dma_wait3A_38 = tpu.memref_squeeze %dma_wait3A_37 : memref<1x80xi32, #tpu.memory_space<vmem>> -> memref<80xi32, #tpu.memory_space<vmem>>
      %dma_wait3A_39 = arith.constant 0 : i32
      %dma_wait3A_40 = arith.constant 0 : i32
      %dma_wait3A_41 = tpu.memref_slice %arg2[%dma_wait3A_39, %dma_wait3A_40] : memref<10000x128xf32, #tpu.memory_space<hbm>> -> memref<10000x128xf32, #tpu.memory_space<hbm>>
      tpu.wait_indirect_dma semaphore(%arg10 : memref<!tpu.dma_semaphore, #tpu.memory_space<semaphore_mem>>) src(%dma_wait3A_41 : memref<10000x128xf32, #tpu.memory_space<hbm>>) dst(%arg8 : memref<80x128xf32, #tpu.memory_space<vmem>>)
      "tpu.region"() ({
        %run_scoped3A = tpu.sem_alloc : memref<!tpu.dma_semaphore, #tpu.memory_space<semaphore_mem>>
        %dma_start3A_43 = arith.constant 0 : i32
        %dma_start3A_44 = tpu.memref_slice %arg7[%scan3A_30, %dma_start3A_43] : memref<125x80xi32, #tpu.memory_space<vmem>> -> memref<1x80xi32, #tpu.memory_space<vmem>>
        %dma_start3A_45 = tpu.memref_squeeze %dma_start3A_44 : memref<1x80xi32, #tpu.memory_space<vmem>> -> memref<80xi32, #tpu.memory_space<vmem>>
        %dma_start3A_46 = arith.constant 0 : i32
        %dma_start3A_47 = arith.constant 0 : i32
        %dma_start3A_48 = tpu.memref_slice %arg9[%dma_start3A_46, %dma_start3A_47] : memref<10240x128xf32, #tpu.memory_space<vmem_shared>> -> memref<10240x128xf32, #tpu.memory_space<vmem_shared>>
        tpu.enqueue_indirect_dma source(%arg8 : memref<80x128xf32, #tpu.memory_space<vmem>>) target(%dma_start3A_48 : memref<10240x128xf32, #tpu.memory_space<vmem_shared>>) offsets(%dma_start3A_45 : memref<80xi32, #tpu.memory_space<vmem>>) semaphore(%run_scoped3A : memref<!tpu.dma_semaphore, #tpu.memory_space<semaphore_mem>>) {add = true}
        %dma_wait3A_49 = arith.constant 0 : i32
        %dma_wait3A_50 = tpu.memref_slice %arg7[%scan3A_30, %dma_wait3A_49] : memref<125x80xi32, #tpu.memory_space<vmem>> -> memref<1x80xi32, #tpu.memory_space<vmem>>
        %dma_wait3A_51 = tpu.memref_squeeze %dma_wait3A_50 : memref<1x80xi32, #tpu.memory_space<vmem>> -> memref<80xi32, #tpu.memory_space<vmem>>
        %dma_wait3A_52 = arith.constant 0 : i32
        %dma_wait3A_53 = arith.constant 0 : i32
        %dma_wait3A_54 = tpu.memref_slice %arg9[%dma_wait3A_52, %dma_wait3A_53] : memref<10240x128xf32, #tpu.memory_space<vmem_shared>> -> memref<10240x128xf32, #tpu.memory_space<vmem_shared>>
        tpu.wait_indirect_dma semaphore(%run_scoped3A : memref<!tpu.dma_semaphore, #tpu.memory_space<semaphore_mem>>) src(%arg8 : memref<80x128xf32, #tpu.memory_space<vmem>>) dst(%dma_wait3A_54 : memref<10240x128xf32, #tpu.memory_space<vmem_shared>>)
        tpu.yield
      }) : () -> ()
      %scan3A_42 = arith.constant 0 : i32
      scf.yield %scan3A_42 : i32
    }
    %scan3A_21 = arith.constant 125 : i32
    %barrier3A_22 = arith.constant 0 : index
    tpu.barrier barrier_id(%barrier3A_22)
    %scan3A_23 = arith.constant 0 : i32
    %scan3A_24 = arith.constant 0 : i32
    %scan3A_25 = arith.constant 8 : i32
    %scan3A_26 = arith.addi %scan3A_24, %scan3A_25 : i32
    %scan3A_27 = arith.constant 1 : i32
    %scan3A_28 = scf.for %scan3A_30 = %scan3A_24 to %scan3A_26 step %scan3A_27 iter_args(%scan3A_31 = %scan3A_23) -> (i32)  : i32 {
      %mul3A_32 = arith.constant 640 : i32
      %mul3A_33 = arith.muli %arg1, %mul3A_32 : i32
      %mul3A_34 = arith.constant 80 : i32
      %mul3A_35 = arith.muli %scan3A_30, %mul3A_34 : i32
      %add3A_36 = arith.addi %mul3A_33, %mul3A_35 : i32
      "tpu.region"() ({
        %run_scoped3A = tpu.sem_alloc : memref<!tpu.dma_semaphore, #tpu.memory_space<semaphore_mem>>
        %dma_start3A = arith.constant 0 : i32
        %dma_start3A_38 = tpu.memref_slice %arg9[%add3A_36, %dma_start3A] : memref<10240x128xf32, #tpu.memory_space<vmem_shared>> -> memref<80x128xf32, #tpu.memory_space<vmem_shared>>
        %dma_start3A_39 = arith.constant 0 : i32
        %dma_start3A_40 = tpu.memref_slice %arg9[%add3A_36, %dma_start3A_39] : memref<10240x128xf32, #tpu.memory_space<vmem_shared>> -> memref<80x128xf32, #tpu.memory_space<vmem_shared>>
        tpu.enqueue_dma source(%dma_start3A_40 : memref<80x128xf32, #tpu.memory_space<vmem_shared>>) target(%arg8 : memref<80x128xf32, #tpu.memory_space<vmem>>) target_semaphore(%run_scoped3A : memref<!tpu.dma_semaphore, #tpu.memory_space<semaphore_mem>>)
        %dma_wait3A = arith.constant 0 : i32
        %dma_wait3A_41 = tpu.memref_slice %arg9[%add3A_36, %dma_wait3A] : memref<10240x128xf32, #tpu.memory_space<vmem_shared>> -> memref<80x128xf32, #tpu.memory_space<vmem_shared>>
        %dma_wait3A_42 = arith.constant 0 : i32
        %dma_wait3A_43 = tpu.memref_slice %arg9[%add3A_36, %dma_wait3A_42] : memref<10240x128xf32, #tpu.memory_space<vmem_shared>> -> memref<80x128xf32, #tpu.memory_space<vmem_shared>>
        tpu.wait_dma2 semaphore(%run_scoped3A : memref<!tpu.dma_semaphore, #tpu.memory_space<semaphore_mem>>) src(%dma_wait3A_43 : memref<80x128xf32, #tpu.memory_space<vmem_shared>>) dst(%arg8 : memref<80x128xf32, #tpu.memory_space<vmem>>)
        tpu.yield
      }) : () -> ()
      "tpu.region"() ({
        %run_scoped3A = tpu.sem_alloc : memref<!tpu.dma_semaphore, #tpu.memory_space<semaphore_mem>>
        %dma_start3A = arith.constant 0 : i32
        %dma_start3A_38 = tpu.memref_slice %arg5[%arg0, %add3A_36, %dma_start3A] : memref<2x10240x128xf32, #tpu.memory_space<hbm>> -> memref<1x80x128xf32, #tpu.memory_space<hbm>>
        %dma_start3A_39 = tpu.memref_squeeze %dma_start3A_38 : memref<1x80x128xf32, #tpu.memory_space<hbm>> -> memref<80x128xf32, #tpu.memory_space<hbm>>
        %dma_start3A_40 = arith.constant 0 : i32
        %dma_start3A_41 = tpu.memref_slice %arg5[%arg0, %add3A_36, %dma_start3A_40] : memref<2x10240x128xf32, #tpu.memory_space<hbm>> -> memref<1x80x128xf32, #tpu.memory_space<hbm>>
        %dma_start3A_42 = tpu.memref_squeeze %dma_start3A_41 : memref<1x80x128xf32, #tpu.memory_space<hbm>> -> memref<80x128xf32, #tpu.memory_space<hbm>>
        tpu.enqueue_dma source(%arg8 : memref<80x128xf32, #tpu.memory_space<vmem>>) target(%dma_start3A_42 : memref<80x128xf32, #tpu.memory_space<hbm>>) target_semaphore(%run_scoped3A : memref<!tpu.dma_semaphore, #tpu.memory_space<semaphore_mem>>)
        %dma_wait3A = arith.constant 0 : i32
        %dma_wait3A_43 = tpu.memref_slice %arg5[%arg0, %add3A_36, %dma_wait3A] : memref<2x10240x128xf32, #tpu.memory_space<hbm>> -> memref<1x80x128xf32, #tpu.memory_space<hbm>>
        %dma_wait3A_44 = tpu.memref_squeeze %dma_wait3A_43 : memref<1x80x128xf32, #tpu.memory_space<hbm>> -> memref<80x128xf32, #tpu.memory_space<hbm>>
        %dma_wait3A_45 = arith.constant 0 : i32
        %dma_wait3A_46 = tpu.memref_slice %arg5[%arg0, %add3A_36, %dma_wait3A_45] : memref<2x10240x128xf32, #tpu.memory_space<hbm>> -> memref<1x80x128xf32, #tpu.memory_space<hbm>>
        %dma_wait3A_47 = tpu.memref_squeeze %dma_wait3A_46 : memref<1x80x128xf32, #tpu.memory_space<hbm>> -> memref<80x128xf32, #tpu.memory_space<hbm>>
        tpu.wait_dma2 semaphore(%run_scoped3A : memref<!tpu.dma_semaphore, #tpu.memory_space<semaphore_mem>>) src(%arg8 : memref<80x128xf32, #tpu.memory_space<vmem>>) dst(%dma_wait3A_47 : memref<80x128xf32, #tpu.memory_space<hbm>>)
        tpu.yield
      }) : () -> ()
      %scan3A_37 = arith.constant 0 : i32
      scf.yield %scan3A_37 : i32
    }
    %scan3A_29 = arith.constant 8 : i32
    return
  }
}

#map = affine_map<(d0, d1) -> (0, 0)>
#map1 = affine_map<(d0, d1) -> (0, 0, 0)>
module attributes {stable_mosaic.version = 14 : i64} {
  func.func @body(%arg0: i32, %arg1: i32, %arg2: memref<10000x128xf32, #tpu.memory_space<hbm>>, %arg3: memref<32x125x80xi32, #tpu.memory_space<hbm>>, %arg4: memref<32x125x80xi32, #tpu.memory_space<hbm>>, %arg5: memref<2x10240x128xf32, #tpu.memory_space<hbm>>, %arg6: memref<125x80xi32, #tpu.memory_space<vmem>>, %arg7: memref<125x80xi32, #tpu.memory_space<vmem>>, %arg8: memref<80x128xf32, #tpu.memory_space<vmem>>, %arg9: memref<10240x128xf32, #tpu.memory_space<vmem_shared>>, %arg10: memref<!tpu.dma_semaphore, #tpu.memory_space<semaphore_mem>>) attributes {dimension_semantics = [#tpu.dimension_semantics<core_parallel>, #tpu.dimension_semantics<subcore_parallel>], iteration_bounds = array<i64: 2, 16>, scalar_prefetch = 0 : i64, scratch_operands = 5 : i64, tpu.core_type = #tpu.core_type<sc_vector_subcore>, window_params = [{transform_indices = #map}, {transform_indices = #map1}, {transform_indices = #map1}, {transform_indices = #map1}]} {
    %mul3A = arith.constant 16 : i32
    %mul3A_0 = arith.muli %arg0, %mul3A : i32
    %add3A = arith.addi %mul3A_0, %arg1 : i32
    %broadcast_in_dim3A = arith.constant 0.000000e+00 : f32
    %broadcast_in_dim3A_1 = vector.broadcast %broadcast_in_dim3A : f32 to vector<16xf32>
    %scan3A = arith.constant 0 : i32
    %scan3A_2 = arith.constant 0 : i32
    %scan3A_3 = arith.constant 640 : i32
    %scan3A_4 = arith.addi %scan3A_2, %scan3A_3 : i32
    %scan3A_5 = arith.constant 1 : i32
    %scan3A_6 = scf.for %scan3A_30 = %scan3A_2 to %scan3A_4 step %scan3A_5 iter_args(%scan3A_31 = %scan3A) -> (i32)  : i32 {
      %jit3A = arith.constant 8 : i32
      %div3A = arith.divsi %scan3A_30, %jit3A : i32
      %sign3A = arith.constant 0 : i32
      %sign3A_32 = arith.cmpi sgt, %scan3A_30, %sign3A : i32
      %sign3A_33 = arith.extui %sign3A_32 : i1 to i32
      %sign3A_34 = arith.constant 0 : i32
      %sign3A_35 = arith.cmpi slt, %scan3A_30, %sign3A_34 : i32
      %sign3A_36 = arith.extui %sign3A_35 : i1 to i32
      %sign3A_37 = arith.subi %sign3A_33, %sign3A_36 : i32
      %sign3A_38 = arith.constant 0 : i32
      %sign3A_39 = arith.cmpi sgt, %jit3A, %sign3A_38 : i32
      %sign3A_40 = arith.extui %sign3A_39 : i1 to i32
      %sign3A_41 = arith.constant 0 : i32
      %sign3A_42 = arith.cmpi slt, %jit3A, %sign3A_41 : i32
      %sign3A_43 = arith.extui %sign3A_42 : i1 to i32
      %sign3A_44 = arith.subi %sign3A_40, %sign3A_43 : i32
      %ne3A = arith.cmpi ne, %sign3A_37, %sign3A_44 : i32
      %rem3A = arith.remsi %scan3A_30, %jit3A : i32
      %ne3A_45 = arith.constant 0 : i32
      %ne3A_46 = arith.cmpi ne, %rem3A, %ne3A_45 : i32
      %and3A = arith.andi %ne3A, %ne3A_46 : i1
      %sub3A = arith.constant 1 : i32
      %sub3A_47 = arith.subi %div3A, %sub3A : i32
      %select_n3A = arith.select %and3A, %sub3A_47, %div3A : i32
      %jit3A_48 = arith.constant 8 : i32
      %eq3A = arith.constant 0 : i32
      %eq3A_49 = arith.cmpi eq, %jit3A_48, %eq3A : i32
      %jit3A_50 = arith.constant 1 : i32
      %select_n3A_51 = arith.select %eq3A_49, %jit3A_50, %jit3A_48 : i32
      %rem3A_52 = arith.remsi %scan3A_30, %select_n3A_51 : i32
      %ne3A_53 = arith.constant 0 : i32
      %ne3A_54 = arith.cmpi ne, %rem3A_52, %ne3A_53 : i32
      %lt3A = arith.constant 0 : i32
      %lt3A_55 = arith.cmpi slt, %rem3A_52, %lt3A : i32
      %lt3A_56 = arith.constant 0 : i32
      %lt3A_57 = arith.cmpi slt, %select_n3A_51, %lt3A_56 : i32
      %ne3A_58 = arith.xori %lt3A_55, %lt3A_57 : i1
      %and3A_59 = arith.andi %ne3A_58, %ne3A_54 : i1
      %add3A_60 = arith.addi %rem3A_52, %select_n3A_51 : i32
      %select_n3A_61 = arith.select %and3A_59, %add3A_60, %rem3A_52 : i32
      %mul3A_62 = arith.constant 16 : i32
      %mul3A_63 = arith.muli %select_n3A_61, %mul3A_62 : i32
      %swap3A = arith.index_cast %select_n3A : i32 to index
      %swap3A_64 = arith.index_cast %mul3A_63 : i32 to index
      %swap3A_65 = tpu.vector_load %arg8[%swap3A, %swap3A_64] {strides = array<i32>} : memref<80x128xf32, #tpu.memory_space<vmem>>, vector<1x16xf32>,
      %swap3A_66 = vector.shape_cast %swap3A_65 : vector<1x16xf32> to vector<16xf32>
      %swap3A_67 = vector.shape_cast %broadcast_in_dim3A_1 : vector<16xf32> to vector<1x16xf32>
      tpu.vector_store %arg8[%swap3A, %swap3A_64], %swap3A_67 {strides = array<i32>} : memref<80x128xf32, #tpu.memory_space<vmem>>, vector<1x16xf32>,
      %scan3A_68 = arith.constant 0 : i32
      scf.yield %scan3A_68 : i32
    }
    %scan3A_7 = arith.constant 640 : i32
    %scan3A_8 = arith.constant 0 : i32
    %scan3A_9 = arith.constant 0 : i32
    %scan3A_10 = arith.constant 8 : i32
    %scan3A_11 = arith.addi %scan3A_9, %scan3A_10 : i32
    %scan3A_12 = arith.constant 1 : i32
    %scan3A_13 = scf.for %scan3A_30 = %scan3A_9 to %scan3A_11 step %scan3A_12 iter_args(%scan3A_31 = %scan3A_8) -> (i32)  : i32 {
      %mul3A_32 = arith.constant 640 : i32
      %mul3A_33 = arith.muli %arg1, %mul3A_32 : i32
      %mul3A_34 = arith.constant 80 : i32
      %mul3A_35 = arith.muli %scan3A_30, %mul3A_34 : i32
      %add3A_36 = arith.addi %mul3A_33, %mul3A_35 : i32
      "tpu.region"() ({
        %run_scoped3A = tpu.sem_alloc : memref<!tpu.dma_semaphore, #tpu.memory_space<semaphore_mem>>
        %dma_start3A = arith.constant 0 : i32
        %dma_start3A_38 = tpu.memref_slice %arg9[%add3A_36, %dma_start3A] : memref<10240x128xf32, #tpu.memory_space<vmem_shared>> -> memref<80x128xf32, #tpu.memory_space<vmem_shared>>
        %dma_start3A_39 = arith.constant 0 : i32
        %dma_start3A_40 = tpu.memref_slice %arg9[%add3A_36, %dma_start3A_39] : memref<10240x128xf32, #tpu.memory_space<vmem_shared>> -> memref<80x128xf32, #tpu.memory_space<vmem_shared>>
        tpu.enqueue_dma source(%arg8 : memref<80x128xf32, #tpu.memory_space<vmem>>) target(%dma_start3A_40 : memref<80x128xf32, #tpu.memory_space<vmem_shared>>) target_semaphore(%run_scoped3A : memref<!tpu.dma_semaphore, #tpu.memory_space<semaphore_mem>>)
        %dma_wait3A = arith.constant 0 : i32
        %dma_wait3A_41 = tpu.memref_slice %arg9[%add3A_36, %dma_wait3A] : memref<10240x128xf32, #tpu.memory_space<vmem_shared>> -> memref<80x128xf32, #tpu.memory_space<vmem_shared>>
        %dma_wait3A_42 = arith.constant 0 : i32
        %dma_wait3A_43 = tpu.memref_slice %arg9[%add3A_36, %dma_wait3A_42] : memref<10240x128xf32, #tpu.memory_space<vmem_shared>> -> memref<80x128xf32, #tpu.memory_space<vmem_shared>>
        tpu.wait_dma2 semaphore(%run_scoped3A : memref<!tpu.dma_semaphore, #tpu.memory_space<semaphore_mem>>) src(%arg8 : memref<80x128xf32, #tpu.memory_space<vmem>>) dst(%dma_wait3A_43 : memref<80x128xf32, #tpu.memory_space<vmem_shared>>)
        tpu.yield
      }) : () -> ()
      %scan3A_37 = arith.constant 0 : i32
      scf.yield %scan3A_37 : i32
    }
    %scan3A_14 = arith.constant 8 : i32
    %barrier3A = arith.constant 0 : index
    tpu.barrier barrier_id(%barrier3A)
    "tpu.region"() ({
      %run_scoped3A = tpu.sem_alloc : memref<!tpu.dma_semaphore, #tpu.memory_space<semaphore_mem>>
      %dma_start3A = arith.constant 0 : i32
      %dma_start3A_30 = arith.constant 0 : i32
      %dma_start3A_31 = tpu.memref_slice %arg3[%add3A, %dma_start3A, %dma_start3A_30] : memref<32x125x80xi32, #tpu.memory_space<hbm>> -> memref<1x125x80xi32, #tpu.memory_space<hbm>>
      %dma_start3A_32 = tpu.memref_squeeze %dma_start3A_31 : memref<1x125x80xi32, #tpu.memory_space<hbm>> -> memref<125x80xi32, #tpu.memory_space<hbm>>
      %dma_start3A_33 = arith.constant 0 : i32
      %dma_start3A_34 = arith.constant 0 : i32
      %dma_start3A_35 = tpu.memref_slice %arg3[%add3A, %dma_start3A_33, %dma_start3A_34] : memref<32x125x80xi32, #tpu.memory_space<hbm>> -> memref<1x125x80xi32, #tpu.memory_space<hbm>>
      %dma_start3A_36 = tpu.memref_squeeze %dma_start3A_35 : memref<1x125x80xi32, #tpu.memory_space<hbm>> -> memref<125x80xi32, #tpu.memory_space<hbm>>
      tpu.enqueue_dma source(%dma_start3A_36 : memref<125x80xi32, #tpu.memory_space<hbm>>) target(%arg6 : memref<125x80xi32, #tpu.memory_space<vmem>>) target_semaphore(%run_scoped3A : memref<!tpu.dma_semaphore, #tpu.memory_space<semaphore_mem>>)
      %dma_wait3A = arith.constant 0 : i32
      %dma_wait3A_37 = arith.constant 0 : i32
      %dma_wait3A_38 = tpu.memref_slice %arg3[%add3A, %dma_wait3A, %dma_wait3A_37] : memref<32x125x80xi32, #tpu.memory_space<hbm>> -> memref<1x125x80xi32, #tpu.memory_space<hbm>>
      %dma_wait3A_39 = tpu.memref_squeeze %dma_wait3A_38 : memref<1x125x80xi32, #tpu.memory_space<hbm>> -> memref<125x80xi32, #tpu.memory_space<hbm>>
      %dma_wait3A_40 = arith.constant 0 : i32
      %dma_wait3A_41 = arith.constant 0 : i32
      %dma_wait3A_42 = tpu.memref_slice %arg3[%add3A, %dma_wait3A_40, %dma_wait3A_41] : memref<32x125x80xi32, #tpu.memory_space<hbm>> -> memref<1x125x80xi32, #tpu.memory_space<hbm>>
      %dma_wait3A_43 = tpu.memref_squeeze %dma_wait3A_42 : memref<1x125x80xi32, #tpu.memory_space<hbm>> -> memref<125x80xi32, #tpu.memory_space<hbm>>
      tpu.wait_dma2 semaphore(%run_scoped3A : memref<!tpu.dma_semaphore, #tpu.memory_space<semaphore_mem>>) src(%dma_wait3A_43 : memref<125x80xi32, #tpu.memory_space<hbm>>) dst(%arg6 : memref<125x80xi32, #tpu.memory_space<vmem>>)
      tpu.yield
    }) : () -> ()
    "tpu.region"() ({
      %run_scoped3A = tpu.sem_alloc : memref<!tpu.dma_semaphore, #tpu.memory_space<semaphore_mem>>
      %dma_start3A = arith.constant 0 : i32
      %dma_start3A_30 = arith.constant 0 : i32
      %dma_start3A_31 = tpu.memref_slice %arg4[%add3A, %dma_start3A, %dma_start3A_30] : memref<32x125x80xi32, #tpu.memory_space<hbm>> -> memref<1x125x80xi32, #tpu.memory_space<hbm>>
      %dma_start3A_32 = tpu.memref_squeeze %dma_start3A_31 : memref<1x125x80xi32, #tpu.memory_space<hbm>> -> memref<125x80xi32, #tpu.memory_space<hbm>>
      %dma_start3A_33 = arith.constant 0 : i32
      %dma_start3A_34 = arith.constant 0 : i32
      %dma_start3A_35 = tpu.memref_slice %arg4[%add3A, %dma_start3A_33, %dma_start3A_34] : memref<32x125x80xi32, #tpu.memory_space<hbm>> -> memref<1x125x80xi32, #tpu.memory_space<hbm>>
      %dma_start3A_36 = tpu.memref_squeeze %dma_start3A_35 : memref<1x125x80xi32, #tpu.memory_space<hbm>> -> memref<125x80xi32, #tpu.memory_space<hbm>>
      tpu.enqueue_dma source(%dma_start3A_36 : memref<125x80xi32, #tpu.memory_space<hbm>>) target(%arg7 : memref<125x80xi32, #tpu.memory_space<vmem>>) target_semaphore(%run_scoped3A : memref<!tpu.dma_semaphore, #tpu.memory_space<semaphore_mem>>)
      %dma_wait3A = arith.constant 0 : i32
      %dma_wait3A_37 = arith.constant 0 : i32
      %dma_wait3A_38 = tpu.memref_slice %arg4[%add3A, %dma_wait3A, %dma_wait3A_37] : memref<32x125x80xi32, #tpu.memory_space<hbm>> -> memref<1x125x80xi32, #tpu.memory_space<hbm>>
      %dma_wait3A_39 = tpu.memref_squeeze %dma_wait3A_38 : memref<1x125x80xi32, #tpu.memory_space<hbm>> -> memref<125x80xi32, #tpu.memory_space<hbm>>
      %dma_wait3A_40 = arith.constant 0 : i32
      %dma_wait3A_41 = arith.constant 0 : i32
      %dma_wait3A_42 = tpu.memref_slice %arg4[%add3A, %dma_wait3A_40, %dma_wait3A_41] : memref<32x125x80xi32, #tpu.memory_space<hbm>> -> memref<1x125x80xi32, #tpu.memory_space<hbm>>
      %dma_wait3A_43 = tpu.memref_squeeze %dma_wait3A_42 : memref<1x125x80xi32, #tpu.memory_space<hbm>> -> memref<125x80xi32, #tpu.memory_space<hbm>>
      tpu.wait_dma2 semaphore(%run_scoped3A : memref<!tpu.dma_semaphore, #tpu.memory_space<semaphore_mem>>) src(%dma_wait3A_43 : memref<125x80xi32, #tpu.memory_space<hbm>>) dst(%arg7 : memref<125x80xi32, #tpu.memory_space<vmem>>)
      tpu.yield
    }) : () -> ()
    %scan3A_15 = arith.constant 0 : i32
    %scan3A_16 = arith.constant 0 : i32
    %scan3A_17 = arith.constant 125 : i32
    %scan3A_18 = arith.addi %scan3A_16, %scan3A_17 : i32
    %scan3A_19 = arith.constant 1 : i32
    %scan3A_20 = scf.for %scan3A_30 = %scan3A_16 to %scan3A_18 step %scan3A_19 iter_args(%scan3A_31 = %scan3A_15) -> (i32)  : i32 {
      %dma_start3A = arith.constant 0 : i32
      %dma_start3A_32 = tpu.memref_slice %arg6[%scan3A_30, %dma_start3A] : memref<125x80xi32, #tpu.memory_space<vmem>> -> memref<1x80xi32, #tpu.memory_space<vmem>>
      %dma_start3A_33 = tpu.memref_squeeze %dma_start3A_32 : memref<1x80xi32, #tpu.memory_space<vmem>> -> memref<80xi32, #tpu.memory_space<vmem>>
      %dma_start3A_34 = arith.constant 0 : i32
      %dma_start3A_35 = arith.constant 0 : i32
      %dma_start3A_36 = tpu.memref_slice %arg2[%dma_start3A_34, %dma_start3A_35] : memref<10000x128xf32, #tpu.memory_space<hbm>> -> memref<10000x128xf32, #tpu.memory_space<hbm>>
      tpu.enqueue_indirect_dma source(%dma_start3A_36 : memref<10000x128xf32, #tpu.memory_space<hbm>>) target(%arg8 : memref<80x128xf32, #tpu.memory_space<vmem>>) offsets(%dma_start3A_33 : memref<80xi32, #tpu.memory_space<vmem>>) semaphore(%arg10 : memref<!tpu.dma_semaphore, #tpu.memory_space<semaphore_mem>>)
      %dma_wait3A = arith.constant 0 : i32
      %dma_wait3A_37 = tpu.memref_slice %arg6[%scan3A_30, %dma_wait3A] : memref<125x80xi32, #tpu.memory_space<vmem>> -> memref<1x80xi32, #tpu.memory_space<vmem>>
      %dma_wait3A_38 = tpu.memref_squeeze %dma_wait3A_37 : memref<1x80xi32, #tpu.memory_space<vmem>> -> memref<80xi32, #tpu.memory_space<vmem>>
      %dma_wait3A_39 = arith.constant 0 : i32
      %dma_wait3A_40 = arith.constant 0 : i32
      %dma_wait3A_41 = tpu.memref_slice %arg2[%dma_wait3A_39, %dma_wait3A_40] : memref<10000x128xf32, #tpu.memory_space<hbm>> -> memref<10000x128xf32, #tpu.memory_space<hbm>>
      tpu.wait_indirect_dma semaphore(%arg10 : memref<!tpu.dma_semaphore, #tpu.memory_space<semaphore_mem>>) src(%dma_wait3A_41 : memref<10000x128xf32, #tpu.memory_space<hbm>>) dst(%arg8 : memref<80x128xf32, #tpu.memory_space<vmem>>)
      "tpu.region"() ({
        %run_scoped3A = tpu.sem_alloc : memref<!tpu.dma_semaphore, #tpu.memory_space<semaphore_mem>>
        %dma_start3A_43 = arith.constant 0 : i32
        %dma_start3A_44 = tpu.memref_slice %arg7[%scan3A_30, %dma_start3A_43] : memref<125x80xi32, #tpu.memory_space<vmem>> -> memref<1x80xi32, #tpu.memory_space<vmem>>
        %dma_start3A_45 = tpu.memref_squeeze %dma_start3A_44 : memref<1x80xi32, #tpu.memory_space<vmem>> -> memref<80xi32, #tpu.memory_space<vmem>>
        %dma_start3A_46 = arith.constant 0 : i32
        %dma_start3A_47 = arith.constant 0 : i32
        %dma_start3A_48 = tpu.memref_slice %arg9[%dma_start3A_46, %dma_start3A_47] : memref<10240x128xf32, #tpu.memory_space<vmem_shared>> -> memref<10240x128xf32, #tpu.memory_space<vmem_shared>>
        tpu.enqueue_indirect_dma source(%arg8 : memref<80x128xf32, #tpu.memory_space<vmem>>) target(%dma_start3A_48 : memref<10240x128xf32, #tpu.memory_space<vmem_shared>>) offsets(%dma_start3A_45 : memref<80xi32, #tpu.memory_space<vmem>>) semaphore(%run_scoped3A : memref<!tpu.dma_semaphore, #tpu.memory_space<semaphore_mem>>) {add = true}
        %dma_wait3A_49 = arith.constant 0 : i32
        %dma_wait3A_50 = tpu.memref_slice %arg7[%scan3A_30, %dma_wait3A_49] : memref<125x80xi32, #tpu.memory_space<vmem>> -> memref<1x80xi32, #tpu.memory_space<vmem>>
        %dma_wait3A_51 = tpu.memref_squeeze %dma_wait3A_50 : memref<1x80xi32, #tpu.memory_space<vmem>> -> memref<80xi32, #tpu.memory_space<vmem>>
        %dma_wait3A_52 = arith.constant 0 : i32
        %dma_wait3A_53 = arith.constant 0 : i32
        %dma_wait3A_54 = tpu.memref_slice %arg9[%dma_wait3A_52, %dma_wait3A_53] : memref<10240x128xf32, #tpu.memory_space<vmem_shared>> -> memref<10240x128xf32, #tpu.memory_space<vmem_shared>>
        tpu.wait_indirect_dma semaphore(%run_scoped3A : memref<!tpu.dma_semaphore, #tpu.memory_space<semaphore_mem>>) src(%arg8 : memref<80x128xf32, #tpu.memory_space<vmem>>) dst(%dma_wait3A_54 : memref<10240x128xf32, #tpu.memory_space<vmem_shared>>)
        tpu.yield
      }) : () -> ()
      %scan3A_42 = arith.constant 0 : i32
      scf.yield %scan3A_42 : i32
    }
    %scan3A_21 = arith.constant 125 : i32
    %barrier3A_22 = arith.constant 0 : index
    tpu.barrier barrier_id(%barrier3A_22)
    %scan3A_23 = arith.constant 0 : i32
    %scan3A_24 = arith.constant 0 : i32
    %scan3A_25 = arith.constant 8 : i32
    %scan3A_26 = arith.addi %scan3A_24, %scan3A_25 : i32
    %scan3A_27 = arith.constant 1 : i32
    %scan3A_28 = scf.for %scan3A_30 = %scan3A_24 to %scan3A_26 step %scan3A_27 iter_args(%scan3A_31 = %scan3A_23) -> (i32)  : i32 {
      %mul3A_32 = arith.constant 640 : i32
      %mul3A_33 = arith.muli %arg1, %mul3A_32 : i32
      %mul3A_34 = arith.constant 80 : i32
      %mul3A_35 = arith.muli %scan3A_30, %mul3A_34 : i32
      %add3A_36 = arith.addi %mul3A_33, %mul3A_35 : i32
      "tpu.region"() ({
        %run_scoped3A = tpu.sem_alloc : memref<!tpu.dma_semaphore, #tpu.memory_space<semaphore_mem>>
        %dma_start3A = arith.constant 0 : i32
        %dma_start3A_38 = tpu.memref_slice %arg9[%add3A_36, %dma_start3A] : memref<10240x128xf32, #tpu.memory_space<vmem_shared>> -> memref<80x128xf32, #tpu.memory_space<vmem_shared>>
        %dma_start3A_39 = arith.constant 0 : i32
        %dma_start3A_40 = tpu.memref_slice %arg9[%add3A_36, %dma_start3A_39] : memref<10240x128xf32, #tpu.memory_space<vmem_shared>> -> memref<80x128xf32, #tpu.memory_space<vmem_shared>>
        tpu.enqueue_dma source(%dma_start3A_40 : memref<80x128xf32, #tpu.memory_space<vmem_shared>>) target(%arg8 : memref<80x128xf32, #tpu.memory_space<vmem>>) target_semaphore(%run_scoped3A : memref<!tpu.dma_semaphore, #tpu.memory_space<semaphore_mem>>)
        %dma_wait3A = arith.constant 0 : i32
        %dma_wait3A_41 = tpu.memref_slice %arg9[%add3A_36, %dma_wait3A] : memref<10240x128xf32, #tpu.memory_space<vmem_shared>> -> memref<80x128xf32, #tpu.memory_space<vmem_shared>>
        %dma_wait3A_42 = arith.constant 0 : i32
        %dma_wait3A_43 = tpu.memref_slice %arg9[%add3A_36, %dma_wait3A_42] : memref<10240x128xf32, #tpu.memory_space<vmem_shared>> -> memref<80x128xf32, #tpu.memory_space<vmem_shared>>
        tpu.wait_dma2 semaphore(%run_scoped3A : memref<!tpu.dma_semaphore, #tpu.memory_space<semaphore_mem>>) src(%dma_wait3A_43 : memref<80x128xf32, #tpu.memory_space<vmem_shared>>) dst(%arg8 : memref<80x128xf32, #tpu.memory_space<vmem>>)
        tpu.yield
      }) : () -> ()
      "tpu.region"() ({
        %run_scoped3A = tpu.sem_alloc : memref<!tpu.dma_semaphore, #tpu.memory_space<semaphore_mem>>
        %dma_start3A = arith.constant 0 : i32
        %dma_start3A_38 = tpu.memref_slice %arg5[%arg0, %add3A_36, %dma_start3A] : memref<2x10240x128xf32, #tpu.memory_space<hbm>> -> memref<1x80x128xf32, #tpu.memory_space<hbm>>
        %dma_start3A_39 = tpu.memref_squeeze %dma_start3A_38 : memref<1x80x128xf32, #tpu.memory_space<hbm>> -> memref<80x128xf32, #tpu.memory_space<hbm>>
        %dma_start3A_40 = arith.constant 0 : i32
        %dma_start3A_41 = tpu.memref_slice %arg5[%arg0, %add3A_36, %dma_start3A_40] : memref<2x10240x128xf32, #tpu.memory_space<hbm>> -> memref<1x80x128xf32, #tpu.memory_space<hbm>>
        %dma_start3A_42 = tpu.memref_squeeze %dma_start3A_41 : memref<1x80x128xf32, #tpu.memory_space<hbm>> -> memref<80x128xf32, #tpu.memory_space<hbm>>
        tpu.enqueue_dma source(%arg8 : memref<80x128xf32, #tpu.memory_space<vmem>>) target(%dma_start3A_42 : memref<80x128xf32, #tpu.memory_space<hbm>>) target_semaphore(%run_scoped3A : memref<!tpu.dma_semaphore, #tpu.memory_space<semaphore_mem>>)
        %dma_wait3A = arith.constant 0 : i32
        %dma_wait3A_43 = tpu.memref_slice %arg5[%arg0, %add3A_36, %dma_wait3A] : memref<2x10240x128xf32, #tpu.memory_space<hbm>> -> memref<1x80x128xf32, #tpu.memory_space<hbm>>
        %dma_wait3A_44 = tpu.memref_squeeze %dma_wait3A_43 : memref<1x80x128xf32, #tpu.memory_space<hbm>> -> memref<80x128xf32, #tpu.memory_space<hbm>>
        %dma_wait3A_45 = arith.constant 0 : i32
        %dma_wait3A_46 = tpu.memref_slice %arg5[%arg0, %add3A_36, %dma_wait3A_45] : memref<2x10240x128xf32, #tpu.memory_space<hbm>> -> memref<1x80x128xf32, #tpu.memory_space<hbm>>
        %dma_wait3A_47 = tpu.memref_squeeze %dma_wait3A_46 : memref<1x80x128xf32, #tpu.memory_space<hbm>> -> memref<80x128xf32, #tpu.memory_space<hbm>>
        tpu.wait_dma2 semaphore(%run_scoped3A : memref<!tpu.dma_semaphore, #tpu.memory_space<semaphore_mem>>) src(%arg8 : memref<80x128xf32, #tpu.memory_space<vmem>>) dst(%dma_wait3A_47 : memref<80x128xf32, #tpu.memory_space<hbm>>)
        tpu.yield
      }) : () -> ()
      %scan3A_37 = arith.constant 0 : i32
      scf.yield %scan3A_37 : i32
    }
    %scan3A_29 = arith.constant 8 : i32
    return
  }
}

#map = affine_map<(d0, d1) -> (0, 0)>
#map1 = affine_map<(d0, d1) -> (0, 0, 0)>
module attributes {stable_mosaic.version = 14 : i64} {
  func.func @body(%arg0: i32, %arg1: i32, %arg2: memref<10000x128xf32, #tpu.memory_space<hbm>>, %arg3: memref<32x125x80xi32, #tpu.memory_space<hbm>>, %arg4: memref<32x125x80xi32, #tpu.memory_space<hbm>>, %arg5: memref<2x10240x128xf32, #tpu.memory_space<hbm>>, %arg6: memref<125x80xi32, #tpu.memory_space<vmem>>, %arg7: memref<125x80xi32, #tpu.memory_space<vmem>>, %arg8: memref<80x128xf32, #tpu.memory_space<vmem>>, %arg9: memref<10240x128xf32, #tpu.memory_space<vmem_shared>>, %arg10: memref<!tpu.dma_semaphore, #tpu.memory_space<semaphore_mem>>) attributes {dimension_semantics = [#tpu.dimension_semantics<core_parallel>, #tpu.dimension_semantics<subcore_parallel>], iteration_bounds = array<i64: 2, 16>, scalar_prefetch = 0 : i64, scratch_operands = 5 : i64, tpu.core_type = #tpu.core_type<sc_vector_subcore>, window_params = [{transform_indices = #map}, {transform_indices = #map1}, {transform_indices = #map1}, {transform_indices = #map1}]} {
    %mul3A = arith.constant 16 : i32
    %mul3A_0 = arith.muli %arg0, %mul3A : i32
    %add3A = arith.addi %mul3A_0, %arg1 : i32
    %broadcast_in_dim3A = arith.constant 0.000000e+00 : f32
    %broadcast_in_dim3A_1 = vector.broadcast %broadcast_in_dim3A : f32 to vector<16xf32>
    %scan3A = arith.constant 0 : i32
    %scan3A_2 = arith.constant 0 : i32
    %scan3A_3 = arith.constant 640 : i32
    %scan3A_4 = arith.addi %scan3A_2, %scan3A_3 : i32
    %scan3A_5 = arith.constant 1 : i32
    %scan3A_6 = scf.for %scan3A_30 = %scan3A_2 to %scan3A_4 step %scan3A_5 iter_args(%scan3A_31 = %scan3A) -> (i32)  : i32 {
      %jit3A = arith.constant 8 : i32
      %div3A = arith.divsi %scan3A_30, %jit3A : i32
      %sign3A = arith.constant 0 : i32
      %sign3A_32 = arith.cmpi sgt, %scan3A_30, %sign3A : i32
      %sign3A_33 = arith.extui %sign3A_32 : i1 to i32
      %sign3A_34 = arith.constant 0 : i32
      %sign3A_35 = arith.cmpi slt, %scan3A_30, %sign3A_34 : i32
      %sign3A_36 = arith.extui %sign3A_35 : i1 to i32
      %sign3A_37 = arith.subi %sign3A_33, %sign3A_36 : i32
      %sign3A_38 = arith.constant 0 : i32
      %sign3A_39 = arith.cmpi sgt, %jit3A, %sign3A_38 : i32
      %sign3A_40 = arith.extui %sign3A_39 : i1 to i32
      %sign3A_41 = arith.constant 0 : i32
      %sign3A_42 = arith.cmpi slt, %jit3A, %sign3A_41 : i32
      %sign3A_43 = arith.extui %sign3A_42 : i1 to i32
      %sign3A_44 = arith.subi %sign3A_40, %sign3A_43 : i32
      %ne3A = arith.cmpi ne, %sign3A_37, %sign3A_44 : i32
      %rem3A = arith.remsi %scan3A_30, %jit3A : i32
      %ne3A_45 = arith.constant 0 : i32
      %ne3A_46 = arith.cmpi ne, %rem3A, %ne3A_45 : i32
      %and3A = arith.andi %ne3A, %ne3A_46 : i1
      %sub3A = arith.constant 1 : i32
      %sub3A_47 = arith.subi %div3A, %sub3A : i32
      %select_n3A = arith.select %and3A, %sub3A_47, %div3A : i32
      %jit3A_48 = arith.constant 8 : i32
      %eq3A = arith.constant 0 : i32
      %eq3A_49 = arith.cmpi eq, %jit3A_48, %eq3A : i32
      %jit3A_50 = arith.constant 1 : i32
      %select_n3A_51 = arith.select %eq3A_49, %jit3A_50, %jit3A_48 : i32
      %rem3A_52 = arith.remsi %scan3A_30, %select_n3A_51 : i32
      %ne3A_53 = arith.constant 0 : i32
      %ne3A_54 = arith.cmpi ne, %rem3A_52, %ne3A_53 : i32
      %lt3A = arith.constant 0 : i32
      %lt3A_55 = arith.cmpi slt, %rem3A_52, %lt3A : i32
      %lt3A_56 = arith.constant 0 : i32
      %lt3A_57 = arith.cmpi slt, %select_n3A_51, %lt3A_56 : i32
      %ne3A_58 = arith.xori %lt3A_55, %lt3A_57 : i1
      %and3A_59 = arith.andi %ne3A_58, %ne3A_54 : i1
      %add3A_60 = arith.addi %rem3A_52, %select_n3A_51 : i32
      %select_n3A_61 = arith.select %and3A_59, %add3A_60, %rem3A_52 : i32
      %mul3A_62 = arith.constant 16 : i32
      %mul3A_63 = arith.muli %select_n3A_61, %mul3A_62 : i32
      %swap3A = arith.index_cast %select_n3A : i32 to index
      %swap3A_64 = arith.index_cast %mul3A_63 : i32 to index
      %swap3A_65 = tpu.vector_load %arg8[%swap3A, %swap3A_64] {strides = array<i32>} : memref<80x128xf32, #tpu.memory_space<vmem>>, vector<1x16xf32>,
      %swap3A_66 = vector.shape_cast %swap3A_65 : vector<1x16xf32> to vector<16xf32>
      %swap3A_67 = vector.shape_cast %broadcast_in_dim3A_1 : vector<16xf32> to vector<1x16xf32>
      tpu.vector_store %arg8[%swap3A, %swap3A_64], %swap3A_67 {strides = array<i32>} : memref<80x128xf32, #tpu.memory_space<vmem>>, vector<1x16xf32>,
      %scan3A_68 = arith.constant 0 : i32
      scf.yield %scan3A_68 : i32
    }
    %scan3A_7 = arith.constant 640 : i32
    %scan3A_8 = arith.constant 0 : i32
    %scan3A_9 = arith.constant 0 : i32
    %scan3A_10 = arith.constant 8 : i32
    %scan3A_11 = arith.addi %scan3A_9, %scan3A_10 : i32
    %scan3A_12 = arith.constant 1 : i32
    %scan3A_13 = scf.for %scan3A_30 = %scan3A_9 to %scan3A_11 step %scan3A_12 iter_args(%scan3A_31 = %scan3A_8) -> (i32)  : i32 {
      %mul3A_32 = arith.constant 640 : i32
      %mul3A_33 = arith.muli %arg1, %mul3A_32 : i32
      %mul3A_34 = arith.constant 80 : i32
      %mul3A_35 = arith.muli %scan3A_30, %mul3A_34 : i32
      %add3A_36 = arith.addi %mul3A_33, %mul3A_35 : i32
      "tpu.region"() ({
        %run_scoped3A = tpu.sem_alloc : memref<!tpu.dma_semaphore, #tpu.memory_space<semaphore_mem>>
        %dma_start3A = arith.constant 0 : i32
        %dma_start3A_38 = tpu.memref_slice %arg9[%add3A_36, %dma_start3A] : memref<10240x128xf32, #tpu.memory_space<vmem_shared>> -> memref<80x128xf32, #tpu.memory_space<vmem_shared>>
        %dma_start3A_39 = arith.constant 0 : i32
        %dma_start3A_40 = tpu.memref_slice %arg9[%add3A_36, %dma_start3A_39] : memref<10240x128xf32, #tpu.memory_space<vmem_shared>> -> memref<80x128xf32, #tpu.memory_space<vmem_shared>>
        tpu.enqueue_dma source(%arg8 : memref<80x128xf32, #tpu.memory_space<vmem>>) target(%dma_start3A_40 : memref<80x128xf32, #tpu.memory_space<vmem_shared>>) target_semaphore(%run_scoped3A : memref<!tpu.dma_semaphore, #tpu.memory_space<semaphore_mem>>)
        %dma_wait3A = arith.constant 0 : i32
        %dma_wait3A_41 = tpu.memref_slice %arg9[%add3A_36, %dma_wait3A] : memref<10240x128xf32, #tpu.memory_space<vmem_shared>> -> memref<80x128xf32, #tpu.memory_space<vmem_shared>>
        %dma_wait3A_42 = arith.constant 0 : i32
        %dma_wait3A_43 = tpu.memref_slice %arg9[%add3A_36, %dma_wait3A_42] : memref<10240x128xf32, #tpu.memory_space<vmem_shared>> -> memref<80x128xf32, #tpu.memory_space<vmem_shared>>
        tpu.wait_dma2 semaphore(%run_scoped3A : memref<!tpu.dma_semaphore, #tpu.memory_space<semaphore_mem>>) src(%arg8 : memref<80x128xf32, #tpu.memory_space<vmem>>) dst(%dma_wait3A_43 : memref<80x128xf32, #tpu.memory_space<vmem_shared>>)
        tpu.yield
      }) : () -> ()
      %scan3A_37 = arith.constant 0 : i32
      scf.yield %scan3A_37 : i32
    }
    %scan3A_14 = arith.constant 8 : i32
    %barrier3A = arith.constant 0 : index
    tpu.barrier barrier_id(%barrier3A)
    "tpu.region"() ({
      %run_scoped3A = tpu.sem_alloc : memref<!tpu.dma_semaphore, #tpu.memory_space<semaphore_mem>>
      %dma_start3A = arith.constant 0 : i32
      %dma_start3A_30 = arith.constant 0 : i32
      %dma_start3A_31 = tpu.memref_slice %arg3[%add3A, %dma_start3A, %dma_start3A_30] : memref<32x125x80xi32, #tpu.memory_space<hbm>> -> memref<1x125x80xi32, #tpu.memory_space<hbm>>
      %dma_start3A_32 = tpu.memref_squeeze %dma_start3A_31 : memref<1x125x80xi32, #tpu.memory_space<hbm>> -> memref<125x80xi32, #tpu.memory_space<hbm>>
      %dma_start3A_33 = arith.constant 0 : i32
      %dma_start3A_34 = arith.constant 0 : i32
      %dma_start3A_35 = tpu.memref_slice %arg3[%add3A, %dma_start3A_33, %dma_start3A_34] : memref<32x125x80xi32, #tpu.memory_space<hbm>> -> memref<1x125x80xi32, #tpu.memory_space<hbm>>
      %dma_start3A_36 = tpu.memref_squeeze %dma_start3A_35 : memref<1x125x80xi32, #tpu.memory_space<hbm>> -> memref<125x80xi32, #tpu.memory_space<hbm>>
      tpu.enqueue_dma source(%dma_start3A_36 : memref<125x80xi32, #tpu.memory_space<hbm>>) target(%arg6 : memref<125x80xi32, #tpu.memory_space<vmem>>) target_semaphore(%run_scoped3A : memref<!tpu.dma_semaphore, #tpu.memory_space<semaphore_mem>>)
      %dma_wait3A = arith.constant 0 : i32
      %dma_wait3A_37 = arith.constant 0 : i32
      %dma_wait3A_38 = tpu.memref_slice %arg3[%add3A, %dma_wait3A, %dma_wait3A_37] : memref<32x125x80xi32, #tpu.memory_space<hbm>> -> memref<1x125x80xi32, #tpu.memory_space<hbm>>
      %dma_wait3A_39 = tpu.memref_squeeze %dma_wait3A_38 : memref<1x125x80xi32, #tpu.memory_space<hbm>> -> memref<125x80xi32, #tpu.memory_space<hbm>>
      %dma_wait3A_40 = arith.constant 0 : i32
      %dma_wait3A_41 = arith.constant 0 : i32
      %dma_wait3A_42 = tpu.memref_slice %arg3[%add3A, %dma_wait3A_40, %dma_wait3A_41] : memref<32x125x80xi32, #tpu.memory_space<hbm>> -> memref<1x125x80xi32, #tpu.memory_space<hbm>>
      %dma_wait3A_43 = tpu.memref_squeeze %dma_wait3A_42 : memref<1x125x80xi32, #tpu.memory_space<hbm>> -> memref<125x80xi32, #tpu.memory_space<hbm>>
      tpu.wait_dma2 semaphore(%run_scoped3A : memref<!tpu.dma_semaphore, #tpu.memory_space<semaphore_mem>>) src(%dma_wait3A_43 : memref<125x80xi32, #tpu.memory_space<hbm>>) dst(%arg6 : memref<125x80xi32, #tpu.memory_space<vmem>>)
      tpu.yield
    }) : () -> ()
    "tpu.region"() ({
      %run_scoped3A = tpu.sem_alloc : memref<!tpu.dma_semaphore, #tpu.memory_space<semaphore_mem>>
      %dma_start3A = arith.constant 0 : i32
      %dma_start3A_30 = arith.constant 0 : i32
      %dma_start3A_31 = tpu.memref_slice %arg4[%add3A, %dma_start3A, %dma_start3A_30] : memref<32x125x80xi32, #tpu.memory_space<hbm>> -> memref<1x125x80xi32, #tpu.memory_space<hbm>>
      %dma_start3A_32 = tpu.memref_squeeze %dma_start3A_31 : memref<1x125x80xi32, #tpu.memory_space<hbm>> -> memref<125x80xi32, #tpu.memory_space<hbm>>
      %dma_start3A_33 = arith.constant 0 : i32
      %dma_start3A_34 = arith.constant 0 : i32
      %dma_start3A_35 = tpu.memref_slice %arg4[%add3A, %dma_start3A_33, %dma_start3A_34] : memref<32x125x80xi32, #tpu.memory_space<hbm>> -> memref<1x125x80xi32, #tpu.memory_space<hbm>>
      %dma_start3A_36 = tpu.memref_squeeze %dma_start3A_35 : memref<1x125x80xi32, #tpu.memory_space<hbm>> -> memref<125x80xi32, #tpu.memory_space<hbm>>
      tpu.enqueue_dma source(%dma_start3A_36 : memref<125x80xi32, #tpu.memory_space<hbm>>) target(%arg7 : memref<125x80xi32, #tpu.memory_space<vmem>>) target_semaphore(%run_scoped3A : memref<!tpu.dma_semaphore, #tpu.memory_space<semaphore_mem>>)
      %dma_wait3A = arith.constant 0 : i32
      %dma_wait3A_37 = arith.constant 0 : i32
      %dma_wait3A_38 = tpu.memref_slice %arg4[%add3A, %dma_wait3A, %dma_wait3A_37] : memref<32x125x80xi32, #tpu.memory_space<hbm>> -> memref<1x125x80xi32, #tpu.memory_space<hbm>>
      %dma_wait3A_39 = tpu.memref_squeeze %dma_wait3A_38 : memref<1x125x80xi32, #tpu.memory_space<hbm>> -> memref<125x80xi32, #tpu.memory_space<hbm>>
      %dma_wait3A_40 = arith.constant 0 : i32
      %dma_wait3A_41 = arith.constant 0 : i32
      %dma_wait3A_42 = tpu.memref_slice %arg4[%add3A, %dma_wait3A_40, %dma_wait3A_41] : memref<32x125x80xi32, #tpu.memory_space<hbm>> -> memref<1x125x80xi32, #tpu.memory_space<hbm>>
      %dma_wait3A_43 = tpu.memref_squeeze %dma_wait3A_42 : memref<1x125x80xi32, #tpu.memory_space<hbm>> -> memref<125x80xi32, #tpu.memory_space<hbm>>
      tpu.wait_dma2 semaphore(%run_scoped3A : memref<!tpu.dma_semaphore, #tpu.memory_space<semaphore_mem>>) src(%dma_wait3A_43 : memref<125x80xi32, #tpu.memory_space<hbm>>) dst(%arg7 : memref<125x80xi32, #tpu.memory_space<vmem>>)
      tpu.yield
    }) : () -> ()
    %scan3A_15 = arith.constant 0 : i32
    %scan3A_16 = arith.constant 0 : i32
    %scan3A_17 = arith.constant 125 : i32
    %scan3A_18 = arith.addi %scan3A_16, %scan3A_17 : i32
    %scan3A_19 = arith.constant 1 : i32
    %scan3A_20 = scf.for %scan3A_30 = %scan3A_16 to %scan3A_18 step %scan3A_19 iter_args(%scan3A_31 = %scan3A_15) -> (i32)  : i32 {
      %dma_start3A = arith.constant 0 : i32
      %dma_start3A_32 = tpu.memref_slice %arg6[%scan3A_30, %dma_start3A] : memref<125x80xi32, #tpu.memory_space<vmem>> -> memref<1x80xi32, #tpu.memory_space<vmem>>
      %dma_start3A_33 = tpu.memref_squeeze %dma_start3A_32 : memref<1x80xi32, #tpu.memory_space<vmem>> -> memref<80xi32, #tpu.memory_space<vmem>>
      %dma_start3A_34 = arith.constant 0 : i32
      %dma_start3A_35 = arith.constant 0 : i32
      %dma_start3A_36 = tpu.memref_slice %arg2[%dma_start3A_34, %dma_start3A_35] : memref<10000x128xf32, #tpu.memory_space<hbm>> -> memref<10000x128xf32, #tpu.memory_space<hbm>>
      tpu.enqueue_indirect_dma source(%dma_start3A_36 : memref<10000x128xf32, #tpu.memory_space<hbm>>) target(%arg8 : memref<80x128xf32, #tpu.memory_space<vmem>>) offsets(%dma_start3A_33 : memref<80xi32, #tpu.memory_space<vmem>>) semaphore(%arg10 : memref<!tpu.dma_semaphore, #tpu.memory_space<semaphore_mem>>)
      %dma_wait3A = arith.constant 0 : i32
      %dma_wait3A_37 = tpu.memref_slice %arg6[%scan3A_30, %dma_wait3A] : memref<125x80xi32, #tpu.memory_space<vmem>> -> memref<1x80xi32, #tpu.memory_space<vmem>>
      %dma_wait3A_38 = tpu.memref_squeeze %dma_wait3A_37 : memref<1x80xi32, #tpu.memory_space<vmem>> -> memref<80xi32, #tpu.memory_space<vmem>>
      %dma_wait3A_39 = arith.constant 0 : i32
      %dma_wait3A_40 = arith.constant 0 : i32
      %dma_wait3A_41 = tpu.memref_slice %arg2[%dma_wait3A_39, %dma_wait3A_40] : memref<10000x128xf32, #tpu.memory_space<hbm>> -> memref<10000x128xf32, #tpu.memory_space<hbm>>
      tpu.wait_indirect_dma semaphore(%arg10 : memref<!tpu.dma_semaphore, #tpu.memory_space<semaphore_mem>>) src(%dma_wait3A_41 : memref<10000x128xf32, #tpu.memory_space<hbm>>) dst(%arg8 : memref<80x128xf32, #tpu.memory_space<vmem>>)
      "tpu.region"() ({
        %run_scoped3A = tpu.sem_alloc : memref<!tpu.dma_semaphore, #tpu.memory_space<semaphore_mem>>
        %dma_start3A_43 = arith.constant 0 : i32
        %dma_start3A_44 = tpu.memref_slice %arg7[%scan3A_30, %dma_start3A_43] : memref<125x80xi32, #tpu.memory_space<vmem>> -> memref<1x80xi32, #tpu.memory_space<vmem>>
        %dma_start3A_45 = tpu.memref_squeeze %dma_start3A_44 : memref<1x80xi32, #tpu.memory_space<vmem>> -> memref<80xi32, #tpu.memory_space<vmem>>
        %dma_start3A_46 = arith.constant 0 : i32
        %dma_start3A_47 = arith.constant 0 : i32
        %dma_start3A_48 = tpu.memref_slice %arg9[%dma_start3A_46, %dma_start3A_47] : memref<10240x128xf32, #tpu.memory_space<vmem_shared>> -> memref<10240x128xf32, #tpu.memory_space<vmem_shared>>
        tpu.enqueue_indirect_dma source(%arg8 : memref<80x128xf32, #tpu.memory_space<vmem>>) target(%dma_start3A_48 : memref<10240x128xf32, #tpu.memory_space<vmem_shared>>) offsets(%dma_start3A_45 : memref<80xi32, #tpu.memory_space<vmem>>) semaphore(%run_scoped3A : memref<!tpu.dma_semaphore, #tpu.memory_space<semaphore_mem>>) {add = true}
        %dma_wait3A_49 = arith.constant 0 : i32
        %dma_wait3A_50 = tpu.memref_slice %arg7[%scan3A_30, %dma_wait3A_49] : memref<125x80xi32, #tpu.memory_space<vmem>> -> memref<1x80xi32, #tpu.memory_space<vmem>>
        %dma_wait3A_51 = tpu.memref_squeeze %dma_wait3A_50 : memref<1x80xi32, #tpu.memory_space<vmem>> -> memref<80xi32, #tpu.memory_space<vmem>>
        %dma_wait3A_52 = arith.constant 0 : i32
        %dma_wait3A_53 = arith.constant 0 : i32
        %dma_wait3A_54 = tpu.memref_slice %arg9[%dma_wait3A_52, %dma_wait3A_53] : memref<10240x128xf32, #tpu.memory_space<vmem_shared>> -> memref<10240x128xf32, #tpu.memory_space<vmem_shared>>
        tpu.wait_indirect_dma semaphore(%run_scoped3A : memref<!tpu.dma_semaphore, #tpu.memory_space<semaphore_mem>>) src(%arg8 : memref<80x128xf32, #tpu.memory_space<vmem>>) dst(%dma_wait3A_54 : memref<10240x128xf32, #tpu.memory_space<vmem_shared>>)
        tpu.yield
      }) : () -> ()
      %scan3A_42 = arith.constant 0 : i32
      scf.yield %scan3A_42 : i32
    }
    %scan3A_21 = arith.constant 125 : i32
    %barrier3A_22 = arith.constant 0 : index
    tpu.barrier barrier_id(%barrier3A_22)
    %scan3A_23 = arith.constant 0 : i32
    %scan3A_24 = arith.constant 0 : i32
    %scan3A_25 = arith.constant 8 : i32
    %scan3A_26 = arith.addi %scan3A_24, %scan3A_25 : i32
    %scan3A_27 = arith.constant 1 : i32
    %scan3A_28 = scf.for %scan3A_30 = %scan3A_24 to %scan3A_26 step %scan3A_27 iter_args(%scan3A_31 = %scan3A_23) -> (i32)  : i32 {
      %mul3A_32 = arith.constant 640 : i32
      %mul3A_33 = arith.muli %arg1, %mul3A_32 : i32
      %mul3A_34 = arith.constant 80 : i32
      %mul3A_35 = arith.muli %scan3A_30, %mul3A_34 : i32
      %add3A_36 = arith.addi %mul3A_33, %mul3A_35 : i32
      "tpu.region"() ({
        %run_scoped3A = tpu.sem_alloc : memref<!tpu.dma_semaphore, #tpu.memory_space<semaphore_mem>>
        %dma_start3A = arith.constant 0 : i32
        %dma_start3A_38 = tpu.memref_slice %arg9[%add3A_36, %dma_start3A] : memref<10240x128xf32, #tpu.memory_space<vmem_shared>> -> memref<80x128xf32, #tpu.memory_space<vmem_shared>>
        %dma_start3A_39 = arith.constant 0 : i32
        %dma_start3A_40 = tpu.memref_slice %arg9[%add3A_36, %dma_start3A_39] : memref<10240x128xf32, #tpu.memory_space<vmem_shared>> -> memref<80x128xf32, #tpu.memory_space<vmem_shared>>
        tpu.enqueue_dma source(%dma_start3A_40 : memref<80x128xf32, #tpu.memory_space<vmem_shared>>) target(%arg8 : memref<80x128xf32, #tpu.memory_space<vmem>>) target_semaphore(%run_scoped3A : memref<!tpu.dma_semaphore, #tpu.memory_space<semaphore_mem>>)
        %dma_wait3A = arith.constant 0 : i32
        %dma_wait3A_41 = tpu.memref_slice %arg9[%add3A_36, %dma_wait3A] : memref<10240x128xf32, #tpu.memory_space<vmem_shared>> -> memref<80x128xf32, #tpu.memory_space<vmem_shared>>
        %dma_wait3A_42 = arith.constant 0 : i32
        %dma_wait3A_43 = tpu.memref_slice %arg9[%add3A_36, %dma_wait3A_42] : memref<10240x128xf32, #tpu.memory_space<vmem_shared>> -> memref<80x128xf32, #tpu.memory_space<vmem_shared>>
        tpu.wait_dma2 semaphore(%run_scoped3A : memref<!tpu.dma_semaphore, #tpu.memory_space<semaphore_mem>>) src(%dma_wait3A_43 : memref<80x128xf32, #tpu.memory_space<vmem_shared>>) dst(%arg8 : memref<80x128xf32, #tpu.memory_space<vmem>>)
        tpu.yield
      }) : () -> ()
      "tpu.region"() ({
        %run_scoped3A = tpu.sem_alloc : memref<!tpu.dma_semaphore, #tpu.memory_space<semaphore_mem>>
        %dma_start3A = arith.constant 0 : i32
        %dma_start3A_38 = tpu.memref_slice %arg5[%arg0, %add3A_36, %dma_start3A] : memref<2x10240x128xf32, #tpu.memory_space<hbm>> -> memref<1x80x128xf32, #tpu.memory_space<hbm>>
        %dma_start3A_39 = tpu.memref_squeeze %dma_start3A_38 : memref<1x80x128xf32, #tpu.memory_space<hbm>> -> memref<80x128xf32, #tpu.memory_space<hbm>>
        %dma_start3A_40 = arith.constant 0 : i32
        %dma_start3A_41 = tpu.memref_slice %arg5[%arg0, %add3A_36, %dma_start3A_40] : memref<2x10240x128xf32, #tpu.memory_space<hbm>> -> memref<1x80x128xf32, #tpu.memory_space<hbm>>
        %dma_start3A_42 = tpu.memref_squeeze %dma_start3A_41 : memref<1x80x128xf32, #tpu.memory_space<hbm>> -> memref<80x128xf32, #tpu.memory_space<hbm>>
        tpu.enqueue_dma source(%arg8 : memref<80x128xf32, #tpu.memory_space<vmem>>) target(%dma_start3A_42 : memref<80x128xf32, #tpu.memory_space<hbm>>) target_semaphore(%run_scoped3A : memref<!tpu.dma_semaphore, #tpu.memory_space<semaphore_mem>>)
        %dma_wait3A = arith.constant 0 : i32
        %dma_wait3A_43 = tpu.memref_slice %arg5[%arg0, %add3A_36, %dma_wait3A] : memref<2x10240x128xf32, #tpu.memory_space<hbm>> -> memref<1x80x128xf32, #tpu.memory_space<hbm>>
        %dma_wait3A_44 = tpu.memref_squeeze %dma_wait3A_43 : memref<1x80x128xf32, #tpu.memory_space<hbm>> -> memref<80x128xf32, #tpu.memory_space<hbm>>
        %dma_wait3A_45 = arith.constant 0 : i32
        %dma_wait3A_46 = tpu.memref_slice %arg5[%arg0, %add3A_36, %dma_wait3A_45] : memref<2x10240x128xf32, #tpu.memory_space<hbm>> -> memref<1x80x128xf32, #tpu.memory_space<hbm>>
        %dma_wait3A_47 = tpu.memref_squeeze %dma_wait3A_46 : memref<1x80x128xf32, #tpu.memory_space<hbm>> -> memref<80x128xf32, #tpu.memory_space<hbm>>
        tpu.wait_dma2 semaphore(%run_scoped3A : memref<!tpu.dma_semaphore, #tpu.memory_space<semaphore_mem>>) src(%arg8 : memref<80x128xf32, #tpu.memory_space<vmem>>) dst(%dma_wait3A_47 : memref<80x128xf32, #tpu.memory_space<hbm>>)
        tpu.yield
      }) : () -> ()
      %scan3A_37 = arith.constant 0 : i32
      scf.yield %scan3A_37 : i32
    }
    %scan3A_29 = arith.constant 8 : i32
    return
  }
}

module attributes {stable_mosaic.version = 14 : i64} {
  func.func @body(%arg0: i32, %arg1: memref<2x1000x128xf32, #tpu.memory_space<vmem>>, %arg2: memref<1000x128xf32, #tpu.memory_space<vmem>>, %arg3: memref<1000x1xf32, #tpu.memory_space<vmem>>, %arg4: memref<3x128x128xf32, #tpu.memory_space<vmem>>, %arg5: memref<1000x128xf32, #tpu.memory_space<vmem>>, %arg6: memref<1000x128xf32, #tpu.memory_space<vmem>>) attributes {dimension_semantics = [#tpu.dimension_semantics<arbitrary>], iteration_bounds = array<i64: 10>, scalar_prefetch = 0 : i64, scratch_operands = 0 : i64, tpu.core_type = #tpu.core_type<tc>, window_params = [{transform_indices = @transform_0, window_bounds = array<i64: 2, 1000, 128>}, {transform_indices = @transform_1, window_bounds = array<i64: 1000, 128>}, {transform_indices = @transform_2, window_bounds = array<i64: 1000, 1>}, {pipeline_mode = #tpu.pipeline_mode<synchronous>, transform_indices = @transform_3, window_bounds = array<i64: 3, 128, 128>}, {transform_indices = @transform_4, window_bounds = array<i64: 1000, 128>}, {transform_indices = @transform_5, window_bounds = array<i64: 1000, 128>}]} {
    %get3A = arith.constant 0 : index
    %get3A_0 = arith.constant 0 : index
    %get3A_1 = vector.load %arg3[%get3A, %get3A_0] : memref<1000x1xf32, #tpu.memory_space<vmem>>, vector<1000x1xf32>
    %get3A_2 = arith.constant 0 : index
    %get3A_3 = arith.constant 0 : index
    %get3A_4 = arith.constant 0 : index
    %get3A_5 = vector.load %arg1[%get3A_2, %get3A_3, %get3A_4] : memref<2x1000x128xf32, #tpu.memory_space<vmem>>, vector<1x1000x128xf32>
    %get3A_6 = vector.shape_cast %get3A_5 : vector<1x1000x128xf32> to vector<1000x128xf32>
    %get3A_7 = arith.constant 1 : index
    %get3A_8 = arith.constant 0 : index
    %get3A_9 = arith.constant 0 : index
    %get3A_10 = vector.load %arg1[%get3A_7, %get3A_8, %get3A_9] : memref<2x1000x128xf32, #tpu.memory_space<vmem>>, vector<1x1000x128xf32>
    %get3A_11 = vector.shape_cast %get3A_10 : vector<1x1000x128xf32> to vector<1000x128xf32>
    %add3A = arith.addf %get3A_6, %get3A_11 : vector<1000x128xf32>
    %neg3A = arith.constant 0.000000e+00 : f32
    %neg3A_12 = vector.broadcast %neg3A : f32 to vector<1000x128xf32>
    %neg3A_13 = arith.subf %neg3A_12, %add3A : vector<1000x128xf32>
    %mul3A = vector.broadcast %get3A_1 : vector<1000x1xf32> to vector<1000x128xf32>
    %mul3A_14 = arith.mulf %neg3A_13, %mul3A : vector<1000x128xf32>
    %get3A_15 = arith.constant 0 : index
    %get3A_16 = arith.constant 0 : index
    %get3A_17 = vector.load %arg2[%get3A_15, %get3A_16] : memref<1000x128xf32, #tpu.memory_space<vmem>>, vector<1000x128xf32>
    %get3A_18 = arith.constant 0 : index
    %get3A_19 = arith.constant 0 : index
    %get3A_20 = arith.constant 0 : index
    %get3A_21 = vector.load %arg4[%get3A_18, %get3A_19, %get3A_20] : memref<3x128x128xf32, #tpu.memory_space<vmem>>, vector<1x128x128xf32>
    %get3A_22 = vector.shape_cast %get3A_21 : vector<1x128x128xf32> to vector<128x128xf32>
    %dot_general3A = arith.constant dense<0.000000e+00> : vector<1000x128xf32>
    %dot_general3A_23 = tpu.matmul %get3A_17, %get3A_22, %dot_general3A {dimension_numbers = #tpu.dot_dimension_numbers<[1], [0], [0], [1], [0, 0, 1, 1], [], []>, transpose_lhs_hint = false} : vector<1000x128xf32>, vector<128x128xf32>, vector<1000x128xf32> -> vector<1000x128xf32>
    %get3A_24 = arith.constant 1 : index
    %get3A_25 = arith.constant 0 : index
    %get3A_26 = arith.constant 0 : index
    %get3A_27 = vector.load %arg4[%get3A_24, %get3A_25, %get3A_26] : memref<3x128x128xf32, #tpu.memory_space<vmem>>, vector<1x128x128xf32>
    %get3A_28 = vector.shape_cast %get3A_27 : vector<1x128x128xf32> to vector<128x128xf32>
    %dot_general3A_29 = arith.constant dense<0.000000e+00> : vector<1000x128xf32>
    %dot_general3A_30 = tpu.matmul %mul3A_14, %get3A_28, %dot_general3A_29 {dimension_numbers = #tpu.dot_dimension_numbers<[1], [0], [0], [1], [0, 0, 1, 1], [], []>, transpose_lhs_hint = false} : vector<1000x128xf32>, vector<128x128xf32>, vector<1000x128xf32> -> vector<1000x128xf32>
    %add3A_31 = arith.addf %dot_general3A_23, %dot_general3A_30 : vector<1000x128xf32>
    %swap3A = arith.constant 0 : index
    %swap3A_32 = arith.constant 0 : index
    %swap3A_33 = vector.load %arg5[%swap3A, %swap3A_32] : memref<1000x128xf32, #tpu.memory_space<vmem>>, vector<1000x128xf32>
    tpu.vector_store %arg5[%swap3A, %swap3A_32], %add3A_31 {strides = array<i32>} : memref<1000x128xf32, #tpu.memory_space<vmem>>, vector<1000x128xf32>,
    %mul3A_34 = vector.broadcast %get3A_1 : vector<1000x1xf32> to vector<1000x128xf32>
    %mul3A_35 = arith.mulf %mul3A_14, %mul3A_34 : vector<1000x128xf32>
    %swap3A_36 = arith.constant 0 : index
    %swap3A_37 = arith.constant 0 : index
    %swap3A_38 = vector.load %arg6[%swap3A_36, %swap3A_37] : memref<1000x128xf32, #tpu.memory_space<vmem>>, vector<1000x128xf32>
    tpu.vector_store %arg6[%swap3A_36, %swap3A_37], %mul3A_35 {strides = array<i32>} : memref<1000x128xf32, #tpu.memory_space<vmem>>, vector<1000x128xf32>,
    return
  }
  func.func @transform_0(%arg0: i32) -> (i32, i32, i32) {
    %c0_i32 = arith.constant 0 : i32
    %c0_i32_0 = arith.constant 0 : i32
    %c0_i32_1 = arith.constant 0 : i32
    return %c0_i32, %arg0, %c0_i32_0 : i32, i32, i32
  }
  func.func @transform_1(%arg0: i32) -> (i32, i32) {
    %c0_i32 = arith.constant 0 : i32
    %c0_i32_0 = arith.constant 0 : i32
    return %arg0, %c0_i32 : i32, i32
  }
  func.func @transform_2(%arg0: i32) -> (i32, i32) {
    %c0_i32 = arith.constant 0 : i32
    %c0_i32_0 = arith.constant 0 : i32
    return %arg0, %c0_i32 : i32, i32
  }
  func.func @transform_3(%arg0: i32) -> (i32, i32, i32) {
    %c0_i32 = arith.constant 0 : i32
    %c0_i32_0 = arith.constant 0 : i32
    %c0_i32_1 = arith.constant 0 : i32
    %c0_i32_2 = arith.constant 0 : i32
    return %c0_i32, %c0_i32_0, %c0_i32_1 : i32, i32, i32
  }
  func.func @transform_4(%arg0: i32) -> (i32, i32) {
    %c0_i32 = arith.constant 0 : i32
    %c0_i32_0 = arith.constant 0 : i32
    return %arg0, %c0_i32 : i32, i32
  }
  func.func @transform_5(%arg0: i32) -> (i32, i32) {
    %c0_i32 = arith.constant 0 : i32
    %c0_i32_0 = arith.constant 0 : i32
    return %arg0, %c0_i32 : i32, i32
  }
}

module attributes {stable_mosaic.version = 14 : i64} {
  func.func @body(%arg0: i32, %arg1: memref<2x1000x128xf32, #tpu.memory_space<vmem>>, %arg2: memref<1000x128xf32, #tpu.memory_space<vmem>>, %arg3: memref<1000x1xf32, #tpu.memory_space<vmem>>, %arg4: memref<1000x128xf32, #tpu.memory_space<vmem>>) attributes {dimension_semantics = [#tpu.dimension_semantics<arbitrary>], iteration_bounds = array<i64: 10>, scalar_prefetch = 0 : i64, scratch_operands = 0 : i64, tpu.core_type = #tpu.core_type<tc>, window_params = [{transform_indices = @transform_0, window_bounds = array<i64: 2, 1000, 128>}, {transform_indices = @transform_1, window_bounds = array<i64: 1000, 128>}, {transform_indices = @transform_2, window_bounds = array<i64: 1000, 1>}, {transform_indices = @transform_3, window_bounds = array<i64: 1000, 128>}]} {
    %get3A = arith.constant 0 : index
    %get3A_0 = arith.constant 0 : index
    %get3A_1 = arith.constant 0 : index
    %get3A_2 = vector.load %arg1[%get3A, %get3A_0, %get3A_1] : memref<2x1000x128xf32, #tpu.memory_space<vmem>>, vector<1x1000x1xf32>
    %get3A_3 = vector.shape_cast %get3A_2 : vector<1x1000x1xf32> to vector<1000x1xf32>
    %get3A_4 = arith.constant 1 : index
    %get3A_5 = arith.constant 0 : index
    %get3A_6 = arith.constant 0 : index
    %get3A_7 = vector.load %arg1[%get3A_4, %get3A_5, %get3A_6] : memref<2x1000x128xf32, #tpu.memory_space<vmem>>, vector<1x1000x1xf32>
    %get3A_8 = vector.shape_cast %get3A_7 : vector<1x1000x1xf32> to vector<1000x1xf32>
    %add3A = arith.addf %get3A_3, %get3A_8 : vector<1000x1xf32>
    %gt3A = arith.constant 0.000000e+00 : f32
    %gt3A_9 = vector.broadcast %gt3A : f32 to vector<1000x1xf32>
    %gt3A_10 = arith.cmpf ogt, %add3A, %gt3A_9 : vector<1000x1xf32>
    %jit3A = arith.constant 1.000000e+00 : f32
    %broadcast_in_dim3A = vector.broadcast %jit3A : f32 to vector<1000x1xf32>
    %select_n3A = arith.select %gt3A_10, %add3A, %broadcast_in_dim3A : vector<1000x1xi1>, vector<1000x1xf32>
    %rsqrt3A = math.rsqrt %select_n3A : vector<1000x1xf32>
    %jit3A_11 = arith.constant 0.000000e+00 : f32
    %broadcast_in_dim3A_12 = vector.broadcast %jit3A_11 : f32 to vector<1000x1xf32>
    %select_n3A_13 = arith.select %gt3A_10, %rsqrt3A, %broadcast_in_dim3A_12 : vector<1000x1xi1>, vector<1000x1xf32>
    %swap3A = arith.constant 0 : index
    %swap3A_14 = arith.constant 0 : index
    %swap3A_15 = vector.load %arg3[%swap3A, %swap3A_14] : memref<1000x1xf32, #tpu.memory_space<vmem>>, vector<1000x1xf32>
    tpu.vector_store %arg3[%swap3A, %swap3A_14], %select_n3A_13 {strides = array<i32>} : memref<1000x1xf32, #tpu.memory_space<vmem>>, vector<1000x1xf32>,
    %get3A_16 = arith.constant 0 : index
    %get3A_17 = arith.constant 0 : index
    %get3A_18 = vector.load %arg2[%get3A_16, %get3A_17] : memref<1000x128xf32, #tpu.memory_space<vmem>>, vector<1000x128xf32>
    %mul3A = vector.broadcast %select_n3A_13 : vector<1000x1xf32> to vector<1000x128xf32>
    %mul3A_19 = arith.mulf %get3A_18, %mul3A : vector<1000x128xf32>
    %swap3A_20 = arith.constant 0 : index
    %swap3A_21 = arith.constant 0 : index
    %swap3A_22 = vector.load %arg4[%swap3A_20, %swap3A_21] : memref<1000x128xf32, #tpu.memory_space<vmem>>, vector<1000x128xf32>
    tpu.vector_store %arg4[%swap3A_20, %swap3A_21], %mul3A_19 {strides = array<i32>} : memref<1000x128xf32, #tpu.memory_space<vmem>>, vector<1000x128xf32>,
    return
  }
  func.func @transform_0(%arg0: i32) -> (i32, i32, i32) {
    %c0_i32 = arith.constant 0 : i32
    %c0_i32_0 = arith.constant 0 : i32
    %c0_i32_1 = arith.constant 0 : i32
    return %c0_i32, %arg0, %c0_i32_0 : i32, i32, i32
  }
  func.func @transform_1(%arg0: i32) -> (i32, i32) {
    %c0_i32 = arith.constant 0 : i32
    %c0_i32_0 = arith.constant 0 : i32
    return %arg0, %c0_i32 : i32, i32
  }
  func.func @transform_2(%arg0: i32) -> (i32, i32) {
    %c0_i32 = arith.constant 0 : i32
    %c0_i32_0 = arith.constant 0 : i32
    return %arg0, %c0_i32 : i32, i32
  }
  func.func @transform_3(%arg0: i32) -> (i32, i32) {
    %c0_i32 = arith.constant 0 : i32
    %c0_i32_0 = arith.constant 0 : i32
    return %arg0, %c0_i32 : i32, i32
  }
}

module attributes {stable_mosaic.version = 14 : i64} {
  func.func @body(%arg0: i32, %arg1: memref<2x1000x128xf32, #tpu.memory_space<vmem>>, %arg2: memref<1000x128xf32, #tpu.memory_space<vmem>>, %arg3: memref<1000x128xf32, #tpu.memory_space<vmem>>, %arg4: memref<1000x1xf32, #tpu.memory_space<vmem>>, %arg5: memref<3x128x128xf32, #tpu.memory_space<vmem>>, %arg6: memref<1x128xf32, #tpu.memory_space<vmem>>, %arg7: memref<1000x128xf32, #tpu.memory_space<vmem>>, %arg8: memref<1000x128xf32, #tpu.memory_space<vmem>>) attributes {dimension_semantics = [#tpu.dimension_semantics<arbitrary>], iteration_bounds = array<i64: 10>, scalar_prefetch = 0 : i64, scratch_operands = 0 : i64, tpu.core_type = #tpu.core_type<tc>, window_params = [{transform_indices = @transform_0, window_bounds = array<i64: 2, 1000, 128>}, {transform_indices = @transform_1, window_bounds = array<i64: 1000, 128>}, {transform_indices = @transform_2, window_bounds = array<i64: 1000, 128>}, {transform_indices = @transform_3, window_bounds = array<i64: 1000, 1>}, {pipeline_mode = #tpu.pipeline_mode<synchronous>, transform_indices = @transform_4, window_bounds = array<i64: 3, 128, 128>}, {pipeline_mode = #tpu.pipeline_mode<synchronous>, transform_indices = @transform_5, window_bounds = array<i64: 1, 128>}, {transform_indices = @transform_6, window_bounds = array<i64: 1000, 128>}, {transform_indices = @transform_7, window_bounds = array<i64: 1000, 128>}]} {
    %get3A = arith.constant 0 : index
    %get3A_0 = arith.constant 0 : index
    %get3A_1 = vector.load %arg4[%get3A, %get3A_0] : memref<1000x1xf32, #tpu.memory_space<vmem>>, vector<1000x1xf32>
    %get3A_2 = arith.constant 0 : index
    %get3A_3 = arith.constant 0 : index
    %get3A_4 = arith.constant 0 : index
    %get3A_5 = vector.load %arg1[%get3A_2, %get3A_3, %get3A_4] : memref<2x1000x128xf32, #tpu.memory_space<vmem>>, vector<1x1000x128xf32>
    %get3A_6 = vector.shape_cast %get3A_5 : vector<1x1000x128xf32> to vector<1000x128xf32>
    %get3A_7 = arith.constant 1 : index
    %get3A_8 = arith.constant 0 : index
    %get3A_9 = arith.constant 0 : index
    %get3A_10 = vector.load %arg1[%get3A_7, %get3A_8, %get3A_9] : memref<2x1000x128xf32, #tpu.memory_space<vmem>>, vector<1x1000x128xf32>
    %get3A_11 = vector.shape_cast %get3A_10 : vector<1x1000x128xf32> to vector<1000x128xf32>
    %add3A = arith.addf %get3A_6, %get3A_11 : vector<1000x128xf32>
    %mul3A = arith.constant -2.000000e+00 : f32
    %mul3A_12 = vector.broadcast %mul3A : f32 to vector<1000x128xf32>
    %mul3A_13 = arith.mulf %mul3A_12, %add3A : vector<1000x128xf32>
    %mul3A_14 = vector.broadcast %get3A_1 : vector<1000x1xf32> to vector<1000x128xf32>
    %mul3A_15 = arith.mulf %mul3A_13, %mul3A_14 : vector<1000x128xf32>
    %get3A_16 = arith.constant 0 : index
    %get3A_17 = arith.constant 0 : index
    %get3A_18 = vector.load %arg2[%get3A_16, %get3A_17] : memref<1000x128xf32, #tpu.memory_space<vmem>>, vector<1000x128xf32>
    %sub3A = arith.subf %mul3A_15, %get3A_18 : vector<1000x128xf32>
    %get3A_19 = arith.constant 0 : index
    %get3A_20 = arith.constant 0 : index
    %get3A_21 = vector.load %arg3[%get3A_19, %get3A_20] : memref<1000x128xf32, #tpu.memory_space<vmem>>, vector<1000x128xf32>
    %get3A_22 = arith.constant 2 : index
    %get3A_23 = arith.constant 0 : index
    %get3A_24 = arith.constant 0 : index
    %get3A_25 = vector.load %arg5[%get3A_22, %get3A_23, %get3A_24] : memref<3x128x128xf32, #tpu.memory_space<vmem>>, vector<1x128x128xf32>
    %get3A_26 = vector.shape_cast %get3A_25 : vector<1x128x128xf32> to vector<128x128xf32>
    %dot_general3A = arith.constant dense<0.000000e+00> : vector<1000x128xf32>
    %dot_general3A_27 = tpu.matmul %sub3A, %get3A_26, %dot_general3A {dimension_numbers = #tpu.dot_dimension_numbers<[1], [0], [0], [1], [0, 0, 1, 1], [], []>, transpose_lhs_hint = false} : vector<1000x128xf32>, vector<128x128xf32>, vector<1000x128xf32> -> vector<1000x128xf32>
    %add3A_28 = arith.addf %get3A_21, %dot_general3A_27 : vector<1000x128xf32>
    %get3A_29 = arith.constant 0 : index
    %get3A_30 = arith.constant 0 : index
    %get3A_31 = vector.load %arg6[%get3A_29, %get3A_30] : memref<1x128xf32, #tpu.memory_space<vmem>>, vector<1x128xf32>
    %add3A_32 = vector.broadcast %get3A_31 : vector<1x128xf32> to vector<1000x128xf32>
    %add3A_33 = arith.addf %add3A_28, %add3A_32 : vector<1000x128xf32>
    %max3A = arith.constant 0.000000e+00 : f32
    %max3A_34 = vector.broadcast %max3A : f32 to vector<1000x128xf32>
    %max3A_35 = arith.maximumf %add3A_33, %max3A_34 : vector<1000x128xf32>
    %swap3A = arith.constant 0 : index
    %swap3A_36 = arith.constant 0 : index
    %swap3A_37 = vector.load %arg7[%swap3A, %swap3A_36] : memref<1000x128xf32, #tpu.memory_space<vmem>>, vector<1000x128xf32>
    tpu.vector_store %arg7[%swap3A, %swap3A_36], %max3A_35 {strides = array<i32>} : memref<1000x128xf32, #tpu.memory_space<vmem>>, vector<1000x128xf32>,
    %mul3A_38 = vector.broadcast %get3A_1 : vector<1000x1xf32> to vector<1000x128xf32>
    %mul3A_39 = arith.mulf %max3A_35, %mul3A_38 : vector<1000x128xf32>
    %swap3A_40 = arith.constant 0 : index
    %swap3A_41 = arith.constant 0 : index
    %swap3A_42 = vector.load %arg8[%swap3A_40, %swap3A_41] : memref<1000x128xf32, #tpu.memory_space<vmem>>, vector<1000x128xf32>
    tpu.vector_store %arg8[%swap3A_40, %swap3A_41], %mul3A_39 {strides = array<i32>} : memref<1000x128xf32, #tpu.memory_space<vmem>>, vector<1000x128xf32>,
    return
  }
  func.func @transform_0(%arg0: i32) -> (i32, i32, i32) {
    %c0_i32 = arith.constant 0 : i32
    %c0_i32_0 = arith.constant 0 : i32
    %c0_i32_1 = arith.constant 0 : i32
    return %c0_i32, %arg0, %c0_i32_0 : i32, i32, i32
  }
  func.func @transform_1(%arg0: i32) -> (i32, i32) {
    %c0_i32 = arith.constant 0 : i32
    %c0_i32_0 = arith.constant 0 : i32
    return %arg0, %c0_i32 : i32, i32
  }
  func.func @transform_2(%arg0: i32) -> (i32, i32) {
    %c0_i32 = arith.constant 0 : i32
    %c0_i32_0 = arith.constant 0 : i32
    return %arg0, %c0_i32 : i32, i32
  }
  func.func @transform_3(%arg0: i32) -> (i32, i32) {
    %c0_i32 = arith.constant 0 : i32
    %c0_i32_0 = arith.constant 0 : i32
    return %arg0, %c0_i32 : i32, i32
  }
  func.func @transform_4(%arg0: i32) -> (i32, i32, i32) {
    %c0_i32 = arith.constant 0 : i32
    %c0_i32_0 = arith.constant 0 : i32
    %c0_i32_1 = arith.constant 0 : i32
    %c0_i32_2 = arith.constant 0 : i32
    return %c0_i32, %c0_i32_0, %c0_i32_1 : i32, i32, i32
  }
  func.func @transform_5(%arg0: i32) -> (i32, i32) {
    %c0_i32 = arith.constant 0 : i32
    %c0_i32_0 = arith.constant 0 : i32
    %c0_i32_1 = arith.constant 0 : i32
    return %c0_i32, %c0_i32_0 : i32, i32
  }
  func.func @transform_6(%arg0: i32) -> (i32, i32) {
    %c0_i32 = arith.constant 0 : i32
    %c0_i32_0 = arith.constant 0 : i32
    return %arg0, %c0_i32 : i32, i32
  }
  func.func @transform_7(%arg0: i32) -> (i32, i32) {
    %c0_i32 = arith.constant 0 : i32
    %c0_i32_0 = arith.constant 0 : i32
    return %arg0, %c0_i32 : i32, i32
  }
}

module attributes {stable_mosaic.version = 14 : i64} {
  func.func @body(%arg0: i32, %arg1: memref<2x1000x128xf32, #tpu.memory_space<vmem>>, %arg2: memref<1000x128xf32, #tpu.memory_space<vmem>>, %arg3: memref<1000x1xf32, #tpu.memory_space<vmem>>, %arg4: memref<3x128x40xf32, #tpu.memory_space<vmem>>, %arg5: memref<1000x40xf32, #tpu.memory_space<vmem>>, %arg6: memref<1000x128xf32, #tpu.memory_space<vmem>>) attributes {dimension_semantics = [#tpu.dimension_semantics<arbitrary>], iteration_bounds = array<i64: 10>, scalar_prefetch = 0 : i64, scratch_operands = 0 : i64, tpu.core_type = #tpu.core_type<tc>, window_params = [{transform_indices = @transform_0, window_bounds = array<i64: 2, 1000, 128>}, {transform_indices = @transform_1, window_bounds = array<i64: 1000, 128>}, {transform_indices = @transform_2, window_bounds = array<i64: 1000, 1>}, {pipeline_mode = #tpu.pipeline_mode<synchronous>, transform_indices = @transform_3, window_bounds = array<i64: 3, 128, 40>}, {transform_indices = @transform_4, window_bounds = array<i64: 1000, 40>}, {transform_indices = @transform_5, window_bounds = array<i64: 1000, 128>}]} {
    %get3A = arith.constant 0 : index
    %get3A_0 = arith.constant 0 : index
    %get3A_1 = vector.load %arg3[%get3A, %get3A_0] : memref<1000x1xf32, #tpu.memory_space<vmem>>, vector<1000x1xf32>
    %get3A_2 = arith.constant 0 : index
    %get3A_3 = arith.constant 0 : index
    %get3A_4 = arith.constant 0 : index
    %get3A_5 = vector.load %arg1[%get3A_2, %get3A_3, %get3A_4] : memref<2x1000x128xf32, #tpu.memory_space<vmem>>, vector<1x1000x128xf32>
    %get3A_6 = vector.shape_cast %get3A_5 : vector<1x1000x128xf32> to vector<1000x128xf32>
    %get3A_7 = arith.constant 1 : index
    %get3A_8 = arith.constant 0 : index
    %get3A_9 = arith.constant 0 : index
    %get3A_10 = vector.load %arg1[%get3A_7, %get3A_8, %get3A_9] : memref<2x1000x128xf32, #tpu.memory_space<vmem>>, vector<1x1000x128xf32>
    %get3A_11 = vector.shape_cast %get3A_10 : vector<1x1000x128xf32> to vector<1000x128xf32>
    %add3A = arith.addf %get3A_6, %get3A_11 : vector<1000x128xf32>
    %neg3A = arith.constant 0.000000e+00 : f32
    %neg3A_12 = vector.broadcast %neg3A : f32 to vector<1000x128xf32>
    %neg3A_13 = arith.subf %neg3A_12, %add3A : vector<1000x128xf32>
    %mul3A = vector.broadcast %get3A_1 : vector<1000x1xf32> to vector<1000x128xf32>
    %mul3A_14 = arith.mulf %neg3A_13, %mul3A : vector<1000x128xf32>
    %get3A_15 = arith.constant 0 : index
    %get3A_16 = arith.constant 0 : index
    %get3A_17 = vector.load %arg2[%get3A_15, %get3A_16] : memref<1000x128xf32, #tpu.memory_space<vmem>>, vector<1000x128xf32>
    %get3A_18 = arith.constant 0 : index
    %get3A_19 = arith.constant 0 : index
    %get3A_20 = arith.constant 0 : index
    %get3A_21 = vector.load %arg4[%get3A_18, %get3A_19, %get3A_20] : memref<3x128x40xf32, #tpu.memory_space<vmem>>, vector<1x128x40xf32>
    %get3A_22 = vector.shape_cast %get3A_21 : vector<1x128x40xf32> to vector<128x40xf32>
    %dot_general3A = arith.constant dense<0.000000e+00> : vector<1000x40xf32>
    %dot_general3A_23 = tpu.matmul %get3A_17, %get3A_22, %dot_general3A {dimension_numbers = #tpu.dot_dimension_numbers<[1], [0], [0], [1], [0, 0, 1, 1], [], []>, transpose_lhs_hint = false} : vector<1000x128xf32>, vector<128x40xf32>, vector<1000x40xf32> -> vector<1000x40xf32>
    %get3A_24 = arith.constant 1 : index
    %get3A_25 = arith.constant 0 : index
    %get3A_26 = arith.constant 0 : index
    %get3A_27 = vector.load %arg4[%get3A_24, %get3A_25, %get3A_26] : memref<3x128x40xf32, #tpu.memory_space<vmem>>, vector<1x128x40xf32>
    %get3A_28 = vector.shape_cast %get3A_27 : vector<1x128x40xf32> to vector<128x40xf32>
    %dot_general3A_29 = arith.constant dense<0.000000e+00> : vector<1000x40xf32>
    %dot_general3A_30 = tpu.matmul %mul3A_14, %get3A_28, %dot_general3A_29 {dimension_numbers = #tpu.dot_dimension_numbers<[1], [0], [0], [1], [0, 0, 1, 1], [], []>, transpose_lhs_hint = false} : vector<1000x128xf32>, vector<128x40xf32>, vector<1000x40xf32> -> vector<1000x40xf32>
    %add3A_31 = arith.addf %dot_general3A_23, %dot_general3A_30 : vector<1000x40xf32>
    %swap3A = arith.constant 0 : index
    %swap3A_32 = arith.constant 0 : index
    %swap3A_33 = vector.load %arg5[%swap3A, %swap3A_32] : memref<1000x40xf32, #tpu.memory_space<vmem>>, vector<1000x40xf32>
    tpu.vector_store %arg5[%swap3A, %swap3A_32], %add3A_31 {strides = array<i32>} : memref<1000x40xf32, #tpu.memory_space<vmem>>, vector<1000x40xf32>,
    %mul3A_34 = vector.broadcast %get3A_1 : vector<1000x1xf32> to vector<1000x128xf32>
    %mul3A_35 = arith.mulf %mul3A_14, %mul3A_34 : vector<1000x128xf32>
    %swap3A_36 = arith.constant 0 : index
    %swap3A_37 = arith.constant 0 : index
    %swap3A_38 = vector.load %arg6[%swap3A_36, %swap3A_37] : memref<1000x128xf32, #tpu.memory_space<vmem>>, vector<1000x128xf32>
    tpu.vector_store %arg6[%swap3A_36, %swap3A_37], %mul3A_35 {strides = array<i32>} : memref<1000x128xf32, #tpu.memory_space<vmem>>, vector<1000x128xf32>,
    return
  }
  func.func @transform_0(%arg0: i32) -> (i32, i32, i32) {
    %c0_i32 = arith.constant 0 : i32
    %c0_i32_0 = arith.constant 0 : i32
    %c0_i32_1 = arith.constant 0 : i32
    return %c0_i32, %arg0, %c0_i32_0 : i32, i32, i32
  }
  func.func @transform_1(%arg0: i32) -> (i32, i32) {
    %c0_i32 = arith.constant 0 : i32
    %c0_i32_0 = arith.constant 0 : i32
    return %arg0, %c0_i32 : i32, i32
  }
  func.func @transform_2(%arg0: i32) -> (i32, i32) {
    %c0_i32 = arith.constant 0 : i32
    %c0_i32_0 = arith.constant 0 : i32
    return %arg0, %c0_i32 : i32, i32
  }
  func.func @transform_3(%arg0: i32) -> (i32, i32, i32) {
    %c0_i32 = arith.constant 0 : i32
    %c0_i32_0 = arith.constant 0 : i32
    %c0_i32_1 = arith.constant 0 : i32
    %c0_i32_2 = arith.constant 0 : i32
    return %c0_i32, %c0_i32_0, %c0_i32_1 : i32, i32, i32
  }
  func.func @transform_4(%arg0: i32) -> (i32, i32) {
    %c0_i32 = arith.constant 0 : i32
    %c0_i32_0 = arith.constant 0 : i32
    return %arg0, %c0_i32 : i32, i32
  }
  func.func @transform_5(%arg0: i32) -> (i32, i32) {
    %c0_i32 = arith.constant 0 : i32
    %c0_i32_0 = arith.constant 0 : i32
    return %arg0, %c0_i32 : i32, i32
  }
}

module attributes {stable_mosaic.version = 14 : i64} {
  func.func @body(%arg0: i32, %arg1: memref<2x1000x128xf32, #tpu.memory_space<vmem>>, %arg2: memref<1000x128xf32, #tpu.memory_space<vmem>>, %arg3: memref<1000x40xf32, #tpu.memory_space<vmem>>, %arg4: memref<1000x1xf32, #tpu.memory_space<vmem>>, %arg5: memref<3x128x40xf32, #tpu.memory_space<vmem>>, %arg6: memref<1x40xf32, #tpu.memory_space<vmem>>, %arg7: memref<1000x40xf32, #tpu.memory_space<vmem>>) attributes {dimension_semantics = [#tpu.dimension_semantics<arbitrary>], iteration_bounds = array<i64: 10>, scalar_prefetch = 0 : i64, scratch_operands = 0 : i64, tpu.core_type = #tpu.core_type<tc>, window_params = [{transform_indices = @transform_0, window_bounds = array<i64: 2, 1000, 128>}, {transform_indices = @transform_1, window_bounds = array<i64: 1000, 128>}, {transform_indices = @transform_2, window_bounds = array<i64: 1000, 40>}, {transform_indices = @transform_3, window_bounds = array<i64: 1000, 1>}, {pipeline_mode = #tpu.pipeline_mode<synchronous>, transform_indices = @transform_4, window_bounds = array<i64: 3, 128, 40>}, {pipeline_mode = #tpu.pipeline_mode<synchronous>, transform_indices = @transform_5, window_bounds = array<i64: 1, 40>}, {transform_indices = @transform_6, window_bounds = array<i64: 1000, 40>}]} {
    %get3A = arith.constant 0 : index
    %get3A_0 = arith.constant 0 : index
    %get3A_1 = vector.load %arg4[%get3A, %get3A_0] : memref<1000x1xf32, #tpu.memory_space<vmem>>, vector<1000x1xf32>
    %get3A_2 = arith.constant 0 : index
    %get3A_3 = arith.constant 0 : index
    %get3A_4 = arith.constant 0 : index
    %get3A_5 = vector.load %arg1[%get3A_2, %get3A_3, %get3A_4] : memref<2x1000x128xf32, #tpu.memory_space<vmem>>, vector<1x1000x128xf32>
    %get3A_6 = vector.shape_cast %get3A_5 : vector<1x1000x128xf32> to vector<1000x128xf32>
    %get3A_7 = arith.constant 1 : index
    %get3A_8 = arith.constant 0 : index
    %get3A_9 = arith.constant 0 : index
    %get3A_10 = vector.load %arg1[%get3A_7, %get3A_8, %get3A_9] : memref<2x1000x128xf32, #tpu.memory_space<vmem>>, vector<1x1000x128xf32>
    %get3A_11 = vector.shape_cast %get3A_10 : vector<1x1000x128xf32> to vector<1000x128xf32>
    %add3A = arith.addf %get3A_6, %get3A_11 : vector<1000x128xf32>
    %mul3A = arith.constant -2.000000e+00 : f32
    %mul3A_12 = vector.broadcast %mul3A : f32 to vector<1000x128xf32>
    %mul3A_13 = arith.mulf %mul3A_12, %add3A : vector<1000x128xf32>
    %mul3A_14 = vector.broadcast %get3A_1 : vector<1000x1xf32> to vector<1000x128xf32>
    %mul3A_15 = arith.mulf %mul3A_13, %mul3A_14 : vector<1000x128xf32>
    %get3A_16 = arith.constant 0 : index
    %get3A_17 = arith.constant 0 : index
    %get3A_18 = vector.load %arg2[%get3A_16, %get3A_17] : memref<1000x128xf32, #tpu.memory_space<vmem>>, vector<1000x128xf32>
    %sub3A = arith.subf %mul3A_15, %get3A_18 : vector<1000x128xf32>
    %get3A_19 = arith.constant 0 : index
    %get3A_20 = arith.constant 0 : index
    %get3A_21 = vector.load %arg3[%get3A_19, %get3A_20] : memref<1000x40xf32, #tpu.memory_space<vmem>>, vector<1000x40xf32>
    %get3A_22 = arith.constant 2 : index
    %get3A_23 = arith.constant 0 : index
    %get3A_24 = arith.constant 0 : index
    %get3A_25 = vector.load %arg5[%get3A_22, %get3A_23, %get3A_24] : memref<3x128x40xf32, #tpu.memory_space<vmem>>, vector<1x128x40xf32>
    %get3A_26 = vector.shape_cast %get3A_25 : vector<1x128x40xf32> to vector<128x40xf32>
    %dot_general3A = arith.constant dense<0.000000e+00> : vector<1000x40xf32>
    %dot_general3A_27 = tpu.matmul %sub3A, %get3A_26, %dot_general3A {dimension_numbers = #tpu.dot_dimension_numbers<[1], [0], [0], [1], [0, 0, 1, 1], [], []>, transpose_lhs_hint = false} : vector<1000x128xf32>, vector<128x40xf32>, vector<1000x40xf32> -> vector<1000x40xf32>
    %add3A_28 = arith.addf %get3A_21, %dot_general3A_27 : vector<1000x40xf32>
    %get3A_29 = arith.constant 0 : index
    %get3A_30 = arith.constant 0 : index
    %get3A_31 = vector.load %arg6[%get3A_29, %get3A_30] : memref<1x40xf32, #tpu.memory_space<vmem>>, vector<1x40xf32>
    %add3A_32 = vector.broadcast %get3A_31 : vector<1x40xf32> to vector<1000x40xf32>
    %add3A_33 = arith.addf %add3A_28, %add3A_32 : vector<1000x40xf32>
    %reduce_max3A = arith.constant dense<0xFF800000> : vector<1000xf32>
    %reduce_max3A_34 = vector.multi_reduction <maximumf>, %add3A_33, %reduce_max3A [1] : vector<1000x40xf32> to vector<1000xf32>
    %broadcast_in_dim3A = vector.shape_cast %reduce_max3A_34 : vector<1000xf32> to vector<1000x1xf32>
    %sub3A_35 = vector.broadcast %broadcast_in_dim3A : vector<1000x1xf32> to vector<1000x40xf32>
    %sub3A_36 = arith.subf %add3A_33, %sub3A_35 : vector<1000x40xf32>
    %exp3A = math.exp %sub3A_36 : vector<1000x40xf32>
    %reduce_sum3A = arith.constant dense<0.000000e+00> : vector<1000xf32>
    %reduce_sum3A_37 = vector.multi_reduction <add>, %exp3A, %reduce_sum3A [1] : vector<1000x40xf32> to vector<1000xf32>
    %broadcast_in_dim3A_38 = vector.shape_cast %reduce_sum3A_37 : vector<1000xf32> to vector<1000x1xf32>
    %log3A = math.log %broadcast_in_dim3A_38 : vector<1000x1xf32>
    %sub3A_39 = vector.broadcast %log3A : vector<1000x1xf32> to vector<1000x40xf32>
    %sub3A_40 = arith.subf %sub3A_36, %sub3A_39 : vector<1000x40xf32>
    %swap3A = arith.constant 0 : index
    %swap3A_41 = arith.constant 0 : index
    %swap3A_42 = vector.load %arg7[%swap3A, %swap3A_41] : memref<1000x40xf32, #tpu.memory_space<vmem>>, vector<1000x40xf32>
    tpu.vector_store %arg7[%swap3A, %swap3A_41], %sub3A_40 {strides = array<i32>} : memref<1000x40xf32, #tpu.memory_space<vmem>>, vector<1000x40xf32>,
    return
  }
  func.func @transform_0(%arg0: i32) -> (i32, i32, i32) {
    %c0_i32 = arith.constant 0 : i32
    %c0_i32_0 = arith.constant 0 : i32
    %c0_i32_1 = arith.constant 0 : i32
    return %c0_i32, %arg0, %c0_i32_0 : i32, i32, i32
  }
  func.func @transform_1(%arg0: i32) -> (i32, i32) {
    %c0_i32 = arith.constant 0 : i32
    %c0_i32_0 = arith.constant 0 : i32
    return %arg0, %c0_i32 : i32, i32
  }
  func.func @transform_2(%arg0: i32) -> (i32, i32) {
    %c0_i32 = arith.constant 0 : i32
    %c0_i32_0 = arith.constant 0 : i32
    return %arg0, %c0_i32 : i32, i32
  }
  func.func @transform_3(%arg0: i32) -> (i32, i32) {
    %c0_i32 = arith.constant 0 : i32
    %c0_i32_0 = arith.constant 0 : i32
    return %arg0, %c0_i32 : i32, i32
  }
  func.func @transform_4(%arg0: i32) -> (i32, i32, i32) {
    %c0_i32 = arith.constant 0 : i32
    %c0_i32_0 = arith.constant 0 : i32
    %c0_i32_1 = arith.constant 0 : i32
    %c0_i32_2 = arith.constant 0 : i32
    return %c0_i32, %c0_i32_0, %c0_i32_1 : i32, i32, i32
  }
  func.func @transform_5(%arg0: i32) -> (i32, i32) {
    %c0_i32 = arith.constant 0 : i32
    %c0_i32_0 = arith.constant 0 : i32
    %c0_i32_1 = arith.constant 0 : i32
    return %c0_i32, %c0_i32_0 : i32, i32
  }
  func.func @transform_6(%arg0: i32) -> (i32, i32) {
    %c0_i32 = arith.constant 0 : i32
    %c0_i32_0 = arith.constant 0 : i32
    return %arg0, %c0_i32 : i32, i32
  }
}

</mosaic_0001>

<sc_bundles>
// kernel: kernel.12.cloned.1.call-start
scs
__scs_entry_jumppad:
0x0: {  	(pc) =	sbr.rel $0x88, $3  }
0x1: {  	(tag) =	ssettag $0x0;
	lr =	simm.s32 $0x1  }
0x2: {  	[smem:$0x3F9B] =	sst lr;
	_ =	strace $0xD0000000  }
0x3: {  	_ = 	snop  }
0x4: {  	_ = 	snop  }
0x5: {  	_ = 	snop  }
0x6: {  	_ = 	snop  }
0x7: {  	_ = 	snop  }
__scs_overlays_trampoline_lowered:
0x8: {  	[smem:$0x3FAA] =	sst s0  }
0x9: {  	[smem:$0x3FAB] =	sst s1  }
0xa: {  	[smem:$0x3FAC] =	sst s2  }
0xb: {  	[smem:$0x3FAD] =	sst s3  }
0xc: {  	[smem:$0x3FAE] =	sst s4  }
0xd: {  	[smem:$0x3FAF] =	sst s5  }
0xe: {  	[smem:$0x3FB0] =	sst s6  }
0xf: {  	[smem:$0x3FB1] =	sst s7  }
0x10: {  	[smem:$0x3FB2] =	sst s8  }
0x11: {  	[smem:$0x3FB3] =	sst s9;
	s0 =	simm.s32 @!p0 $0x0  }
0x12: {  	s1 =	sld [smem:$0x3F99];
	s0 =	simm.s32 @p0 $0x1  }
0x13: {  	[smem:$0x3FB4] =	sst s0;
	s0 =	simm.s32 @!p1 $0x0  }
0x14: {  	s2 =	sld [smem:$0x3F98];
	s0 =	simm.s32 @p1 $0x1  }
0x15: {  	[smem:$0x3FB5] =	sst s0;
	s0 =	simm.s32 @!p2 $0x0  }
0x16: {  	s3 =	sld [smem:$0x3FDB];
	s0 =	simm.s32 @p2 $0x1  }
0x17: {  	s4 =	simm.s32 $0x1BF5;
	[smem:$0x3FB7] =	sst s0  }
0x18: {  	s0 =	sld [smem:$0x3F9A];
	_ =	swait.ge [sflag:s4], $0x0  }
0x19: {  	s7 =	sld [smem:$0x3F9B]  }
0x1a: {  	s8 =	sadd.s32 $0xFFFFE003, lr  }
0x1b: {  	s9 =	sadd.s32 $0xFFFFFEF7, lr;
	s5 =	simm.s32 $0xFFFFFFFF;
	p2 =	slt.u32 s8, $0xFFFFF086  }
0x1c: {  	p1 =	slt.u32 s9, $0xF7A;
	s5 =	simm.s32 @!p2 $0x0  }
0x1d: {  	s5 =	simm.s32 @p1 $0x1;
	p0 =	seq.s32 s7, s2  }
0x1e: {  	s7 =	smul.u32 @!p0 $0xF7A, s2;
	p2 =	seq.s32 @!p0 s5, $0x0  }
0x1f: {  	s9 =	smul.u32 $0xF7A, s1;
	s8 =	simm.s32 @!p0 $0x1BF5;
	p2 =	por !p2, p0  }
0x20: {  	[sflag:s8] =	ssyncset.s32 @!p0 $0xFFFFF086;
	s6 =	sadd.s32 @!p0 s3, s7;
	s7 =	simm.s32 @!p0 $0x108  }
0x21: {  	s3 =	sadd.s32 s3, s9;
	s6 =	sadd.s32 @!p0 $0x88, s6;
	s7 =	simm.s32 @p2 $0x1082  }
0x22: {  	[simem:s7], [sflag:s8] =	dma.local @!p0 [hbm:s6], $0xF7A  }
0x23: {  	s9 =	sor.u32 $0xD0000000, s2;
	s6 =	simm.s32 $0x108;
	_ =	swait.ge @!p0 [sflag:s8], $0x0  }
0x24: {  	s3 =	sadd.s32 $0x88, s3;
	s6 =	simm.s32 @!p1 $0x1082;
	[sflag:s4] =	ssyncset.s32 $0xFFFFF086  }
0x25: {  	[simem:s6], [sflag:s4] =	dma.local [hbm:s3], $0xF7A  }
0x26: {  	[smem:$0x3F9B] =	sst s1;
	(tag) =	ssettag s2;
	_ =	strace s9  }
0x27: {  	s1 =	sld [smem:$0x3FAB]  }
0x28: {  	s2 =	sld [smem:$0x3FAC]  }
0x29: {  	s4 =	sld [smem:$0x3FAE]  }
0x2a: {  	p0 =	seq.s32 s5, $0x0;
	s5 =	sld [smem:$0x3FAF]  }
0x2b: {  	s6 =	sld [smem:$0x3FB0]  }
0x2c: {  	s7 =	sld [smem:$0x3FB1]  }
0x2d: {  	s3 =	simm.s32 $0x108;
	s8 =	sld [smem:$0x3FB2]  }
0x2e: {  	s3 =	simm.s32 @!p0 $0x1082;
	s9 =	sld [smem:$0x3FB3]  }
0x2f: {  	lr =	sadd.s32 s0, s3;
	s0 =	sld [smem:$0x3FAA]  }
0x30: {  	s3 =	sld [smem:$0x3FAD]  }
0x31: {  	[smem:$0x3FB6] =	sst s10  }
0x32: {  	s10 =	sld [smem:$0x3FB4];
	_ =	sdelay $0x3  }
0x33: {  	p0 =	seq.s32 s10, $0x1;
	s10 =	sld [smem:$0x3FB6];
	_ =	sdelay $0x3  }
0x34: {  	[smem:$0x3FB6] =	sst s10  }
0x35: {  	s10 =	sld [smem:$0x3FB5];
	_ =	sdelay $0x3  }
0x36: {  	p1 =	seq.s32 s10, $0x1;
	s10 =	sld [smem:$0x3FB6];
	_ =	sdelay $0x3  }
0x37: {  	[smem:$0x3FB6] =	sst s10  }
0x38: {  	s10 =	sld [smem:$0x3FB7]  }
0x39: {  	_ = 	snop;
	(pc) =	sbr.ind lr, $3  }
0x3a: {  	_ = 	snop  }
0x3b: {  	_ = 	snop  }
0x3c: {  	p2 =	seq.s32 s10, $0x1;
	s10 =	sld [smem:$0x3FB6]  }
0x3d: {  	_ =	shalt  }
0x3e: {  	_ =	shalt  }
0x3f: {  	_ =	shalt  }
0x40: {  	_ =	shalt  }
0x41: {  	_ =	shalt  }
0x42: {  	_ =	shalt  }
0x43: {  	_ =	shalt  }
0x44: {  	_ =	shalt  }
0x45: {  	_ =	shalt  }
0x46: {  	_ =	shalt  }
0x47: {  	_ =	shalt  }
0x48: {  	_ =	shalt  }
0x49: {  	_ =	shalt  }
0x4a: {  	_ =	shalt  }
0x4b: {  	_ =	shalt  }
0x4c: {  	_ =	shalt  }
0x4d: {  	_ =	shalt  }
0x4e: {  	_ =	shalt  }
0x4f: {  	_ =	shalt  }
0x50: {  	_ =	shalt  }
0x51: {  	_ =	shalt  }
0x52: {  	_ =	shalt  }
0x53: {  	_ =	shalt  }
0x54: {  	_ =	shalt  }
0x55: {  	_ =	shalt  }
0x56: {  	_ =	shalt  }
0x57: {  	_ =	shalt  }
0x58: {  	_ =	shalt  }
0x59: {  	_ =	shalt  }
0x5a: {  	_ =	shalt  }
0x5b: {  	_ =	shalt  }
0x5c: {  	_ =	shalt  }
0x5d: {  	_ =	shalt  }
0x5e: {  	_ =	shalt  }
0x5f: {  	_ =	shalt  }
0x60: {  	_ =	shalt  }
0x61: {  	_ =	shalt  }
0x62: {  	_ =	shalt  }
0x63: {  	_ =	shalt  }
0x64: {  	_ =	shalt  }
0x65: {  	_ =	shalt  }
0x66: {  	_ =	shalt  }
0x67: {  	_ =	shalt  }
0x68: {  	_ =	shalt  }
0x69: {  	_ =	shalt  }
0x6a: {  	_ =	shalt  }
0x6b: {  	_ =	shalt  }
0x6c: {  	_ =	shalt  }
0x6d: {  	_ =	shalt  }
0x6e: {  	_ =	shalt  }
0x6f: {  	_ =	shalt  }
0x70: {  	_ =	shalt  }
0x71: {  	_ =	shalt  }
0x72: {  	_ =	shalt  }
0x73: {  	_ =	shalt  }
0x74: {  	_ =	shalt  }
0x75: {  	_ =	shalt  }
0x76: {  	_ =	shalt  }
0x77: {  	_ =	shalt  }
0x78: {  	_ =	shalt  }
0x79: {  	_ =	shalt  }
0x7a: {  	_ =	shalt  }
0x7b: {  	_ =	shalt  }
0x7c: {  	_ =	shalt  }
0x7d: {  	_ =	shalt  }
0x7e: {  	_ =	shalt  }
0x7f: {  	_ =	shalt  }
0x80: {  	_ =	shalt  }
0x81: {  	_ =	shalt  }
0x82: {  	_ =	shalt  }
0x83: {  	_ =	shalt  }
0x84: {  	_ =	shalt  }
0x85: {  	_ =	shalt  }
0x86: {  	_ =	shalt  }
0x87: {  	_ =	shalt  }
.Lfunc_end0:
.L_simem_size_0:
called_computation_lowered:
.L_overlay_start_0:
0x88: {  	s2 =	sld [smem:$0x3FD9]  }
0x89: {  	s3 =	sld [smem:$0x3FFE];
	_ =	sdelay $0x1  }
0x8a: {  	s1 =	srdreg.scid  }
0x8b: {  	s0 =	sand.u32 $0x1, s1  }
0x8c: {  	s17 =	sshll.u32 s0, $0xA;
	s2 =	sadd.s32 s3, s2  }
0x8d: {  	s2 =	sadd.s32 s2, s17  }
0x8e: {  	[smem:$0x3FC2] =	sst s2  }
0x8f: {  	_ = 	snop  }
0x90: {  	s2 =	sld [smem:$0x3FD0];
	(tm) =	ssettm $0x1  }
0x91: {  	s18 =	sld [smem:$0x3FFB];
	_ =	sdelay $0x3  }
0x92: {  	_ =	strace s18  }
0x93: {  	s3 =	sld [smem:$0x3FFC];
	_ =	sdelay $0x3  }
0x94: {  	_ =	strace s3  }
0x95: {  	s3 =	sld [smem:$0x3FFD];
	_ =	sdelay $0x3  }
0x96: {  	_ =	strace s3  }
0x97: {  	_ =	strace $0x8FFFFFFF  }
0x98: {  	s19 =	sld [smem:$0x3FDB];
	_ =	sdelay $0x1  }
0x99: {  	s4 =	simm.s32 $_scs_section_size  }
0x9a: {  	s5 =	simm.s32 $_size__tile_overlayer_lowered;
	s6 =	simm.s32 $_tile_overlayer_lowered  }
0x9b: {  	s22 =	simm.s32 $0x1BFF;
	s21 =	sshll.u32 s6, $0x1;
	s3 =	sadd.s32 s4, s19  }
0x9c: {  	s7 =	simm.s32 $0x0;
	s20 =	sshll.u32 s5, $0x1;
	s5 =	sadd.s32 s21, s3  }
0x9d: {  	[timem:s7], [sflag:s22] =	dma.local [hbm:s5], s20  }
0x9e: {  	_ =	swait.ge [sflag:s22], s20  }
0x9f: {  	s4 =	ssub.s32 $0x0, s20;
	[sflag:s22] =	ssyncset.done $0x0  }
0xa0: {  	[sflag:s22] =	ssyncadd.s32 s4;
	_ =	sdelay $0x1  }
0xa1: {  	s23 =	simm.s32 $0x1B8B  }
0xa2: {  	_ =	swait.ge [sflag:s23], $0x1  }
0xa3: {  	[sflag:s23] =	ssyncset.done $0x0  }
0xa4: {  	s25 =	simm.s32 $0x1B8E;
	s24 =	sld [smem:$0x3FFE];
	[sflag:s23] =	ssyncadd.s32 $0xFFFFFFFF  }
0xa5: {  	s26 =	simm.s32 $execute0_lowered;
	[smem:$0x3FD2] =	sst s25  }
0xa6: {  	s5 =	sshll.u32 s26, $0x1;
	_ =	strace $0x80000046;
	[dreg:$0x1] =	wrdreg $0xFFFFFFFF  }
0xa7: {  	s28 =	simm.s32 $_size_execute0_lowered;
	s3 =	sadd.s32 s3, s5;
	[dreg:$0x0] =	wrdreg $0x0  }
0xa8: {  	s5 =	sshll.u32 s28, $0x1;
	[dreg:$0x2] =	wrdreg s3  }
0xa9: {  	[dreg:$0x3] =	wrdreg s5  }
0xaa: {  	[dreg:$0x4] =	wrdreg $0xC0  }
0xab: {  	_ =	task [dreg:s7], $0x5FFFF  }
0xac: {  	[dreg:$0x1] =	wrdreg $0xFFFFFFFF  }
0xad: {  	[dreg:$0x0] =	wrdreg $0x60  }
0xae: {  	[dreg:$0x2] =	wrdreg s2  }
0xaf: {  	[dreg:$0x3] =	wrdreg s24  }
0xb0: {  	[dreg:$0x4] =	wrdreg $0xA8000  }
0xb1: {  	[dreg:$0x5] =	wrdreg $0x9  }
0xb2: {  	_ =	task.clear_ibuf [dreg:s7], $0x6FFFF;
	_ =	strace $0x90000046  }
0xb3: {  	s29 =	simm.s32 $0x9;
	_ =	strace $0x80000048  }
0xb4: {  	_ =	swait.ge [sflag:s29], $0x1  }
0xb5: {  	[sflag:s29] =	ssyncadd.s32 $0xFFFFFFFF  }
0xb6: {  	_ =	strace $0x90000048  }
0xb7: {  	_ =	sfence  }
0xb8: {  	s30 =	sld [smem:$0x0];
	_ =	sdelay $0x2  }
0xb9: {  	s31 =	sshll.u32 s1, $0xD;
	s1 =	sshrl.u32 s1, $0x2  }
0xba: {  	s3 =	sand.u32 $0x4000, s31;
	s1 =	sadd.s32 s1, s30  }
0xbb: {  	s0 =	sor.u32 s3, s0;
	s1 =	sshll.u32 s1, $0x11  }
0xbc: {  	s0 =	sor.u32 s1, s0  }
0xbd: {  	s0 =	sadd.s32 $0x8F2B, s0  }
0xbe: {  	[sflag:s0] =	ssyncadd.remote.s32 $0x1  }
0xbf: {  	_ =	sfence.sel $0xFFFF  }
0xc0: {  	[dreg:$0x0] =	wrdreg $0xFFFFFFFF;
	(pc) =	sbr.abs _section_cstart, $3  }
0xc1: {  	[dreg:$0x1] =	wrdreg $0xFFFFFFFF  }
0xc2: {  	_ =	task.clear_ibuf [dreg:s7], $0x2FFFF;
	_ =	strace $0x9FFFFFFF  }
0xc3: {  	(tm) =	ssettm $0x7FFFFFFF  }
tec
execute0_lowered:
.L_overlay_start_1:
0x0: {  	(tag) =	ssettag $0x1  }
0x1: {  	s1 =	rddreg [dreg:$0x0]  }
0x2: {  	s0 =	rddreg [dreg:$0x1]  }
0x3: {  	s2 =	rddreg [dreg:$0x2];
	s4 =	simm.s32 $0x0;
	s3 =	srdreg.scid  }
0x4: {  	s11 =	stileid.u32;
	s25 =	simm.s32 $0x2;
	s28 =	simm.s32 $0x50  }
0x5: {  	s29 =	simm.s32 $0x1;
	s30 =	simm.s32 $0x0;
	[smem:$0x7FF] =	sst s4  }
0x6: {  	s3 =	sand.u32 $0x1, s3;
	s6 =	sshll.u32 s11, $0xB;
	s8 =	smul.u32 $0x50000, s11  }
0x7: {  	s15 =	smul.u32 $0x14000, s11;
	_ =	strace $0x80000047;
	s5 =	sshll.u32 s3, $0xF  }
0x8: {  	s7 =	ssub.s32 $0x2, s3;
	s3 =	smul.u32 $0x140000, s3;
	s5 =	sor.u32 s6, s5  }
0x9: {  	s26 =	sshrl.u32 s7, $0x1;
	s31 =	sshrl.u32 s8, $0x2;
	s16 =	sor.u32 $0x2800, s15  }
0xa: {  	s18 =	sadd.s32 $0x5000, s15;
	s19 =	sadd.s32 $0x7800, s15;
	s20 =	sadd.s32 $0xA000, s15  }
0xb: {  	s21 =	sadd.s32 $0xC800, s15;
	s22 =	sadd.s32 $0xF000, s15;
	s23 =	sadd.s32 $0x11800, s15  }
0xc: {  	s9 =	sadd.s32 s5, s0;
	s0 =	sadd.s32 $0x23600, s0;
	s10 =	ssub.s32 s7, s26  }
0xd: {  	s7 =	sadd.s32 s31, s2;
	s11 =	sadd.s32 s19, s2;
	s12 =	sadd.s32 s20, s2  }
0xe: {  	s13 =	sadd.s32 s21, s2;
	s14 =	sadd.s32 s22, s2;
	s17 =	sadd.s32 s3, s15  }
0xf: {  	s15 =	sadd.s32 s23, s2;
	s19 =	sadd.s32 s3, s19;
	s20 =	sadd.s32 s3, s20  }
0x10: {  	s21 =	sadd.s32 s3, s21;
	s22 =	sadd.s32 s3, s22;
	s5 =	sadd.s32 $0x13600, s9  }
0x11: {  	s6 =	sadd.s32 $0x3600, s9;
	s8 =	smax.u32 s10, $0x1;
	s9 =	sadd.s32 s16, s2  }
0x12: {  	s10 =	sadd.s32 s18, s2;
	s16 =	sadd.s32 s3, s16;
	s17 =	sshrl.u32 s17, $0x3  }
0x13: {  	s18 =	sadd.s32 s3, s18;
	s19 =	sshrl.u32 s19, $0x3;
	s20 =	sshrl.u32 s20, $0x3  }
0x14: {  	s3 =	sadd.s32 s3, s23;
	s21 =	sshrl.u32 s21, $0x3;
	s22 =	sshrl.u32 s22, $0x3  }
0x15: {  	s24 =	sshrl.u32 s16, $0x3;
	s16 =	sadd.s32 s0, s17;
	s18 =	sshrl.u32 s18, $0x3  }
0x16: {  	s19 =	sadd.s32 s0, s19;
	s20 =	sadd.s32 s0, s20;
	s3 =	sshrl.u32 s3, $0x3  }
0x17: {  	s21 =	sadd.s32 s0, s21;
	s22 =	sadd.s32 s0, s22;
	s17 =	sadd.s32 s0, s24  }
0x18: {  	v0 =	vimm.f32 $0.0e+00;
	s18 =	sadd.s32 s0, s18;
	s23 =	sadd.s32 s0, s3;
	s24 =	simm.s32 $0x8000  }
.LBB2_1:
0x19: {  	s0 =	sand.u32 $0xFE00, s4  }
0x1a: {  	s3 =	sand.u32 $0x70, s4;
	s0 =	sshrl.u32 s0, $0x2  }
0x1b: {  	s31 =	simm.s32 $0x40;
	s3 =	sor.u32 s3, s0;
	s0 =	simm.s32 $0x0  }
.LBB2_2:
0x1c: {  	p0 =	sne.s32 s31, $0x9FC0  }
0x1d: {  	[tilespmem:s3+$0x8000] =	vst v0;
	s0 =	sadd.s32 $0x10, s0;
	s3 =	smov.u32 s31;
	s31 =	sadd.s32 $0x40, s31  }
.Ltmp0:
0x1e: {  	(pc) =	sbr.rel @p0 .LBB2_2-.Ltmp0, $4  }
0x1f: {  	_ = 	snop  }
0x20: {  	s3 =	sand.u32 $0xFE00, s3  }
0x21: {  	s26 =	sand.u32 $0x70, s0;
	s3 =	sshrl.u32 s3, $0x2  }
0x22: {  	s3 =	sor.u32 s26, s3  }
0x23: {  	[tilespmem:s3+$0x8000] =	vst v0  }
0x24: {  	[spmem:s7] =	stream.linear.scatter [tilespmem:s24], [sflag:$0x2], $0x2800, $0x38;
	[tilespmem:$0x1E800] =	vst v63  }
0x25: {  	_ =	swait.ge [sflag:s25], $0x2800  }
0x26: {  	[sflag:s25] =	ssyncset.done $0x0  }
0x27: {  	[sflag:s25] =	ssyncadd.s32 $0xFFFFD800  }
0x28: {  	[spmem:s9] =	stream.linear.scatter [tilespmem:s24], [sflag:$0x2], $0x2800, $0x38;
	[tilespmem:$0x1E800] =	vst v63  }
0x29: {  	_ =	swait.ge [sflag:s25], $0x2800  }
0x2a: {  	[sflag:s25] =	ssyncset.done $0x0  }
0x2b: {  	[sflag:s25] =	ssyncadd.s32 $0xFFFFD800  }
0x2c: {  	[spmem:s10] =	stream.linear.scatter [tilespmem:s24], [sflag:$0x2], $0x2800, $0x38;
	[tilespmem:$0x1E800] =	vst v63  }
0x2d: {  	_ =	swait.ge [sflag:s25], $0x2800  }
0x2e: {  	[sflag:s25] =	ssyncset.done $0x0  }
0x2f: {  	[sflag:s25] =	ssyncadd.s32 $0xFFFFD800  }
0x30: {  	[spmem:s11] =	stream.linear.scatter [tilespmem:s24], [sflag:$0x2], $0x2800, $0x38;
	[tilespmem:$0x1E800] =	vst v63  }
0x31: {  	_ =	swait.ge [sflag:s25], $0x2800  }
0x32: {  	[sflag:s25] =	ssyncset.done $0x0  }
0x33: {  	[sflag:s25] =	ssyncadd.s32 $0xFFFFD800  }
0x34: {  	[spmem:s12] =	stream.linear.scatter [tilespmem:s24], [sflag:$0x2], $0x2800, $0x38;
	[tilespmem:$0x1E800] =	vst v63  }
0x35: {  	_ =	swait.ge [sflag:s25], $0x2800  }
0x36: {  	[sflag:s25] =	ssyncset.done $0x0  }
0x37: {  	[sflag:s25] =	ssyncadd.s32 $0xFFFFD800  }
0x38: {  	[spmem:s13] =	stream.linear.scatter [tilespmem:s24], [sflag:$0x2], $0x2800, $0x38;
	[tilespmem:$0x1E800] =	vst v63  }
0x39: {  	_ =	swait.ge [sflag:s25], $0x2800  }
0x3a: {  	[sflag:s25] =	ssyncset.done $0x0  }
0x3b: {  	[sflag:s25] =	ssyncadd.s32 $0xFFFFD800  }
0x3c: {  	[spmem:s14] =	stream.linear.scatter [tilespmem:s24], [sflag:$0x2], $0x2800, $0x38;
	[tilespmem:$0x1E800] =	vst v63  }
0x3d: {  	_ =	swait.ge [sflag:s25], $0x2800  }
0x3e: {  	[sflag:s25] =	ssyncset.done $0x0  }
0x3f: {  	[sflag:s25] =	ssyncadd.s32 $0xFFFFD800  }
0x40: {  	[spmem:s15] =	stream.linear.scatter [tilespmem:s24], [sflag:$0x2], $0x2800, $0x38;
	[tilespmem:$0x1E800] =	vst v63  }
0x41: {  	_ =	swait.ge [sflag:s25], $0x2800  }
0x42: {  	[sflag:s25] =	ssyncset.done $0x0  }
0x43: {  	[sflag:s25] =	ssyncadd.s32 $0xFFFFD800  }
0x44: {  	s0 =	simm.s32 $0x0;
	[bflag:$0x0] =	sbarrier.arrive $0xFFFF  }
0x45: {  	[tilespmem:s0], [sflag:$0x2] =	stream.linear.gather [hbm4b:s5+s0], $0x3E80, $0x38;
	[tilespmem:$0x1E800] =	vst v63  }
0x46: {  	_ =	swait.ge [sflag:s25], $0x3E80  }
0x47: {  	[sflag:s25] =	ssyncset.done $0x0  }
0x48: {  	s26 =	simm.s32 $0x4000;
	[sflag:s25] =	ssyncadd.s32 $0xFFFFC180  }
0x49: {  	[tilespmem:s26], [sflag:$0x2] =	stream.linear.gather [hbm4b:s6+s0], $0x3E80, $0x38;
	[tilespmem:$0x1E800] =	vst v63  }
0x4a: {  	_ =	swait.ge [sflag:s25], $0x3E80  }
0x4b: {  	[sflag:s25] =	ssyncset.done $0x0  }
0x4c: {  	s3 =	simm.s32 $0x0;
	[sflag:s25] =	ssyncadd.s32 $0xFFFFC180  }
0x4d: {  	[tilespmem:s24], [sflag:$0x1] =	stream.indirect.gather [hbm4b:s1+s28], $0x80, s3, s28, $0xb8;
	[tilespmem:$0x1E800] =	vst v63  }
0x4e: {  	_ =	swait.ge [sflag:s29], $0x2800  }
0x4f: {  	[sflag:s29] =	ssyncset.done $0x0  }
0x50: {  	s26 =	simm.s32 $0x4000;
	[sflag:s29] =	ssyncadd.s32 $0xFFFFD800  }
0x51: {  	[spmem:s2] =	stream.indirect.scatter.add.f32 [tilespmem:s24], [sflag:$0x2], $0x80, s26, s28, $0xb8;
	[tilespmem:$0x1E800] =	vst v63  }
0x52: {  	_ =	swait.ge [sflag:s25], $0x2800  }
0x53: {  	s31 =	simm.s32 $0x200;
	s0 =	simm.s32 $0x400;
	[sflag:s25] =	ssyncset.done $0x0  }
.LBB2_4:
0x54: {  	s3 =	sshra.s32 s31, $0x2  }
0x55: {  	[sflag:s25] =	ssyncadd.s32 $0xFFFFD800;
	s31 =	smov.u32 s0;
	s26 =	sadd.s32 $0x200, s0  }
0x56: {  	[tilespmem:s24], [sflag:$0x1] =	stream.indirect.gather [hbm4b:s1+s28], $0x80, s3, s28, $0xb8;
	[tilespmem:$0x1E800] =	vst v63  }
0x57: {  	p0 =	sne.s32 s0, $0xF800;
	_ =	swait.ge [sflag:s29], $0x2800  }
.Ltmp1:
0x58: {  	[sflag:s29] =	ssyncset.done $0x0;
	(pc) =	sbr.rel @p0 .LBB2_4-.Ltmp1, $4  }
0x59: {  	s0 =	sadd.s32 $0x4000, s3;
	[sflag:s29] =	ssyncadd.s32 $0xFFFFD800  }
0x5a: {  	[spmem:s2] =	stream.indirect.scatter.add.f32 [tilespmem:s24], [sflag:$0x2], $0x80, s0, s28, $0xb8;
	[tilespmem:$0x1E800] =	vst v63  }
0x5b: {  	_ =	swait.ge [sflag:s25], $0x2800  }
0x5c: {  	s0 =	smov.u32 s26;
	[sflag:s25] =	ssyncset.done $0x0  }
0x5d: {  	s0 =	sshra.s32 s31, $0x2;
	[sflag:s25] =	ssyncadd.s32 $0xFFFFD800  }
0x5e: {  	[tilespmem:s24], [sflag:$0x1] =	stream.indirect.gather [hbm4b:s1+s28], $0x80, s0, s28, $0xb8;
	[tilespmem:$0x1E800] =	vst v63  }
0x5f: {  	_ =	swait.ge [sflag:s29], $0x2800  }
0x60: {  	[sflag:s29] =	ssyncset.done $0x0  }
0x61: {  	s0 =	sadd.s32 $0x4000, s0;
	[sflag:s29] =	ssyncadd.s32 $0xFFFFD800  }
0x62: {  	[spmem:s2] =	stream.indirect.scatter.add.f32 [tilespmem:s24], [sflag:$0x2], $0x80, s0, s28, $0xb8;
	[tilespmem:$0x1E800] =	vst v63  }
0x63: {  	_ =	swait.ge [sflag:s25], $0x2800  }
0x64: {  	[sflag:s25] =	ssyncset.done $0x0  }
0x65: {  	[sflag:s25] =	ssyncadd.s32 $0xFFFFD800  }
0x66: {  	[bflag:$0x0] =	sbarrier.arrive $0xFFFF  }
0x67: {  	[tilespmem:s24], [sflag:$0x2] =	stream.linear.gather [spmem:s7], $0x2800, $0x38;
	[tilespmem:$0x1E800] =	vst v63  }
0x68: {  	_ =	swait.ge [sflag:s25], $0x2800  }
0x69: {  	[sflag:s25] =	ssyncset.done $0x0  }
0x6a: {  	[sflag:s25] =	ssyncadd.s32 $0xFFFFD800  }
0x6b: {  	[hbm4b:s16+s4] =	stream.linear.scatter [tilespmem:s24], [sflag:$0x2], $0x2800, $0x38;
	[tilespmem:$0x1E800] =	vst v63  }
0x6c: {  	_ =	swait.ge [sflag:s25], $0x2800  }
0x6d: {  	[sflag:s25] =	ssyncset.done $0x0  }
0x6e: {  	[sflag:s25] =	ssyncadd.s32 $0xFFFFD800  }
0x6f: {  	[tilespmem:s24], [sflag:$0x2] =	stream.linear.gather [spmem:s9], $0x2800, $0x38;
	[tilespmem:$0x1E800] =	vst v63  }
0x70: {  	_ =	swait.ge [sflag:s25], $0x2800  }
0x71: {  	[sflag:s25] =	ssyncset.done $0x0  }
0x72: {  	[sflag:s25] =	ssyncadd.s32 $0xFFFFD800  }
0x73: {  	[hbm4b:s17+s4] =	stream.linear.scatter [tilespmem:s24], [sflag:$0x2], $0x2800, $0x38;
	[tilespmem:$0x1E800] =	vst v63  }
0x74: {  	_ =	swait.ge [sflag:s25], $0x2800  }
0x75: {  	[sflag:s25] =	ssyncset.done $0x0  }
0x76: {  	[sflag:s25] =	ssyncadd.s32 $0xFFFFD800  }
0x77: {  	[tilespmem:s24], [sflag:$0x2] =	stream.linear.gather [spmem:s10], $0x2800, $0x38;
	[tilespmem:$0x1E800] =	vst v63  }
0x78: {  	_ =	swait.ge [sflag:s25], $0x2800  }
0x79: {  	[sflag:s25] =	ssyncset.done $0x0  }
0x7a: {  	[sflag:s25] =	ssyncadd.s32 $0xFFFFD800  }
0x7b: {  	[hbm4b:s18+s4] =	stream.linear.scatter [tilespmem:s24], [sflag:$0x2], $0x2800, $0x38;
	[tilespmem:$0x1E800] =	vst v63  }
0x7c: {  	_ =	swait.ge [sflag:s25], $0x2800  }
0x7d: {  	[sflag:s25] =	ssyncset.done $0x0  }
0x7e: {  	[sflag:s25] =	ssyncadd.s32 $0xFFFFD800  }
0x7f: {  	[tilespmem:s24], [sflag:$0x2] =	stream.linear.gather [spmem:s11], $0x2800, $0x38;
	[tilespmem:$0x1E800] =	vst v63  }
0x80: {  	_ =	swait.ge [sflag:s25], $0x2800  }
0x81: {  	[sflag:s25] =	ssyncset.done $0x0  }
0x82: {  	[sflag:s25] =	ssyncadd.s32 $0xFFFFD800  }
0x83: {  	[hbm4b:s19+s4] =	stream.linear.scatter [tilespmem:s24], [sflag:$0x2], $0x2800, $0x38;
	[tilespmem:$0x1E800] =	vst v63  }
0x84: {  	_ =	swait.ge [sflag:s25], $0x2800  }
0x85: {  	[sflag:s25] =	ssyncset.done $0x0  }
0x86: {  	[sflag:s25] =	ssyncadd.s32 $0xFFFFD800  }
0x87: {  	[tilespmem:s24], [sflag:$0x2] =	stream.linear.gather [spmem:s12], $0x2800, $0x38;
	[tilespmem:$0x1E800] =	vst v63  }
0x88: {  	_ =	swait.ge [sflag:s25], $0x2800  }
0x89: {  	[sflag:s25] =	ssyncset.done $0x0  }
0x8a: {  	[sflag:s25] =	ssyncadd.s32 $0xFFFFD800  }
0x8b: {  	[hbm4b:s20+s4] =	stream.linear.scatter [tilespmem:s24], [sflag:$0x2], $0x2800, $0x38;
	[tilespmem:$0x1E800] =	vst v63  }
0x8c: {  	_ =	swait.ge [sflag:s25], $0x2800  }
0x8d: {  	[sflag:s25] =	ssyncset.done $0x0  }
0x8e: {  	[sflag:s25] =	ssyncadd.s32 $0xFFFFD800  }
0x8f: {  	[tilespmem:s24], [sflag:$0x2] =	stream.linear.gather [spmem:s13], $0x2800, $0x38;
	[tilespmem:$0x1E800] =	vst v63  }
0x90: {  	_ =	swait.ge [sflag:s25], $0x2800  }
0x91: {  	[sflag:s25] =	ssyncset.done $0x0  }
0x92: {  	[sflag:s25] =	ssyncadd.s32 $0xFFFFD800  }
0x93: {  	[hbm4b:s21+s4] =	stream.linear.scatter [tilespmem:s24], [sflag:$0x2], $0x2800, $0x38;
	[tilespmem:$0x1E800] =	vst v63  }
0x94: {  	_ =	swait.ge [sflag:s25], $0x2800  }
0x95: {  	[sflag:s25] =	ssyncset.done $0x0  }
0x96: {  	[sflag:s25] =	ssyncadd.s32 $0xFFFFD800  }
0x97: {  	[tilespmem:s24], [sflag:$0x2] =	stream.linear.gather [spmem:s14], $0x2800, $0x38;
	[tilespmem:$0x1E800] =	vst v63  }
0x98: {  	_ =	swait.ge [sflag:s25], $0x2800  }
0x99: {  	[sflag:s25] =	ssyncset.done $0x0  }
0x9a: {  	[sflag:s25] =	ssyncadd.s32 $0xFFFFD800  }
0x9b: {  	[hbm4b:s22+s4] =	stream.linear.scatter [tilespmem:s24], [sflag:$0x2], $0x2800, $0x38;
	[tilespmem:$0x1E800] =	vst v63  }
0x9c: {  	_ =	swait.ge [sflag:s25], $0x2800  }
0x9d: {  	[sflag:s25] =	ssyncset.done $0x0  }
0x9e: {  	[sflag:s25] =	ssyncadd.s32 $0xFFFFD800  }
0x9f: {  	[tilespmem:s24], [sflag:$0x2] =	stream.linear.gather [spmem:s15], $0x2800, $0x38;
	[tilespmem:$0x1E800] =	vst v63  }
0xa0: {  	s30 =	sadd.s32 $0x1, s30;
	_ =	swait.ge [sflag:s25], $0x2800  }
0xa1: {  	p0 =	sne.s32 s30, s8;
	[sflag:s25] =	ssyncset.done $0x0  }
.Ltmp2:
0xa2: {  	[sflag:s25] =	ssyncadd.s32 $0xFFFFD800;
	(pc) =	sbr.rel @p0 .LBB2_1-.Ltmp2, $4  }
0xa3: {  	[hbm4b:s23+s4] =	stream.linear.scatter [tilespmem:s24], [sflag:$0x2], $0x2800, $0x38;
	[tilespmem:$0x1E800] =	vst v63  }
0xa4: {  	_ =	swait.ge [sflag:s25], $0x2800  }
0xa5: {  	[sflag:s25] =	ssyncset.done $0x0  }
0xa6: {  	[sflag:s25] =	ssyncadd.s32 $0xFFFFD800  }
0xa7: {  	_ =	sfence.sel $0x180000  }
0xa8: {  	[bflag:$0x0] =	sbarrier.arrive $0xFFFF  }
0xa9: {  	_ =	strace $0x90000047  }
0xaa: {  	s0 =	stileid.u32;
	[bflag:$0x2] =	sbarrier.arrive $0xFFFF  }
0xab: {  	p0 =	sne.s32 s0, $0x0;
	s0 =	rddreg [dreg:$0x3]  }
0xac: {  	s0 =	sadd.s32 @!p0 $0x100000, s0  }
0xad: {  	[sflag:s0] =	ssyncadd.tile.s32 @!p0 $0x1;
	_ =	shalt  }
.Lfunc_end2:
_tile_overlayer_lowered:
.L_overlay_start_2:
0xae: {  	(tag) =	ssettag $0x2  }
0xaf: {  	s0 =	rddreg [dreg:$0x0];
	s2 =	stileid.u32  }
0xb0: {  	s1 =	rddreg [dreg:$0x1];
	p0 =	sne.s32 s2, $0x0  }
0xb1: {  	s3 =	rddreg [dreg:$0x2];
	[bflag:$0x3] =	sbarrier.arrive $0xFFFF;
	s2 =	simm.s32 @!p0 $0x1C02  }
0xb2: {  	[timem:s3], [sflag:s2] =	dma.local @!p0 [hbm:s0], s1  }
0xb3: {  	s0 =	simm.s32 @!p0 $0x2  }
0xb4: {  	_ =	swait.ge @!p0 [sflag:s0], s1  }
0xb5: {  	s1 =	ssub.s32 @!p0 $0x0, s1;
	[sflag:s0] =	ssyncset.done @!p0 $0x0  }
0xb6: {  	[sflag:s0] =	ssyncadd.s32 @!p0 s1  }
0xb7: {  	[bflag:$0x3] =	sbarrier.arrive $0xFFFF  }
0xb8: {  	_ =	shalt  }

// kernel: kernel.15.cloned.1.call-start
scs
__scs_entry_jumppad:
0x0: {  	(pc) =	sbr.rel $0x88, $3  }
0x1: {  	(tag) =	ssettag $0x0;
	lr =	simm.s32 $0x1  }
0x2: {  	[smem:$0x3F9B] =	sst lr;
	_ =	strace $0xD0000000  }
0x3: {  	_ = 	snop  }
0x4: {  	_ = 	snop  }
0x5: {  	_ = 	snop  }
0x6: {  	_ = 	snop  }
0x7: {  	_ = 	snop  }
__scs_overlays_trampoline_lowered:
0x8: {  	[smem:$0x3FAA] =	sst s0  }
0x9: {  	[smem:$0x3FAB] =	sst s1  }
0xa: {  	[smem:$0x3FAC] =	sst s2  }
0xb: {  	[smem:$0x3FAD] =	sst s3  }
0xc: {  	[smem:$0x3FAE] =	sst s4  }
0xd: {  	[smem:$0x3FAF] =	sst s5  }
0xe: {  	[smem:$0x3FB0] =	sst s6  }
0xf: {  	[smem:$0x3FB1] =	sst s7  }
0x10: {  	[smem:$0x3FB2] =	sst s8  }
0x11: {  	[smem:$0x3FB3] =	sst s9;
	s0 =	simm.s32 @!p0 $0x0  }
0x12: {  	s1 =	sld [smem:$0x3F99];
	s0 =	simm.s32 @p0 $0x1  }
0x13: {  	[smem:$0x3FB4] =	sst s0;
	s0 =	simm.s32 @!p1 $0x0  }
0x14: {  	s2 =	sld [smem:$0x3F98];
	s0 =	simm.s32 @p1 $0x1  }
0x15: {  	[smem:$0x3FB5] =	sst s0;
	s0 =	simm.s32 @!p2 $0x0  }
0x16: {  	s3 =	sld [smem:$0x3FDB];
	s0 =	simm.s32 @p2 $0x1  }
0x17: {  	s4 =	simm.s32 $0x1BF5;
	[smem:$0x3FB7] =	sst s0  }
0x18: {  	s0 =	sld [smem:$0x3F9A];
	_ =	swait.ge [sflag:s4], $0x0  }
0x19: {  	s7 =	sld [smem:$0x3F9B]  }
0x1a: {  	s8 =	sadd.s32 $0xFFFFE003, lr  }
0x1b: {  	s9 =	sadd.s32 $0xFFFFFEF7, lr;
	s5 =	simm.s32 $0xFFFFFFFF;
	p2 =	slt.u32 s8, $0xFFFFF086  }
0x1c: {  	p1 =	slt.u32 s9, $0xF7A;
	s5 =	simm.s32 @!p2 $0x0  }
0x1d: {  	s5 =	simm.s32 @p1 $0x1;
	p0 =	seq.s32 s7, s2  }
0x1e: {  	s7 =	smul.u32 @!p0 $0xF7A, s2;
	p2 =	seq.s32 @!p0 s5, $0x0  }
0x1f: {  	s9 =	smul.u32 $0xF7A, s1;
	s8 =	simm.s32 @!p0 $0x1BF5;
	p2 =	por !p2, p0  }
0x20: {  	[sflag:s8] =	ssyncset.s32 @!p0 $0xFFFFF086;
	s6 =	sadd.s32 @!p0 s3, s7;
	s7 =	simm.s32 @!p0 $0x108  }
0x21: {  	s3 =	sadd.s32 s3, s9;
	s6 =	sadd.s32 @!p0 $0x88, s6;
	s7 =	simm.s32 @p2 $0x1082  }
0x22: {  	[simem:s7], [sflag:s8] =	dma.local @!p0 [hbm:s6], $0xF7A  }
0x23: {  	s9 =	sor.u32 $0xD0000000, s2;
	s6 =	simm.s32 $0x108;
	_ =	swait.ge @!p0 [sflag:s8], $0x0  }
0x24: {  	s3 =	sadd.s32 $0x88, s3;
	s6 =	simm.s32 @!p1 $0x1082;
	[sflag:s4] =	ssyncset.s32 $0xFFFFF086  }
0x25: {  	[simem:s6], [sflag:s4] =	dma.local [hbm:s3], $0xF7A  }
0x26: {  	[smem:$0x3F9B] =	sst s1;
	(tag) =	ssettag s2;
	_ =	strace s9  }
0x27: {  	s1 =	sld [smem:$0x3FAB]  }
0x28: {  	s2 =	sld [smem:$0x3FAC]  }
0x29: {  	s4 =	sld [smem:$0x3FAE]  }
0x2a: {  	p0 =	seq.s32 s5, $0x0;
	s5 =	sld [smem:$0x3FAF]  }
0x2b: {  	s6 =	sld [smem:$0x3FB0]  }
0x2c: {  	s7 =	sld [smem:$0x3FB1]  }
0x2d: {  	s3 =	simm.s32 $0x108;
	s8 =	sld [smem:$0x3FB2]  }
0x2e: {  	s3 =	simm.s32 @!p0 $0x1082;
	s9 =	sld [smem:$0x3FB3]  }
0x2f: {  	lr =	sadd.s32 s0, s3;
	s0 =	sld [smem:$0x3FAA]  }
0x30: {  	s3 =	sld [smem:$0x3FAD]  }
0x31: {  	[smem:$0x3FB6] =	sst s10  }
0x32: {  	s10 =	sld [smem:$0x3FB4];
	_ =	sdelay $0x3  }
0x33: {  	p0 =	seq.s32 s10, $0x1;
	s10 =	sld [smem:$0x3FB6];
	_ =	sdelay $0x3  }
0x34: {  	[smem:$0x3FB6] =	sst s10  }
0x35: {  	s10 =	sld [smem:$0x3FB5];
	_ =	sdelay $0x3  }
0x36: {  	p1 =	seq.s32 s10, $0x1;
	s10 =	sld [smem:$0x3FB6];
	_ =	sdelay $0x3  }
0x37: {  	[smem:$0x3FB6] =	sst s10  }
0x38: {  	s10 =	sld [smem:$0x3FB7]  }
0x39: {  	_ = 	snop;
	(pc) =	sbr.ind lr, $3  }
0x3a: {  	_ = 	snop  }
0x3b: {  	_ = 	snop  }
0x3c: {  	p2 =	seq.s32 s10, $0x1;
	s10 =	sld [smem:$0x3FB6]  }
0x3d: {  	_ =	shalt  }
0x3e: {  	_ =	shalt  }
0x3f: {  	_ =	shalt  }
0x40: {  	_ =	shalt  }
0x41: {  	_ =	shalt  }
0x42: {  	_ =	shalt  }
0x43: {  	_ =	shalt  }
0x44: {  	_ =	shalt  }
0x45: {  	_ =	shalt  }
0x46: {  	_ =	shalt  }
0x47: {  	_ =	shalt  }
0x48: {  	_ =	shalt  }
0x49: {  	_ =	shalt  }
0x4a: {  	_ =	shalt  }
0x4b: {  	_ =	shalt  }
0x4c: {  	_ =	shalt  }
0x4d: {  	_ =	shalt  }
0x4e: {  	_ =	shalt  }
0x4f: {  	_ =	shalt  }
0x50: {  	_ =	shalt  }
0x51: {  	_ =	shalt  }
0x52: {  	_ =	shalt  }
0x53: {  	_ =	shalt  }
0x54: {  	_ =	shalt  }
0x55: {  	_ =	shalt  }
0x56: {  	_ =	shalt  }
0x57: {  	_ =	shalt  }
0x58: {  	_ =	shalt  }
0x59: {  	_ =	shalt  }
0x5a: {  	_ =	shalt  }
0x5b: {  	_ =	shalt  }
0x5c: {  	_ =	shalt  }
0x5d: {  	_ =	shalt  }
0x5e: {  	_ =	shalt  }
0x5f: {  	_ =	shalt  }
0x60: {  	_ =	shalt  }
0x61: {  	_ =	shalt  }
0x62: {  	_ =	shalt  }
0x63: {  	_ =	shalt  }
0x64: {  	_ =	shalt  }
0x65: {  	_ =	shalt  }
0x66: {  	_ =	shalt  }
0x67: {  	_ =	shalt  }
0x68: {  	_ =	shalt  }
0x69: {  	_ =	shalt  }
0x6a: {  	_ =	shalt  }
0x6b: {  	_ =	shalt  }
0x6c: {  	_ =	shalt  }
0x6d: {  	_ =	shalt  }
0x6e: {  	_ =	shalt  }
0x6f: {  	_ =	shalt  }
0x70: {  	_ =	shalt  }
0x71: {  	_ =	shalt  }
0x72: {  	_ =	shalt  }
0x73: {  	_ =	shalt  }
0x74: {  	_ =	shalt  }
0x75: {  	_ =	shalt  }
0x76: {  	_ =	shalt  }
0x77: {  	_ =	shalt  }
0x78: {  	_ =	shalt  }
0x79: {  	_ =	shalt  }
0x7a: {  	_ =	shalt  }
0x7b: {  	_ =	shalt  }
0x7c: {  	_ =	shalt  }
0x7d: {  	_ =	shalt  }
0x7e: {  	_ =	shalt  }
0x7f: {  	_ =	shalt  }
0x80: {  	_ =	shalt  }
0x81: {  	_ =	shalt  }
0x82: {  	_ =	shalt  }
0x83: {  	_ =	shalt  }
0x84: {  	_ =	shalt  }
0x85: {  	_ =	shalt  }
0x86: {  	_ =	shalt  }
0x87: {  	_ =	shalt  }
.Lfunc_end0:
.L_simem_size_0:
called_computation.1_lowered:
.L_overlay_start_0:
0x88: {  	s2 =	sld [smem:$0x3FD9]  }
0x89: {  	s3 =	sld [smem:$0x3FFE];
	_ =	sdelay $0x1  }
0x8a: {  	s1 =	srdreg.scid  }
0x8b: {  	s0 =	sand.u32 $0x1, s1  }
0x8c: {  	s16 =	sshll.u32 s0, $0xA;
	s2 =	sadd.s32 s3, s2  }
0x8d: {  	s2 =	sadd.s32 s2, s16  }
0x8e: {  	[smem:$0x3FC2] =	sst s2  }
0x8f: {  	_ = 	snop  }
0x90: {  	(tm) =	ssettm $0x1  }
0x91: {  	s17 =	sld [smem:$0x3FFB];
	_ =	sdelay $0x3  }
0x92: {  	_ =	strace s17  }
0x93: {  	s2 =	sld [smem:$0x3FFC];
	_ =	sdelay $0x3  }
0x94: {  	_ =	strace s2  }
0x95: {  	s2 =	sld [smem:$0x3FFD];
	_ =	sdelay $0x3  }
0x96: {  	_ =	strace s2  }
0x97: {  	_ =	strace $0x8FFFFFFF  }
0x98: {  	s18 =	sld [smem:$0x3FDB];
	_ =	sdelay $0x1  }
0x99: {  	s19 =	simm.s32 $_scs_section_size  }
0x9a: {  	s4 =	simm.s32 $_size__tile_overlayer_lowered;
	s5 =	simm.s32 $_tile_overlayer_lowered  }
0x9b: {  	s22 =	simm.s32 $0x1BFF;
	s21 =	sshll.u32 s5, $0x1;
	s2 =	sadd.s32 s19, s18  }
0x9c: {  	s6 =	simm.s32 $0x0;
	s20 =	sshll.u32 s4, $0x1;
	s4 =	sadd.s32 s21, s2  }
0x9d: {  	[timem:s6], [sflag:s22] =	dma.local [hbm:s4], s20  }
0x9e: {  	_ =	swait.ge [sflag:s22], s20  }
0x9f: {  	s3 =	ssub.s32 $0x0, s20;
	[sflag:s22] =	ssyncset.done $0x0  }
0xa0: {  	[sflag:s22] =	ssyncadd.s32 s3;
	_ =	sdelay $0x1  }
0xa1: {  	s23 =	simm.s32 $0x1B8B  }
0xa2: {  	_ =	swait.ge [sflag:s23], $0x1  }
0xa3: {  	[sflag:s23] =	ssyncset.done $0x0  }
0xa4: {  	s25 =	simm.s32 $0x1B8E;
	s24 =	sld [smem:$0x3FFE];
	[sflag:s23] =	ssyncadd.s32 $0xFFFFFFFF  }
0xa5: {  	s26 =	simm.s32 $execute0_lowered;
	[smem:$0x3FD2] =	sst s25  }
0xa6: {  	s4 =	sshll.u32 s26, $0x1;
	_ =	strace $0x80000049;
	[dreg:$0x1] =	wrdreg $0xFFFFFFFF  }
0xa7: {  	s28 =	simm.s32 $_size_execute0_lowered;
	s2 =	sadd.s32 s2, s4;
	[dreg:$0x0] =	wrdreg $0x0  }
0xa8: {  	s4 =	sshll.u32 s28, $0x1;
	[dreg:$0x2] =	wrdreg s2  }
0xa9: {  	[dreg:$0x3] =	wrdreg s4  }
0xaa: {  	[dreg:$0x4] =	wrdreg $0xC0  }
0xab: {  	_ =	task [dreg:s6], $0x5FFFF  }
0xac: {  	[dreg:$0x1] =	wrdreg $0xFFFFFFFF  }
0xad: {  	[dreg:$0x0] =	wrdreg $0x60  }
0xae: {  	[dreg:$0x2] =	wrdreg s24  }
0xaf: {  	[dreg:$0x3] =	wrdreg $0xA8000  }
0xb0: {  	[dreg:$0x4] =	wrdreg $0x9  }
0xb1: {  	_ =	task.clear_ibuf [dreg:s6], $0x5FFFF;
	_ =	strace $0x90000049  }
0xb2: {  	s29 =	simm.s32 $0x9;
	_ =	strace $0x8000004B  }
0xb3: {  	_ =	swait.ge [sflag:s29], $0x1  }
0xb4: {  	[sflag:s29] =	ssyncadd.s32 $0xFFFFFFFF  }
0xb5: {  	_ =	strace $0x9000004B  }
0xb6: {  	_ =	sfence  }
0xb7: {  	s30 =	sld [smem:$0x0];
	_ =	sdelay $0x2  }
0xb8: {  	s31 =	sshll.u32 s1, $0xD;
	s1 =	sshrl.u32 s1, $0x2  }
0xb9: {  	s3 =	sand.u32 $0x4000, s31;
	s1 =	sadd.s32 s1, s30  }
0xba: {  	s0 =	sor.u32 s3, s0;
	s1 =	sshll.u32 s1, $0x11  }
0xbb: {  	s0 =	sor.u32 s1, s0  }
0xbc: {  	s0 =	sadd.s32 $0x8F2B, s0  }
0xbd: {  	[sflag:s0] =	ssyncadd.remote.s32 $0x1  }
0xbe: {  	_ =	sfence.sel $0xFFFF  }
0xbf: {  	[dreg:$0x0] =	wrdreg $0xFFFFFFFF;
	(pc) =	sbr.abs _section_cstart, $3  }
0xc0: {  	[dreg:$0x1] =	wrdreg $0xFFFFFFFF  }
0xc1: {  	_ =	task.clear_ibuf [dreg:s6], $0x2FFFF;
	_ =	strace $0x9FFFFFFF  }
0xc2: {  	(tm) =	ssettm $0x7FFFFFFF  }
0xc3: {  	_ =	shalt  }
tec
execute0_lowered:
.L_overlay_start_1:
0x0: {  	(tag) =	ssettag $0x1  }
0x1: {  	s0 =	rddreg [dreg:$0x0]  }
0x2: {  	s1 =	rddreg [dreg:$0x1]  }
0x3: {  	s2 =	simm.s32 $0x0;
	s3 =	srdreg.scid;
	s11 =	stileid.u32  }
0x4: {  	s25 =	simm.s32 $0x2;
	s28 =	simm.s32 $0x50;
	s29 =	simm.s32 $0x1  }
0x5: {  	s30 =	simm.s32 $0x0;
	[smem:$0x7FF] =	sst s2;
	s4 =	sadd.s32 $0x13600, s0  }
0x6: {  	s3 =	sand.u32 $0x1, s3;
	s6 =	sshll.u32 s11, $0xB;
	s8 =	smul.u32 $0x50000, s11  }
0x7: {  	s15 =	smul.u32 $0x14000, s11;
	_ =	strace $0x8000004A;
	s5 =	sshll.u32 s3, $0xF  }
0x8: {  	s7 =	ssub.s32 $0x2, s3;
	s3 =	smul.u32 $0x140000, s3;
	s5 =	sor.u32 s6, s5  }
0x9: {  	s26 =	sshrl.u32 s7, $0x1;
	s31 =	sshrl.u32 s8, $0x2;
	s16 =	sor.u32 $0x2800, s15  }
0xa: {  	s18 =	sadd.s32 $0x5000, s15;
	s19 =	sadd.s32 $0x7800, s15;
	s20 =	sadd.s32 $0xA000, s15  }
0xb: {  	s21 =	sadd.s32 $0xC800, s15;
	s22 =	sadd.s32 $0xF000, s15;
	s23 =	sadd.s32 $0x11800, s15  }
0xc: {  	s9 =	sadd.s32 s5, s0;
	s0 =	sadd.s32 $0x83600, s0;
	s10 =	ssub.s32 s7, s26  }
0xd: {  	s7 =	sadd.s32 s31, s1;
	s11 =	sadd.s32 s19, s1;
	s12 =	sadd.s32 s20, s1  }
0xe: {  	s13 =	sadd.s32 s21, s1;
	s14 =	sadd.s32 s22, s1;
	s17 =	sadd.s32 s3, s15  }
0xf: {  	s15 =	sadd.s32 s23, s1;
	s19 =	sadd.s32 s3, s19;
	s20 =	sadd.s32 s3, s20  }
0x10: {  	s21 =	sadd.s32 s3, s21;
	s22 =	sadd.s32 s3, s22;
	s5 =	sadd.s32 $0x3600, s9  }
0x11: {  	s6 =	sadd.s32 $0x73600, s9;
	s8 =	smax.u32 s10, $0x1;
	s9 =	sadd.s32 s16, s1  }
0x12: {  	s10 =	sadd.s32 s18, s1;
	s16 =	sadd.s32 s3, s16;
	s17 =	sshrl.u32 s17, $0x3  }
0x13: {  	s18 =	sadd.s32 s3, s18;
	s19 =	sshrl.u32 s19, $0x3;
	s20 =	sshrl.u32 s20, $0x3  }
0x14: {  	s3 =	sadd.s32 s3, s23;
	s21 =	sshrl.u32 s21, $0x3;
	s22 =	sshrl.u32 s22, $0x3  }
0x15: {  	s24 =	sshrl.u32 s16, $0x3;
	s16 =	sadd.s32 s0, s17;
	s18 =	sshrl.u32 s18, $0x3  }
0x16: {  	s19 =	sadd.s32 s0, s19;
	s20 =	sadd.s32 s0, s20;
	s3 =	sshrl.u32 s3, $0x3  }
0x17: {  	s21 =	sadd.s32 s0, s21;
	s22 =	sadd.s32 s0, s22;
	s17 =	sadd.s32 s0, s24  }
0x18: {  	v0 =	vimm.f32 $0.0e+00;
	s18 =	sadd.s32 s0, s18;
	s23 =	sadd.s32 s0, s3;
	s24 =	simm.s32 $0x8000  }
.LBB2_1:
0x19: {  	s0 =	sand.u32 $0xFE00, s2  }
0x1a: {  	s3 =	sand.u32 $0x70, s2;
	s0 =	sshrl.u32 s0, $0x2  }
0x1b: {  	s31 =	simm.s32 $0x40;
	s3 =	sor.u32 s3, s0;
	s0 =	simm.s32 $0x0  }
.LBB2_2:
0x1c: {  	p0 =	sne.s32 s31, $0x9FC0  }
0x1d: {  	[tilespmem:s3+$0x8000] =	vst v0;
	s0 =	sadd.s32 $0x10, s0;
	s3 =	smov.u32 s31;
	s31 =	sadd.s32 $0x40, s31  }
.Ltmp0:
0x1e: {  	(pc) =	sbr.rel @p0 .LBB2_2-.Ltmp0, $4  }
0x1f: {  	_ = 	snop  }
0x20: {  	s3 =	sand.u32 $0xFE00, s3  }
0x21: {  	s26 =	sand.u32 $0x70, s0;
	s3 =	sshrl.u32 s3, $0x2  }
0x22: {  	s3 =	sor.u32 s26, s3  }
0x23: {  	[tilespmem:s3+$0x8000] =	vst v0  }
0x24: {  	[spmem:s7] =	stream.linear.scatter [tilespmem:s24], [sflag:$0x2], $0x2800, $0x38;
	[tilespmem:$0x1E800] =	vst v63  }
0x25: {  	_ =	swait.ge [sflag:s25], $0x2800  }
0x26: {  	[sflag:s25] =	ssyncset.done $0x0  }
0x27: {  	[sflag:s25] =	ssyncadd.s32 $0xFFFFD800  }
0x28: {  	[spmem:s9] =	stream.linear.scatter [tilespmem:s24], [sflag:$0x2], $0x2800, $0x38;
	[tilespmem:$0x1E800] =	vst v63  }
0x29: {  	_ =	swait.ge [sflag:s25], $0x2800  }
0x2a: {  	[sflag:s25] =	ssyncset.done $0x0  }
0x2b: {  	[sflag:s25] =	ssyncadd.s32 $0xFFFFD800  }
0x2c: {  	[spmem:s10] =	stream.linear.scatter [tilespmem:s24], [sflag:$0x2], $0x2800, $0x38;
	[tilespmem:$0x1E800] =	vst v63  }
0x2d: {  	_ =	swait.ge [sflag:s25], $0x2800  }
0x2e: {  	[sflag:s25] =	ssyncset.done $0x0  }
0x2f: {  	[sflag:s25] =	ssyncadd.s32 $0xFFFFD800  }
0x30: {  	[spmem:s11] =	stream.linear.scatter [tilespmem:s24], [sflag:$0x2], $0x2800, $0x38;
	[tilespmem:$0x1E800] =	vst v63  }
0x31: {  	_ =	swait.ge [sflag:s25], $0x2800  }
0x32: {  	[sflag:s25] =	ssyncset.done $0x0  }
0x33: {  	[sflag:s25] =	ssyncadd.s32 $0xFFFFD800  }
0x34: {  	[spmem:s12] =	stream.linear.scatter [tilespmem:s24], [sflag:$0x2], $0x2800, $0x38;
	[tilespmem:$0x1E800] =	vst v63  }
0x35: {  	_ =	swait.ge [sflag:s25], $0x2800  }
0x36: {  	[sflag:s25] =	ssyncset.done $0x0  }
0x37: {  	[sflag:s25] =	ssyncadd.s32 $0xFFFFD800  }
0x38: {  	[spmem:s13] =	stream.linear.scatter [tilespmem:s24], [sflag:$0x2], $0x2800, $0x38;
	[tilespmem:$0x1E800] =	vst v63  }
0x39: {  	_ =	swait.ge [sflag:s25], $0x2800  }
0x3a: {  	[sflag:s25] =	ssyncset.done $0x0  }
0x3b: {  	[sflag:s25] =	ssyncadd.s32 $0xFFFFD800  }
0x3c: {  	[spmem:s14] =	stream.linear.scatter [tilespmem:s24], [sflag:$0x2], $0x2800, $0x38;
	[tilespmem:$0x1E800] =	vst v63  }
0x3d: {  	_ =	swait.ge [sflag:s25], $0x2800  }
0x3e: {  	[sflag:s25] =	ssyncset.done $0x0  }
0x3f: {  	[sflag:s25] =	ssyncadd.s32 $0xFFFFD800  }
0x40: {  	[spmem:s15] =	stream.linear.scatter [tilespmem:s24], [sflag:$0x2], $0x2800, $0x38;
	[tilespmem:$0x1E800] =	vst v63  }
0x41: {  	_ =	swait.ge [sflag:s25], $0x2800  }
0x42: {  	[sflag:s25] =	ssyncset.done $0x0  }
0x43: {  	[sflag:s25] =	ssyncadd.s32 $0xFFFFD800  }
0x44: {  	s0 =	simm.s32 $0x0;
	[bflag:$0x0] =	sbarrier.arrive $0xFFFF  }
0x45: {  	[tilespmem:s0], [sflag:$0x2] =	stream.linear.gather [hbm4b:s5+s0], $0x3E80, $0x38;
	[tilespmem:$0x1E800] =	vst v63  }
0x46: {  	_ =	swait.ge [sflag:s25], $0x3E80  }
0x47: {  	[sflag:s25] =	ssyncset.done $0x0  }
0x48: {  	s26 =	simm.s32 $0x4000;
	[sflag:s25] =	ssyncadd.s32 $0xFFFFC180  }
0x49: {  	[tilespmem:s26], [sflag:$0x2] =	stream.linear.gather [hbm4b:s6+s0], $0x3E80, $0x38;
	[tilespmem:$0x1E800] =	vst v63  }
0x4a: {  	_ =	swait.ge [sflag:s25], $0x3E80  }
0x4b: {  	[sflag:s25] =	ssyncset.done $0x0  }
0x4c: {  	s3 =	simm.s32 $0x0;
	[sflag:s25] =	ssyncadd.s32 $0xFFFFC180  }
0x4d: {  	[tilespmem:s24], [sflag:$0x1] =	stream.indirect.gather [hbm4b:s4+s28], $0x80, s3, s28, $0xb8;
	[tilespmem:$0x1E800] =	vst v63  }
0x4e: {  	_ =	swait.ge [sflag:s29], $0x2800  }
0x4f: {  	[sflag:s29] =	ssyncset.done $0x0  }
0x50: {  	s26 =	simm.s32 $0x4000;
	[sflag:s29] =	ssyncadd.s32 $0xFFFFD800  }
0x51: {  	[spmem:s1] =	stream.indirect.scatter.add.f32 [tilespmem:s24], [sflag:$0x2], $0x80, s26, s28, $0xb8;
	[tilespmem:$0x1E800] =	vst v63  }
0x52: {  	_ =	swait.ge [sflag:s25], $0x2800  }
0x53: {  	s31 =	simm.s32 $0x200;
	s0 =	simm.s32 $0x400;
	[sflag:s25] =	ssyncset.done $0x0  }
.LBB2_4:
0x54: {  	s3 =	sshra.s32 s31, $0x2  }
0x55: {  	[sflag:s25] =	ssyncadd.s32 $0xFFFFD800;
	s31 =	smov.u32 s0;
	s26 =	sadd.s32 $0x200, s0  }
0x56: {  	[tilespmem:s24], [sflag:$0x1] =	stream.indirect.gather [hbm4b:s4+s28], $0x80, s3, s28, $0xb8;
	[tilespmem:$0x1E800] =	vst v63  }
0x57: {  	p0 =	sne.s32 s0, $0xF800;
	_ =	swait.ge [sflag:s29], $0x2800  }
.Ltmp1:
0x58: {  	[sflag:s29] =	ssyncset.done $0x0;
	(pc) =	sbr.rel @p0 .LBB2_4-.Ltmp1, $4  }
0x59: {  	s0 =	sadd.s32 $0x4000, s3;
	[sflag:s29] =	ssyncadd.s32 $0xFFFFD800  }
0x5a: {  	[spmem:s1] =	stream.indirect.scatter.add.f32 [tilespmem:s24], [sflag:$0x2], $0x80, s0, s28, $0xb8;
	[tilespmem:$0x1E800] =	vst v63  }
0x5b: {  	_ =	swait.ge [sflag:s25], $0x2800  }
0x5c: {  	s0 =	smov.u32 s26;
	[sflag:s25] =	ssyncset.done $0x0  }
0x5d: {  	s0 =	sshra.s32 s31, $0x2;
	[sflag:s25] =	ssyncadd.s32 $0xFFFFD800  }
0x5e: {  	[tilespmem:s24], [sflag:$0x1] =	stream.indirect.gather [hbm4b:s4+s28], $0x80, s0, s28, $0xb8;
	[tilespmem:$0x1E800] =	vst v63  }
0x5f: {  	_ =	swait.ge [sflag:s29], $0x2800  }
0x60: {  	[sflag:s29] =	ssyncset.done $0x0  }
0x61: {  	s0 =	sadd.s32 $0x4000, s0;
	[sflag:s29] =	ssyncadd.s32 $0xFFFFD800  }
0x62: {  	[spmem:s1] =	stream.indirect.scatter.add.f32 [tilespmem:s24], [sflag:$0x2], $0x80, s0, s28, $0xb8;
	[tilespmem:$0x1E800] =	vst v63  }
0x63: {  	_ =	swait.ge [sflag:s25], $0x2800  }
0x64: {  	[sflag:s25] =	ssyncset.done $0x0  }
0x65: {  	[sflag:s25] =	ssyncadd.s32 $0xFFFFD800  }
0x66: {  	[bflag:$0x0] =	sbarrier.arrive $0xFFFF  }
0x67: {  	[tilespmem:s24], [sflag:$0x2] =	stream.linear.gather [spmem:s7], $0x2800, $0x38;
	[tilespmem:$0x1E800] =	vst v63  }
0x68: {  	_ =	swait.ge [sflag:s25], $0x2800  }
0x69: {  	[sflag:s25] =	ssyncset.done $0x0  }
0x6a: {  	[sflag:s25] =	ssyncadd.s32 $0xFFFFD800  }
0x6b: {  	[hbm4b:s16+s2] =	stream.linear.scatter [tilespmem:s24], [sflag:$0x2], $0x2800, $0x38;
	[tilespmem:$0x1E800] =	vst v63  }
0x6c: {  	_ =	swait.ge [sflag:s25], $0x2800  }
0x6d: {  	[sflag:s25] =	ssyncset.done $0x0  }
0x6e: {  	[sflag:s25] =	ssyncadd.s32 $0xFFFFD800  }
0x6f: {  	[tilespmem:s24], [sflag:$0x2] =	stream.linear.gather [spmem:s9], $0x2800, $0x38;
	[tilespmem:$0x1E800] =	vst v63  }
0x70: {  	_ =	swait.ge [sflag:s25], $0x2800  }
0x71: {  	[sflag:s25] =	ssyncset.done $0x0  }
0x72: {  	[sflag:s25] =	ssyncadd.s32 $0xFFFFD800  }
0x73: {  	[hbm4b:s17+s2] =	stream.linear.scatter [tilespmem:s24], [sflag:$0x2], $0x2800, $0x38;
	[tilespmem:$0x1E800] =	vst v63  }
0x74: {  	_ =	swait.ge [sflag:s25], $0x2800  }
0x75: {  	[sflag:s25] =	ssyncset.done $0x0  }
0x76: {  	[sflag:s25] =	ssyncadd.s32 $0xFFFFD800  }
0x77: {  	[tilespmem:s24], [sflag:$0x2] =	stream.linear.gather [spmem:s10], $0x2800, $0x38;
	[tilespmem:$0x1E800] =	vst v63  }
0x78: {  	_ =	swait.ge [sflag:s25], $0x2800  }
0x79: {  	[sflag:s25] =	ssyncset.done $0x0  }
0x7a: {  	[sflag:s25] =	ssyncadd.s32 $0xFFFFD800  }
0x7b: {  	[hbm4b:s18+s2] =	stream.linear.scatter [tilespmem:s24], [sflag:$0x2], $0x2800, $0x38;
	[tilespmem:$0x1E800] =	vst v63  }
0x7c: {  	_ =	swait.ge [sflag:s25], $0x2800  }
0x7d: {  	[sflag:s25] =	ssyncset.done $0x0  }
0x7e: {  	[sflag:s25] =	ssyncadd.s32 $0xFFFFD800  }
0x7f: {  	[tilespmem:s24], [sflag:$0x2] =	stream.linear.gather [spmem:s11], $0x2800, $0x38;
	[tilespmem:$0x1E800] =	vst v63  }
0x80: {  	_ =	swait.ge [sflag:s25], $0x2800  }
0x81: {  	[sflag:s25] =	ssyncset.done $0x0  }
0x82: {  	[sflag:s25] =	ssyncadd.s32 $0xFFFFD800  }
0x83: {  	[hbm4b:s19+s2] =	stream.linear.scatter [tilespmem:s24], [sflag:$0x2], $0x2800, $0x38;
	[tilespmem:$0x1E800] =	vst v63  }
0x84: {  	_ =	swait.ge [sflag:s25], $0x2800  }
0x85: {  	[sflag:s25] =	ssyncset.done $0x0  }
0x86: {  	[sflag:s25] =	ssyncadd.s32 $0xFFFFD800  }
0x87: {  	[tilespmem:s24], [sflag:$0x2] =	stream.linear.gather [spmem:s12], $0x2800, $0x38;
	[tilespmem:$0x1E800] =	vst v63  }
0x88: {  	_ =	swait.ge [sflag:s25], $0x2800  }
0x89: {  	[sflag:s25] =	ssyncset.done $0x0  }
0x8a: {  	[sflag:s25] =	ssyncadd.s32 $0xFFFFD800  }
0x8b: {  	[hbm4b:s20+s2] =	stream.linear.scatter [tilespmem:s24], [sflag:$0x2], $0x2800, $0x38;
	[tilespmem:$0x1E800] =	vst v63  }
0x8c: {  	_ =	swait.ge [sflag:s25], $0x2800  }
0x8d: {  	[sflag:s25] =	ssyncset.done $0x0  }
0x8e: {  	[sflag:s25] =	ssyncadd.s32 $0xFFFFD800  }
0x8f: {  	[tilespmem:s24], [sflag:$0x2] =	stream.linear.gather [spmem:s13], $0x2800, $0x38;
	[tilespmem:$0x1E800] =	vst v63  }
0x90: {  	_ =	swait.ge [sflag:s25], $0x2800  }
0x91: {  	[sflag:s25] =	ssyncset.done $0x0  }
0x92: {  	[sflag:s25] =	ssyncadd.s32 $0xFFFFD800  }
0x93: {  	[hbm4b:s21+s2] =	stream.linear.scatter [tilespmem:s24], [sflag:$0x2], $0x2800, $0x38;
	[tilespmem:$0x1E800] =	vst v63  }
0x94: {  	_ =	swait.ge [sflag:s25], $0x2800  }
0x95: {  	[sflag:s25] =	ssyncset.done $0x0  }
0x96: {  	[sflag:s25] =	ssyncadd.s32 $0xFFFFD800  }
0x97: {  	[tilespmem:s24], [sflag:$0x2] =	stream.linear.gather [spmem:s14], $0x2800, $0x38;
	[tilespmem:$0x1E800] =	vst v63  }
0x98: {  	_ =	swait.ge [sflag:s25], $0x2800  }
0x99: {  	[sflag:s25] =	ssyncset.done $0x0  }
0x9a: {  	[sflag:s25] =	ssyncadd.s32 $0xFFFFD800  }
0x9b: {  	[hbm4b:s22+s2] =	stream.linear.scatter [tilespmem:s24], [sflag:$0x2], $0x2800, $0x38;
	[tilespmem:$0x1E800] =	vst v63  }
0x9c: {  	_ =	swait.ge [sflag:s25], $0x2800  }
0x9d: {  	[sflag:s25] =	ssyncset.done $0x0  }
0x9e: {  	[sflag:s25] =	ssyncadd.s32 $0xFFFFD800  }
0x9f: {  	[tilespmem:s24], [sflag:$0x2] =	stream.linear.gather [spmem:s15], $0x2800, $0x38;
	[tilespmem:$0x1E800] =	vst v63  }
0xa0: {  	s30 =	sadd.s32 $0x1, s30;
	_ =	swait.ge [sflag:s25], $0x2800  }
0xa1: {  	p0 =	sne.s32 s30, s8;
	[sflag:s25] =	ssyncset.done $0x0  }
.Ltmp2:
0xa2: {  	[sflag:s25] =	ssyncadd.s32 $0xFFFFD800;
	(pc) =	sbr.rel @p0 .LBB2_1-.Ltmp2, $4  }
0xa3: {  	[hbm4b:s23+s2] =	stream.linear.scatter [tilespmem:s24], [sflag:$0x2], $0x2800, $0x38;
	[tilespmem:$0x1E800] =	vst v63  }
0xa4: {  	_ =	swait.ge [sflag:s25], $0x2800  }
0xa5: {  	[sflag:s25] =	ssyncset.done $0x0  }
0xa6: {  	[sflag:s25] =	ssyncadd.s32 $0xFFFFD800  }
0xa7: {  	_ =	sfence.sel $0x180000  }
0xa8: {  	[bflag:$0x0] =	sbarrier.arrive $0xFFFF  }
0xa9: {  	_ =	strace $0x9000004A  }
0xaa: {  	s0 =	stileid.u32;
	[bflag:$0x2] =	sbarrier.arrive $0xFFFF  }
0xab: {  	p0 =	sne.s32 s0, $0x0;
	s0 =	rddreg [dreg:$0x2]  }
0xac: {  	s0 =	sadd.s32 @!p0 $0x100000, s0  }
0xad: {  	[sflag:s0] =	ssyncadd.tile.s32 @!p0 $0x1;
	_ =	shalt  }
.Lfunc_end2:
_tile_overlayer_lowered:
.L_overlay_start_2:
0xae: {  	(tag) =	ssettag $0x2  }
0xaf: {  	s0 =	rddreg [dreg:$0x0];
	s2 =	stileid.u32  }
0xb0: {  	s1 =	rddreg [dreg:$0x1];
	p0 =	sne.s32 s2, $0x0  }
0xb1: {  	s3 =	rddreg [dreg:$0x2];
	[bflag:$0x3] =	sbarrier.arrive $0xFFFF;
	s2 =	simm.s32 @!p0 $0x1C02  }
0xb2: {  	[timem:s3], [sflag:s2] =	dma.local @!p0 [hbm:s0], s1  }
0xb3: {  	s0 =	simm.s32 @!p0 $0x2  }
0xb4: {  	_ =	swait.ge @!p0 [sflag:s0], s1  }
0xb5: {  	s1 =	ssub.s32 @!p0 $0x0, s1;
	[sflag:s0] =	ssyncset.done @!p0 $0x0  }
0xb6: {  	[sflag:s0] =	ssyncadd.s32 @!p0 s1  }
0xb7: {  	[bflag:$0x3] =	sbarrier.arrive $0xFFFF  }
0xb8: {  	_ =	shalt  }

// kernel: kernel.18.cloned.1.call-start
scs
__scs_entry_jumppad:
0x0: {  	(pc) =	sbr.rel $0x88, $3  }
0x1: {  	(tag) =	ssettag $0x0;
	lr =	simm.s32 $0x1  }
0x2: {  	[smem:$0x3F9B] =	sst lr;
	_ =	strace $0xD0000000  }
0x3: {  	_ = 	snop  }
0x4: {  	_ = 	snop  }
0x5: {  	_ = 	snop  }
0x6: {  	_ = 	snop  }
0x7: {  	_ = 	snop  }
__scs_overlays_trampoline_lowered:
0x8: {  	[smem:$0x3FAA] =	sst s0  }
0x9: {  	[smem:$0x3FAB] =	sst s1  }
0xa: {  	[smem:$0x3FAC] =	sst s2  }
0xb: {  	[smem:$0x3FAD] =	sst s3  }
0xc: {  	[smem:$0x3FAE] =	sst s4  }
0xd: {  	[smem:$0x3FAF] =	sst s5  }
0xe: {  	[smem:$0x3FB0] =	sst s6  }
0xf: {  	[smem:$0x3FB1] =	sst s7  }
0x10: {  	[smem:$0x3FB2] =	sst s8  }
0x11: {  	[smem:$0x3FB3] =	sst s9;
	s0 =	simm.s32 @!p0 $0x0  }
0x12: {  	s1 =	sld [smem:$0x3F99];
	s0 =	simm.s32 @p0 $0x1  }
0x13: {  	[smem:$0x3FB4] =	sst s0;
	s0 =	simm.s32 @!p1 $0x0  }
0x14: {  	s2 =	sld [smem:$0x3F98];
	s0 =	simm.s32 @p1 $0x1  }
0x15: {  	[smem:$0x3FB5] =	sst s0;
	s0 =	simm.s32 @!p2 $0x0  }
0x16: {  	s3 =	sld [smem:$0x3FDB];
	s0 =	simm.s32 @p2 $0x1  }
0x17: {  	s4 =	simm.s32 $0x1BF5;
	[smem:$0x3FB7] =	sst s0  }
0x18: {  	s0 =	sld [smem:$0x3F9A];
	_ =	swait.ge [sflag:s4], $0x0  }
0x19: {  	s7 =	sld [smem:$0x3F9B]  }
0x1a: {  	s8 =	sadd.s32 $0xFFFFE003, lr  }
0x1b: {  	s9 =	sadd.s32 $0xFFFFFEF7, lr;
	s5 =	simm.s32 $0xFFFFFFFF;
	p2 =	slt.u32 s8, $0xFFFFF086  }
0x1c: {  	p1 =	slt.u32 s9, $0xF7A;
	s5 =	simm.s32 @!p2 $0x0  }
0x1d: {  	s5 =	simm.s32 @p1 $0x1;
	p0 =	seq.s32 s7, s2  }
0x1e: {  	s7 =	smul.u32 @!p0 $0xF7A, s2;
	p2 =	seq.s32 @!p0 s5, $0x0  }
0x1f: {  	s9 =	smul.u32 $0xF7A, s1;
	s8 =	simm.s32 @!p0 $0x1BF5;
	p2 =	por !p2, p0  }
0x20: {  	[sflag:s8] =	ssyncset.s32 @!p0 $0xFFFFF086;
	s6 =	sadd.s32 @!p0 s3, s7;
	s7 =	simm.s32 @!p0 $0x108  }
0x21: {  	s3 =	sadd.s32 s3, s9;
	s6 =	sadd.s32 @!p0 $0x88, s6;
	s7 =	simm.s32 @p2 $0x1082  }
0x22: {  	[simem:s7], [sflag:s8] =	dma.local @!p0 [hbm:s6], $0xF7A  }
0x23: {  	s9 =	sor.u32 $0xD0000000, s2;
	s6 =	simm.s32 $0x108;
	_ =	swait.ge @!p0 [sflag:s8], $0x0  }
0x24: {  	s3 =	sadd.s32 $0x88, s3;
	s6 =	simm.s32 @!p1 $0x1082;
	[sflag:s4] =	ssyncset.s32 $0xFFFFF086  }
0x25: {  	[simem:s6], [sflag:s4] =	dma.local [hbm:s3], $0xF7A  }
0x26: {  	[smem:$0x3F9B] =	sst s1;
	(tag) =	ssettag s2;
	_ =	strace s9  }
0x27: {  	s1 =	sld [smem:$0x3FAB]  }
0x28: {  	s2 =	sld [smem:$0x3FAC]  }
0x29: {  	s4 =	sld [smem:$0x3FAE]  }
0x2a: {  	p0 =	seq.s32 s5, $0x0;
	s5 =	sld [smem:$0x3FAF]  }
0x2b: {  	s6 =	sld [smem:$0x3FB0]  }
0x2c: {  	s7 =	sld [smem:$0x3FB1]  }
0x2d: {  	s3 =	simm.s32 $0x108;
	s8 =	sld [smem:$0x3FB2]  }
0x2e: {  	s3 =	simm.s32 @!p0 $0x1082;
	s9 =	sld [smem:$0x3FB3]  }
0x2f: {  	lr =	sadd.s32 s0, s3;
	s0 =	sld [smem:$0x3FAA]  }
0x30: {  	s3 =	sld [smem:$0x3FAD]  }
0x31: {  	[smem:$0x3FB6] =	sst s10  }
0x32: {  	s10 =	sld [smem:$0x3FB4];
	_ =	sdelay $0x3  }
0x33: {  	p0 =	seq.s32 s10, $0x1;
	s10 =	sld [smem:$0x3FB6];
	_ =	sdelay $0x3  }
0x34: {  	[smem:$0x3FB6] =	sst s10  }
0x35: {  	s10 =	sld [smem:$0x3FB5];
	_ =	sdelay $0x3  }
0x36: {  	p1 =	seq.s32 s10, $0x1;
	s10 =	sld [smem:$0x3FB6];
	_ =	sdelay $0x3  }
0x37: {  	[smem:$0x3FB6] =	sst s10  }
0x38: {  	s10 =	sld [smem:$0x3FB7]  }
0x39: {  	_ = 	snop;
	(pc) =	sbr.ind lr, $3  }
0x3a: {  	_ = 	snop  }
0x3b: {  	_ = 	snop  }
0x3c: {  	p2 =	seq.s32 s10, $0x1;
	s10 =	sld [smem:$0x3FB6]  }
0x3d: {  	_ =	shalt  }
0x3e: {  	_ =	shalt  }
0x3f: {  	_ =	shalt  }
0x40: {  	_ =	shalt  }
0x41: {  	_ =	shalt  }
0x42: {  	_ =	shalt  }
0x43: {  	_ =	shalt  }
0x44: {  	_ =	shalt  }
0x45: {  	_ =	shalt  }
0x46: {  	_ =	shalt  }
0x47: {  	_ =	shalt  }
0x48: {  	_ =	shalt  }
0x49: {  	_ =	shalt  }
0x4a: {  	_ =	shalt  }
0x4b: {  	_ =	shalt  }
0x4c: {  	_ =	shalt  }
0x4d: {  	_ =	shalt  }
0x4e: {  	_ =	shalt  }
0x4f: {  	_ =	shalt  }
0x50: {  	_ =	shalt  }
0x51: {  	_ =	shalt  }
0x52: {  	_ =	shalt  }
0x53: {  	_ =	shalt  }
0x54: {  	_ =	shalt  }
0x55: {  	_ =	shalt  }
0x56: {  	_ =	shalt  }
0x57: {  	_ =	shalt  }
0x58: {  	_ =	shalt  }
0x59: {  	_ =	shalt  }
0x5a: {  	_ =	shalt  }
0x5b: {  	_ =	shalt  }
0x5c: {  	_ =	shalt  }
0x5d: {  	_ =	shalt  }
0x5e: {  	_ =	shalt  }
0x5f: {  	_ =	shalt  }
0x60: {  	_ =	shalt  }
0x61: {  	_ =	shalt  }
0x62: {  	_ =	shalt  }
0x63: {  	_ =	shalt  }
0x64: {  	_ =	shalt  }
0x65: {  	_ =	shalt  }
0x66: {  	_ =	shalt  }
0x67: {  	_ =	shalt  }
0x68: {  	_ =	shalt  }
0x69: {  	_ =	shalt  }
0x6a: {  	_ =	shalt  }
0x6b: {  	_ =	shalt  }
0x6c: {  	_ =	shalt  }
0x6d: {  	_ =	shalt  }
0x6e: {  	_ =	shalt  }
0x6f: {  	_ =	shalt  }
0x70: {  	_ =	shalt  }
0x71: {  	_ =	shalt  }
0x72: {  	_ =	shalt  }
0x73: {  	_ =	shalt  }
0x74: {  	_ =	shalt  }
0x75: {  	_ =	shalt  }
0x76: {  	_ =	shalt  }
0x77: {  	_ =	shalt  }
0x78: {  	_ =	shalt  }
0x79: {  	_ =	shalt  }
0x7a: {  	_ =	shalt  }
0x7b: {  	_ =	shalt  }
0x7c: {  	_ =	shalt  }
0x7d: {  	_ =	shalt  }
0x7e: {  	_ =	shalt  }
0x7f: {  	_ =	shalt  }
0x80: {  	_ =	shalt  }
0x81: {  	_ =	shalt  }
0x82: {  	_ =	shalt  }
0x83: {  	_ =	shalt  }
0x84: {  	_ =	shalt  }
0x85: {  	_ =	shalt  }
0x86: {  	_ =	shalt  }
0x87: {  	_ =	shalt  }
.Lfunc_end0:
.L_simem_size_0:
called_computation.2_lowered:
.L_overlay_start_0:
0x88: {  	s2 =	sld [smem:$0x3FD9]  }
0x89: {  	s3 =	sld [smem:$0x3FFE];
	_ =	sdelay $0x1  }
0x8a: {  	s1 =	srdreg.scid  }
0x8b: {  	s0 =	sand.u32 $0x1, s1  }
0x8c: {  	s16 =	sshll.u32 s0, $0xA;
	s2 =	sadd.s32 s3, s2  }
0x8d: {  	s2 =	sadd.s32 s2, s16  }
0x8e: {  	[smem:$0x3FC2] =	sst s2  }
0x8f: {  	_ = 	snop  }
0x90: {  	(tm) =	ssettm $0x1  }
0x91: {  	s17 =	sld [smem:$0x3FFB];
	_ =	sdelay $0x3  }
0x92: {  	_ =	strace s17  }
0x93: {  	s2 =	sld [smem:$0x3FFC];
	_ =	sdelay $0x3  }
0x94: {  	_ =	strace s2  }
0x95: {  	s2 =	sld [smem:$0x3FFD];
	_ =	sdelay $0x3  }
0x96: {  	_ =	strace s2  }
0x97: {  	_ =	strace $0x8FFFFFFF  }
0x98: {  	s18 =	sld [smem:$0x3FDB];
	_ =	sdelay $0x1  }
0x99: {  	s19 =	simm.s32 $_scs_section_size  }
0x9a: {  	s4 =	simm.s32 $_size__tile_overlayer_lowered;
	s5 =	simm.s32 $_tile_overlayer_lowered  }
0x9b: {  	s22 =	simm.s32 $0x1BFF;
	s21 =	sshll.u32 s5, $0x1;
	s2 =	sadd.s32 s19, s18  }
0x9c: {  	s6 =	simm.s32 $0x0;
	s20 =	sshll.u32 s4, $0x1;
	s4 =	sadd.s32 s21, s2  }
0x9d: {  	[timem:s6], [sflag:s22] =	dma.local [hbm:s4], s20  }
0x9e: {  	_ =	swait.ge [sflag:s22], s20  }
0x9f: {  	s3 =	ssub.s32 $0x0, s20;
	[sflag:s22] =	ssyncset.done $0x0  }
0xa0: {  	[sflag:s22] =	ssyncadd.s32 s3;
	_ =	sdelay $0x1  }
0xa1: {  	s23 =	simm.s32 $0x1B8B  }
0xa2: {  	_ =	swait.ge [sflag:s23], $0x1  }
0xa3: {  	[sflag:s23] =	ssyncset.done $0x0  }
0xa4: {  	s25 =	simm.s32 $0x1B8E;
	s24 =	sld [smem:$0x3FFE];
	[sflag:s23] =	ssyncadd.s32 $0xFFFFFFFF  }
0xa5: {  	s26 =	simm.s32 $execute0_lowered;
	[smem:$0x3FD2] =	sst s25  }
0xa6: {  	s4 =	sshll.u32 s26, $0x1;
	_ =	strace $0x8000004C;
	[dreg:$0x1] =	wrdreg $0xFFFFFFFF  }
0xa7: {  	s28 =	simm.s32 $_size_execute0_lowered;
	s2 =	sadd.s32 s2, s4;
	[dreg:$0x0] =	wrdreg $0x0  }
0xa8: {  	s4 =	sshll.u32 s28, $0x1;
	[dreg:$0x2] =	wrdreg s2  }
0xa9: {  	[dreg:$0x3] =	wrdreg s4  }
0xaa: {  	[dreg:$0x4] =	wrdreg $0xC0  }
0xab: {  	_ =	task [dreg:s6], $0x5FFFF  }
0xac: {  	[dreg:$0x1] =	wrdreg $0xFFFFFFFF  }
0xad: {  	[dreg:$0x0] =	wrdreg $0x60  }
0xae: {  	[dreg:$0x2] =	wrdreg s24  }
0xaf: {  	[dreg:$0x3] =	wrdreg $0xA8000  }
0xb0: {  	[dreg:$0x4] =	wrdreg $0x9  }
0xb1: {  	_ =	task.clear_ibuf [dreg:s6], $0x5FFFF;
	_ =	strace $0x9000004C  }
0xb2: {  	s29 =	simm.s32 $0x9;
	_ =	strace $0x8000004E  }
0xb3: {  	_ =	swait.ge [sflag:s29], $0x1  }
0xb4: {  	[sflag:s29] =	ssyncadd.s32 $0xFFFFFFFF  }
0xb5: {  	_ =	strace $0x9000004E  }
0xb6: {  	_ =	sfence  }
0xb7: {  	s30 =	sld [smem:$0x0];
	_ =	sdelay $0x2  }
0xb8: {  	s31 =	sshll.u32 s1, $0xD;
	s1 =	sshrl.u32 s1, $0x2  }
0xb9: {  	s3 =	sand.u32 $0x4000, s31;
	s1 =	sadd.s32 s1, s30  }
0xba: {  	s0 =	sor.u32 s3, s0;
	s1 =	sshll.u32 s1, $0x11  }
0xbb: {  	s0 =	sor.u32 s1, s0  }
0xbc: {  	s0 =	sadd.s32 $0x8F2B, s0  }
0xbd: {  	[sflag:s0] =	ssyncadd.remote.s32 $0x1  }
0xbe: {  	_ =	sfence.sel $0xFFFF  }
0xbf: {  	[dreg:$0x0] =	wrdreg $0xFFFFFFFF;
	(pc) =	sbr.abs _section_cstart, $3  }
0xc0: {  	[dreg:$0x1] =	wrdreg $0xFFFFFFFF  }
0xc1: {  	_ =	task.clear_ibuf [dreg:s6], $0x2FFFF;
	_ =	strace $0x9FFFFFFF  }
0xc2: {  	(tm) =	ssettm $0x7FFFFFFF  }
0xc3: {  	_ =	shalt  }
tec
execute0_lowered:
.L_overlay_start_1:
0x0: {  	(tag) =	ssettag $0x1  }
0x1: {  	s0 =	rddreg [dreg:$0x0]  }
0x2: {  	s1 =	rddreg [dreg:$0x1]  }
0x3: {  	s2 =	simm.s32 $0x0;
	s3 =	srdreg.scid;
	s11 =	stileid.u32  }
0x4: {  	s25 =	simm.s32 $0x2;
	s28 =	simm.s32 $0x50;
	s29 =	simm.s32 $0x1  }
0x5: {  	s30 =	simm.s32 $0x0;
	[smem:$0x7FF] =	sst s2;
	s4 =	sadd.s32 $0x13600, s0  }
0x6: {  	s3 =	sand.u32 $0x1, s3;
	s6 =	sshll.u32 s11, $0xB;
	s8 =	smul.u32 $0x50000, s11  }
0x7: {  	s15 =	smul.u32 $0x14000, s11;
	_ =	strace $0x8000004D;
	s5 =	sshll.u32 s3, $0xF  }
0x8: {  	s7 =	ssub.s32 $0x2, s3;
	s3 =	smul.u32 $0x140000, s3;
	s5 =	sor.u32 s6, s5  }
0x9: {  	s26 =	sshrl.u32 s7, $0x1;
	s31 =	sshrl.u32 s8, $0x2;
	s16 =	sor.u32 $0x2800, s15  }
0xa: {  	s18 =	sadd.s32 $0x5000, s15;
	s19 =	sadd.s32 $0x7800, s15;
	s20 =	sadd.s32 $0xA000, s15  }
0xb: {  	s21 =	sadd.s32 $0xC800, s15;
	s22 =	sadd.s32 $0xF000, s15;
	s23 =	sadd.s32 $0x11800, s15  }
0xc: {  	s9 =	sadd.s32 s5, s0;
	s0 =	sadd.s32 $0x83600, s0;
	s10 =	ssub.s32 s7, s26  }
0xd: {  	s7 =	sadd.s32 s31, s1;
	s11 =	sadd.s32 s19, s1;
	s12 =	sadd.s32 s20, s1  }
0xe: {  	s13 =	sadd.s32 s21, s1;
	s14 =	sadd.s32 s22, s1;
	s17 =	sadd.s32 s3, s15  }
0xf: {  	s15 =	sadd.s32 s23, s1;
	s19 =	sadd.s32 s3, s19;
	s20 =	sadd.s32 s3, s20  }
0x10: {  	s21 =	sadd.s32 s3, s21;
	s22 =	sadd.s32 s3, s22;
	s5 =	sadd.s32 $0x3600, s9  }
0x11: {  	s6 =	sadd.s32 $0x73600, s9;
	s8 =	smax.u32 s10, $0x1;
	s9 =	sadd.s32 s16, s1  }
0x12: {  	s10 =	sadd.s32 s18, s1;
	s16 =	sadd.s32 s3, s16;
	s17 =	sshrl.u32 s17, $0x3  }
0x13: {  	s18 =	sadd.s32 s3, s18;
	s19 =	sshrl.u32 s19, $0x3;
	s20 =	sshrl.u32 s20, $0x3  }
0x14: {  	s3 =	sadd.s32 s3, s23;
	s21 =	sshrl.u32 s21, $0x3;
	s22 =	sshrl.u32 s22, $0x3  }
0x15: {  	s24 =	sshrl.u32 s16, $0x3;
	s16 =	sadd.s32 s0, s17;
	s18 =	sshrl.u32 s18, $0x3  }
0x16: {  	s19 =	sadd.s32 s0, s19;
	s20 =	sadd.s32 s0, s20;
	s3 =	sshrl.u32 s3, $0x3  }
0x17: {  	s21 =	sadd.s32 s0, s21;
	s22 =	sadd.s32 s0, s22;
	s17 =	sadd.s32 s0, s24  }
0x18: {  	v0 =	vimm.f32 $0.0e+00;
	s18 =	sadd.s32 s0, s18;
	s23 =	sadd.s32 s0, s3;
	s24 =	simm.s32 $0x8000  }
.LBB2_1:
0x19: {  	s0 =	sand.u32 $0xFE00, s2  }
0x1a: {  	s3 =	sand.u32 $0x70, s2;
	s0 =	sshrl.u32 s0, $0x2  }
0x1b: {  	s31 =	simm.s32 $0x40;
	s3 =	sor.u32 s3, s0;
	s0 =	simm.s32 $0x0  }
.LBB2_2:
0x1c: {  	p0 =	sne.s32 s31, $0x9FC0  }
0x1d: {  	[tilespmem:s3+$0x8000] =	vst v0;
	s0 =	sadd.s32 $0x10, s0;
	s3 =	smov.u32 s31;
	s31 =	sadd.s32 $0x40, s31  }
.Ltmp0:
0x1e: {  	(pc) =	sbr.rel @p0 .LBB2_2-.Ltmp0, $4  }
0x1f: {  	_ = 	snop  }
0x20: {  	s3 =	sand.u32 $0xFE00, s3  }
0x21: {  	s26 =	sand.u32 $0x70, s0;
	s3 =	sshrl.u32 s3, $0x2  }
0x22: {  	s3 =	sor.u32 s26, s3  }
0x23: {  	[tilespmem:s3+$0x8000] =	vst v0  }
0x24: {  	[spmem:s7] =	stream.linear.scatter [tilespmem:s24], [sflag:$0x2], $0x2800, $0x38;
	[tilespmem:$0x1E800] =	vst v63  }
0x25: {  	_ =	swait.ge [sflag:s25], $0x2800  }
0x26: {  	[sflag:s25] =	ssyncset.done $0x0  }
0x27: {  	[sflag:s25] =	ssyncadd.s32 $0xFFFFD800  }
0x28: {  	[spmem:s9] =	stream.linear.scatter [tilespmem:s24], [sflag:$0x2], $0x2800, $0x38;
	[tilespmem:$0x1E800] =	vst v63  }
0x29: {  	_ =	swait.ge [sflag:s25], $0x2800  }
0x2a: {  	[sflag:s25] =	ssyncset.done $0x0  }
0x2b: {  	[sflag:s25] =	ssyncadd.s32 $0xFFFFD800  }
0x2c: {  	[spmem:s10] =	stream.linear.scatter [tilespmem:s24], [sflag:$0x2], $0x2800, $0x38;
	[tilespmem:$0x1E800] =	vst v63  }
0x2d: {  	_ =	swait.ge [sflag:s25], $0x2800  }
0x2e: {  	[sflag:s25] =	ssyncset.done $0x0  }
0x2f: {  	[sflag:s25] =	ssyncadd.s32 $0xFFFFD800  }
0x30: {  	[spmem:s11] =	stream.linear.scatter [tilespmem:s24], [sflag:$0x2], $0x2800, $0x38;
	[tilespmem:$0x1E800] =	vst v63  }
0x31: {  	_ =	swait.ge [sflag:s25], $0x2800  }
0x32: {  	[sflag:s25] =	ssyncset.done $0x0  }
0x33: {  	[sflag:s25] =	ssyncadd.s32 $0xFFFFD800  }
0x34: {  	[spmem:s12] =	stream.linear.scatter [tilespmem:s24], [sflag:$0x2], $0x2800, $0x38;
	[tilespmem:$0x1E800] =	vst v63  }
0x35: {  	_ =	swait.ge [sflag:s25], $0x2800  }
0x36: {  	[sflag:s25] =	ssyncset.done $0x0  }
0x37: {  	[sflag:s25] =	ssyncadd.s32 $0xFFFFD800  }
0x38: {  	[spmem:s13] =	stream.linear.scatter [tilespmem:s24], [sflag:$0x2], $0x2800, $0x38;
	[tilespmem:$0x1E800] =	vst v63  }
0x39: {  	_ =	swait.ge [sflag:s25], $0x2800  }
0x3a: {  	[sflag:s25] =	ssyncset.done $0x0  }
0x3b: {  	[sflag:s25] =	ssyncadd.s32 $0xFFFFD800  }
0x3c: {  	[spmem:s14] =	stream.linear.scatter [tilespmem:s24], [sflag:$0x2], $0x2800, $0x38;
	[tilespmem:$0x1E800] =	vst v63  }
0x3d: {  	_ =	swait.ge [sflag:s25], $0x2800  }
0x3e: {  	[sflag:s25] =	ssyncset.done $0x0  }
0x3f: {  	[sflag:s25] =	ssyncadd.s32 $0xFFFFD800  }
0x40: {  	[spmem:s15] =	stream.linear.scatter [tilespmem:s24], [sflag:$0x2], $0x2800, $0x38;
	[tilespmem:$0x1E800] =	vst v63  }
0x41: {  	_ =	swait.ge [sflag:s25], $0x2800  }
0x42: {  	[sflag:s25] =	ssyncset.done $0x0  }
0x43: {  	[sflag:s25] =	ssyncadd.s32 $0xFFFFD800  }
0x44: {  	s0 =	simm.s32 $0x0;
	[bflag:$0x0] =	sbarrier.arrive $0xFFFF  }
0x45: {  	[tilespmem:s0], [sflag:$0x2] =	stream.linear.gather [hbm4b:s5+s0], $0x3E80, $0x38;
	[tilespmem:$0x1E800] =	vst v63  }
0x46: {  	_ =	swait.ge [sflag:s25], $0x3E80  }
0x47: {  	[sflag:s25] =	ssyncset.done $0x0  }
0x48: {  	s26 =	simm.s32 $0x4000;
	[sflag:s25] =	ssyncadd.s32 $0xFFFFC180  }
0x49: {  	[tilespmem:s26], [sflag:$0x2] =	stream.linear.gather [hbm4b:s6+s0], $0x3E80, $0x38;
	[tilespmem:$0x1E800] =	vst v63  }
0x4a: {  	_ =	swait.ge [sflag:s25], $0x3E80  }
0x4b: {  	[sflag:s25] =	ssyncset.done $0x0  }
0x4c: {  	s3 =	simm.s32 $0x0;
	[sflag:s25] =	ssyncadd.s32 $0xFFFFC180  }
0x4d: {  	[tilespmem:s24], [sflag:$0x1] =	stream.indirect.gather [hbm4b:s4+s28], $0x80, s3, s28, $0xb8;
	[tilespmem:$0x1E800] =	vst v63  }
0x4e: {  	_ =	swait.ge [sflag:s29], $0x2800  }
0x4f: {  	[sflag:s29] =	ssyncset.done $0x0  }
0x50: {  	s26 =	simm.s32 $0x4000;
	[sflag:s29] =	ssyncadd.s32 $0xFFFFD800  }
0x51: {  	[spmem:s1] =	stream.indirect.scatter.add.f32 [tilespmem:s24], [sflag:$0x2], $0x80, s26, s28, $0xb8;
	[tilespmem:$0x1E800] =	vst v63  }
0x52: {  	_ =	swait.ge [sflag:s25], $0x2800  }
0x53: {  	s31 =	simm.s32 $0x200;
	s0 =	simm.s32 $0x400;
	[sflag:s25] =	ssyncset.done $0x0  }
.LBB2_4:
0x54: {  	s3 =	sshra.s32 s31, $0x2  }
0x55: {  	[sflag:s25] =	ssyncadd.s32 $0xFFFFD800;
	s31 =	smov.u32 s0;
	s26 =	sadd.s32 $0x200, s0  }
0x56: {  	[tilespmem:s24], [sflag:$0x1] =	stream.indirect.gather [hbm4b:s4+s28], $0x80, s3, s28, $0xb8;
	[tilespmem:$0x1E800] =	vst v63  }
0x57: {  	p0 =	sne.s32 s0, $0xF800;
	_ =	swait.ge [sflag:s29], $0x2800  }
.Ltmp1:
0x58: {  	[sflag:s29] =	ssyncset.done $0x0;
	(pc) =	sbr.rel @p0 .LBB2_4-.Ltmp1, $4  }
0x59: {  	s0 =	sadd.s32 $0x4000, s3;
	[sflag:s29] =	ssyncadd.s32 $0xFFFFD800  }
0x5a: {  	[spmem:s1] =	stream.indirect.scatter.add.f32 [tilespmem:s24], [sflag:$0x2], $0x80, s0, s28, $0xb8;
	[tilespmem:$0x1E800] =	vst v63  }
0x5b: {  	_ =	swait.ge [sflag:s25], $0x2800  }
0x5c: {  	s0 =	smov.u32 s26;
	[sflag:s25] =	ssyncset.done $0x0  }
0x5d: {  	s0 =	sshra.s32 s31, $0x2;
	[sflag:s25] =	ssyncadd.s32 $0xFFFFD800  }
0x5e: {  	[tilespmem:s24], [sflag:$0x1] =	stream.indirect.gather [hbm4b:s4+s28], $0x80, s0, s28, $0xb8;
	[tilespmem:$0x1E800] =	vst v63  }
0x5f: {  	_ =	swait.ge [sflag:s29], $0x2800  }
0x60: {  	[sflag:s29] =	ssyncset.done $0x0  }
0x61: {  	s0 =	sadd.s32 $0x4000, s0;
	[sflag:s29] =	ssyncadd.s32 $0xFFFFD800  }
0x62: {  	[spmem:s1] =	stream.indirect.scatter.add.f32 [tilespmem:s24], [sflag:$0x2], $0x80, s0, s28, $0xb8;
	[tilespmem:$0x1E800] =	vst v63  }
0x63: {  	_ =	swait.ge [sflag:s25], $0x2800  }
0x64: {  	[sflag:s25] =	ssyncset.done $0x0  }
0x65: {  	[sflag:s25] =	ssyncadd.s32 $0xFFFFD800  }
0x66: {  	[bflag:$0x0] =	sbarrier.arrive $0xFFFF  }
0x67: {  	[tilespmem:s24], [sflag:$0x2] =	stream.linear.gather [spmem:s7], $0x2800, $0x38;
	[tilespmem:$0x1E800] =	vst v63  }
0x68: {  	_ =	swait.ge [sflag:s25], $0x2800  }
0x69: {  	[sflag:s25] =	ssyncset.done $0x0  }
0x6a: {  	[sflag:s25] =	ssyncadd.s32 $0xFFFFD800  }
0x6b: {  	[hbm4b:s16+s2] =	stream.linear.scatter [tilespmem:s24], [sflag:$0x2], $0x2800, $0x38;
	[tilespmem:$0x1E800] =	vst v63  }
0x6c: {  	_ =	swait.ge [sflag:s25], $0x2800  }
0x6d: {  	[sflag:s25] =	ssyncset.done $0x0  }
0x6e: {  	[sflag:s25] =	ssyncadd.s32 $0xFFFFD800  }
0x6f: {  	[tilespmem:s24], [sflag:$0x2] =	stream.linear.gather [spmem:s9], $0x2800, $0x38;
	[tilespmem:$0x1E800] =	vst v63  }
0x70: {  	_ =	swait.ge [sflag:s25], $0x2800  }
0x71: {  	[sflag:s25] =	ssyncset.done $0x0  }
0x72: {  	[sflag:s25] =	ssyncadd.s32 $0xFFFFD800  }
0x73: {  	[hbm4b:s17+s2] =	stream.linear.scatter [tilespmem:s24], [sflag:$0x2], $0x2800, $0x38;
	[tilespmem:$0x1E800] =	vst v63  }
0x74: {  	_ =	swait.ge [sflag:s25], $0x2800  }
0x75: {  	[sflag:s25] =	ssyncset.done $0x0  }
0x76: {  	[sflag:s25] =	ssyncadd.s32 $0xFFFFD800  }
0x77: {  	[tilespmem:s24], [sflag:$0x2] =	stream.linear.gather [spmem:s10], $0x2800, $0x38;
	[tilespmem:$0x1E800] =	vst v63  }
0x78: {  	_ =	swait.ge [sflag:s25], $0x2800  }
0x79: {  	[sflag:s25] =	ssyncset.done $0x0  }
0x7a: {  	[sflag:s25] =	ssyncadd.s32 $0xFFFFD800  }
0x7b: {  	[hbm4b:s18+s2] =	stream.linear.scatter [tilespmem:s24], [sflag:$0x2], $0x2800, $0x38;
	[tilespmem:$0x1E800] =	vst v63  }
0x7c: {  	_ =	swait.ge [sflag:s25], $0x2800  }
0x7d: {  	[sflag:s25] =	ssyncset.done $0x0  }
0x7e: {  	[sflag:s25] =	ssyncadd.s32 $0xFFFFD800  }
0x7f: {  	[tilespmem:s24], [sflag:$0x2] =	stream.linear.gather [spmem:s11], $0x2800, $0x38;
	[tilespmem:$0x1E800] =	vst v63  }
0x80: {  	_ =	swait.ge [sflag:s25], $0x2800  }
0x81: {  	[sflag:s25] =	ssyncset.done $0x0  }
0x82: {  	[sflag:s25] =	ssyncadd.s32 $0xFFFFD800  }
0x83: {  	[hbm4b:s19+s2] =	stream.linear.scatter [tilespmem:s24], [sflag:$0x2], $0x2800, $0x38;
	[tilespmem:$0x1E800] =	vst v63  }
0x84: {  	_ =	swait.ge [sflag:s25], $0x2800  }
0x85: {  	[sflag:s25] =	ssyncset.done $0x0  }
0x86: {  	[sflag:s25] =	ssyncadd.s32 $0xFFFFD800  }
0x87: {  	[tilespmem:s24], [sflag:$0x2] =	stream.linear.gather [spmem:s12], $0x2800, $0x38;
	[tilespmem:$0x1E800] =	vst v63  }
0x88: {  	_ =	swait.ge [sflag:s25], $0x2800  }
0x89: {  	[sflag:s25] =	ssyncset.done $0x0  }
0x8a: {  	[sflag:s25] =	ssyncadd.s32 $0xFFFFD800  }
0x8b: {  	[hbm4b:s20+s2] =	stream.linear.scatter [tilespmem:s24], [sflag:$0x2], $0x2800, $0x38;
	[tilespmem:$0x1E800] =	vst v63  }
0x8c: {  	_ =	swait.ge [sflag:s25], $0x2800  }
0x8d: {  	[sflag:s25] =	ssyncset.done $0x0  }
0x8e: {  	[sflag:s25] =	ssyncadd.s32 $0xFFFFD800  }
0x8f: {  	[tilespmem:s24], [sflag:$0x2] =	stream.linear.gather [spmem:s13], $0x2800, $0x38;
	[tilespmem:$0x1E800] =	vst v63  }
0x90: {  	_ =	swait.ge [sflag:s25], $0x2800  }
0x91: {  	[sflag:s25] =	ssyncset.done $0x0  }
0x92: {  	[sflag:s25] =	ssyncadd.s32 $0xFFFFD800  }
0x93: {  	[hbm4b:s21+s2] =	stream.linear.scatter [tilespmem:s24], [sflag:$0x2], $0x2800, $0x38;
	[tilespmem:$0x1E800] =	vst v63  }
0x94: {  	_ =	swait.ge [sflag:s25], $0x2800  }
0x95: {  	[sflag:s25] =	ssyncset.done $0x0  }
0x96: {  	[sflag:s25] =	ssyncadd.s32 $0xFFFFD800  }
0x97: {  	[tilespmem:s24], [sflag:$0x2] =	stream.linear.gather [spmem:s14], $0x2800, $0x38;
	[tilespmem:$0x1E800] =	vst v63  }
0x98: {  	_ =	swait.ge [sflag:s25], $0x2800  }
0x99: {  	[sflag:s25] =	ssyncset.done $0x0  }
0x9a: {  	[sflag:s25] =	ssyncadd.s32 $0xFFFFD800  }
0x9b: {  	[hbm4b:s22+s2] =	stream.linear.scatter [tilespmem:s24], [sflag:$0x2], $0x2800, $0x38;
	[tilespmem:$0x1E800] =	vst v63  }
0x9c: {  	_ =	swait.ge [sflag:s25], $0x2800  }
0x9d: {  	[sflag:s25] =	ssyncset.done $0x0  }
0x9e: {  	[sflag:s25] =	ssyncadd.s32 $0xFFFFD800  }
0x9f: {  	[tilespmem:s24], [sflag:$0x2] =	stream.linear.gather [spmem:s15], $0x2800, $0x38;
	[tilespmem:$0x1E800] =	vst v63  }
0xa0: {  	s30 =	sadd.s32 $0x1, s30;
	_ =	swait.ge [sflag:s25], $0x2800  }
0xa1: {  	p0 =	sne.s32 s30, s8;
	[sflag:s25] =	ssyncset.done $0x0  }
.Ltmp2:
0xa2: {  	[sflag:s25] =	ssyncadd.s32 $0xFFFFD800;
	(pc) =	sbr.rel @p0 .LBB2_1-.Ltmp2, $4  }
0xa3: {  	[hbm4b:s23+s2] =	stream.linear.scatter [tilespmem:s24], [sflag:$0x2], $0x2800, $0x38;
	[tilespmem:$0x1E800] =	vst v63  }
0xa4: {  	_ =	swait.ge [sflag:s25], $0x2800  }
0xa5: {  	[sflag:s25] =	ssyncset.done $0x0  }
0xa6: {  	[sflag:s25] =	ssyncadd.s32 $0xFFFFD800  }
0xa7: {  	_ =	sfence.sel $0x180000  }
0xa8: {  	[bflag:$0x0] =	sbarrier.arrive $0xFFFF  }
0xa9: {  	_ =	strace $0x9000004D  }
0xaa: {  	s0 =	stileid.u32;
	[bflag:$0x2] =	sbarrier.arrive $0xFFFF  }
0xab: {  	p0 =	sne.s32 s0, $0x0;
	s0 =	rddreg [dreg:$0x2]  }
0xac: {  	s0 =	sadd.s32 @!p0 $0x100000, s0  }
0xad: {  	[sflag:s0] =	ssyncadd.tile.s32 @!p0 $0x1;
	_ =	shalt  }
.Lfunc_end2:
_tile_overlayer_lowered:
.L_overlay_start_2:
0xae: {  	(tag) =	ssettag $0x2  }
0xaf: {  	s0 =	rddreg [dreg:$0x0];
	s2 =	stileid.u32  }
0xb0: {  	s1 =	rddreg [dreg:$0x1];
	p0 =	sne.s32 s2, $0x0  }
0xb1: {  	s3 =	rddreg [dreg:$0x2];
	[bflag:$0x3] =	sbarrier.arrive $0xFFFF;
	s2 =	simm.s32 @!p0 $0x1C02  }
0xb2: {  	[timem:s3], [sflag:s2] =	dma.local @!p0 [hbm:s0], s1  }
0xb3: {  	s0 =	simm.s32 @!p0 $0x2  }
0xb4: {  	_ =	swait.ge @!p0 [sflag:s0], s1  }
0xb5: {  	s1 =	ssub.s32 @!p0 $0x0, s1;
	[sflag:s0] =	ssyncset.done @!p0 $0x0  }
0xb6: {  	[sflag:s0] =	ssyncadd.s32 @!p0 s1  }
0xb7: {  	[bflag:$0x3] =	sbarrier.arrive $0xFFFF  }
0xb8: {  	_ =	shalt  }

// kernel: kernel.21.cloned.1.call-start
scs
__scs_entry_jumppad:
0x0: {  	(pc) =	sbr.rel $0x88, $3  }
0x1: {  	(tag) =	ssettag $0x0;
	lr =	simm.s32 $0x1  }
0x2: {  	[smem:$0x3F9B] =	sst lr;
	_ =	strace $0xD0000000  }
0x3: {  	_ = 	snop  }
0x4: {  	_ = 	snop  }
0x5: {  	_ = 	snop  }
0x6: {  	_ = 	snop  }
0x7: {  	_ = 	snop  }
__scs_overlays_trampoline_lowered:
0x8: {  	[smem:$0x3FAA] =	sst s0  }
0x9: {  	[smem:$0x3FAB] =	sst s1  }
0xa: {  	[smem:$0x3FAC] =	sst s2  }
0xb: {  	[smem:$0x3FAD] =	sst s3  }
0xc: {  	[smem:$0x3FAE] =	sst s4  }
0xd: {  	[smem:$0x3FAF] =	sst s5  }
0xe: {  	[smem:$0x3FB0] =	sst s6  }
0xf: {  	[smem:$0x3FB1] =	sst s7  }
0x10: {  	[smem:$0x3FB2] =	sst s8  }
0x11: {  	[smem:$0x3FB3] =	sst s9;
	s0 =	simm.s32 @!p0 $0x0  }
0x12: {  	s1 =	sld [smem:$0x3F99];
	s0 =	simm.s32 @p0 $0x1  }
0x13: {  	[smem:$0x3FB4] =	sst s0;
	s0 =	simm.s32 @!p1 $0x0  }
0x14: {  	s2 =	sld [smem:$0x3F98];
	s0 =	simm.s32 @p1 $0x1  }
0x15: {  	[smem:$0x3FB5] =	sst s0;
	s0 =	simm.s32 @!p2 $0x0  }
0x16: {  	s3 =	sld [smem:$0x3FDB];
	s0 =	simm.s32 @p2 $0x1  }
0x17: {  	s4 =	simm.s32 $0x1BF5;
	[smem:$0x3FB7] =	sst s0  }
0x18: {  	s0 =	sld [smem:$0x3F9A];
	_ =	swait.ge [sflag:s4], $0x0  }
0x19: {  	s7 =	sld [smem:$0x3F9B]  }
0x1a: {  	s8 =	sadd.s32 $0xFFFFE003, lr  }
0x1b: {  	s9 =	sadd.s32 $0xFFFFFEF7, lr;
	s5 =	simm.s32 $0xFFFFFFFF;
	p2 =	slt.u32 s8, $0xFFFFF086  }
0x1c: {  	p1 =	slt.u32 s9, $0xF7A;
	s5 =	simm.s32 @!p2 $0x0  }
0x1d: {  	s5 =	simm.s32 @p1 $0x1;
	p0 =	seq.s32 s7, s2  }
0x1e: {  	s7 =	smul.u32 @!p0 $0xF7A, s2;
	p2 =	seq.s32 @!p0 s5, $0x0  }
0x1f: {  	s9 =	smul.u32 $0xF7A, s1;
	s8 =	simm.s32 @!p0 $0x1BF5;
	p2 =	por !p2, p0  }
0x20: {  	[sflag:s8] =	ssyncset.s32 @!p0 $0xFFFFF086;
	s6 =	sadd.s32 @!p0 s3, s7;
	s7 =	simm.s32 @!p0 $0x108  }
0x21: {  	s3 =	sadd.s32 s3, s9;
	s6 =	sadd.s32 @!p0 $0x88, s6;
	s7 =	simm.s32 @p2 $0x1082  }
0x22: {  	[simem:s7], [sflag:s8] =	dma.local @!p0 [hbm:s6], $0xF7A  }
0x23: {  	s9 =	sor.u32 $0xD0000000, s2;
	s6 =	simm.s32 $0x108;
	_ =	swait.ge @!p0 [sflag:s8], $0x0  }
0x24: {  	s3 =	sadd.s32 $0x88, s3;
	s6 =	simm.s32 @!p1 $0x1082;
	[sflag:s4] =	ssyncset.s32 $0xFFFFF086  }
0x25: {  	[simem:s6], [sflag:s4] =	dma.local [hbm:s3], $0xF7A  }
0x26: {  	[smem:$0x3F9B] =	sst s1;
	(tag) =	ssettag s2;
	_ =	strace s9  }
0x27: {  	s1 =	sld [smem:$0x3FAB]  }
0x28: {  	s2 =	sld [smem:$0x3FAC]  }
0x29: {  	s4 =	sld [smem:$0x3FAE]  }
0x2a: {  	p0 =	seq.s32 s5, $0x0;
	s5 =	sld [smem:$0x3FAF]  }
0x2b: {  	s6 =	sld [smem:$0x3FB0]  }
0x2c: {  	s7 =	sld [smem:$0x3FB1]  }
0x2d: {  	s3 =	simm.s32 $0x108;
	s8 =	sld [smem:$0x3FB2]  }
0x2e: {  	s3 =	simm.s32 @!p0 $0x1082;
	s9 =	sld [smem:$0x3FB3]  }
0x2f: {  	lr =	sadd.s32 s0, s3;
	s0 =	sld [smem:$0x3FAA]  }
0x30: {  	s3 =	sld [smem:$0x3FAD]  }
0x31: {  	[smem:$0x3FB6] =	sst s10  }
0x32: {  	s10 =	sld [smem:$0x3FB4];
	_ =	sdelay $0x3  }
0x33: {  	p0 =	seq.s32 s10, $0x1;
	s10 =	sld [smem:$0x3FB6];
	_ =	sdelay $0x3  }
0x34: {  	[smem:$0x3FB6] =	sst s10  }
0x35: {  	s10 =	sld [smem:$0x3FB5];
	_ =	sdelay $0x3  }
0x36: {  	p1 =	seq.s32 s10, $0x1;
	s10 =	sld [smem:$0x3FB6];
	_ =	sdelay $0x3  }
0x37: {  	[smem:$0x3FB6] =	sst s10  }
0x38: {  	s10 =	sld [smem:$0x3FB7]  }
0x39: {  	_ = 	snop;
	(pc) =	sbr.ind lr, $3  }
0x3a: {  	_ = 	snop  }
0x3b: {  	_ = 	snop  }
0x3c: {  	p2 =	seq.s32 s10, $0x1;
	s10 =	sld [smem:$0x3FB6]  }
0x3d: {  	_ =	shalt  }
0x3e: {  	_ =	shalt  }
0x3f: {  	_ =	shalt  }
0x40: {  	_ =	shalt  }
0x41: {  	_ =	shalt  }
0x42: {  	_ =	shalt  }
0x43: {  	_ =	shalt  }
0x44: {  	_ =	shalt  }
0x45: {  	_ =	shalt  }
0x46: {  	_ =	shalt  }
0x47: {  	_ =	shalt  }
0x48: {  	_ =	shalt  }
0x49: {  	_ =	shalt  }
0x4a: {  	_ =	shalt  }
0x4b: {  	_ =	shalt  }
0x4c: {  	_ =	shalt  }
0x4d: {  	_ =	shalt  }
0x4e: {  	_ =	shalt  }
0x4f: {  	_ =	shalt  }
0x50: {  	_ =	shalt  }
0x51: {  	_ =	shalt  }
0x52: {  	_ =	shalt  }
0x53: {  	_ =	shalt  }
0x54: {  	_ =	shalt  }
0x55: {  	_ =	shalt  }
0x56: {  	_ =	shalt  }
0x57: {  	_ =	shalt  }
0x58: {  	_ =	shalt  }
0x59: {  	_ =	shalt  }
0x5a: {  	_ =	shalt  }
0x5b: {  	_ =	shalt  }
0x5c: {  	_ =	shalt  }
0x5d: {  	_ =	shalt  }
0x5e: {  	_ =	shalt  }
0x5f: {  	_ =	shalt  }
0x60: {  	_ =	shalt  }
0x61: {  	_ =	shalt  }
0x62: {  	_ =	shalt  }
0x63: {  	_ =	shalt  }
0x64: {  	_ =	shalt  }
0x65: {  	_ =	shalt  }
0x66: {  	_ =	shalt  }
0x67: {  	_ =	shalt  }
0x68: {  	_ =	shalt  }
0x69: {  	_ =	shalt  }
0x6a: {  	_ =	shalt  }
0x6b: {  	_ =	shalt  }
0x6c: {  	_ =	shalt  }
0x6d: {  	_ =	shalt  }
0x6e: {  	_ =	shalt  }
0x6f: {  	_ =	shalt  }
0x70: {  	_ =	shalt  }
0x71: {  	_ =	shalt  }
0x72: {  	_ =	shalt  }
0x73: {  	_ =	shalt  }
0x74: {  	_ =	shalt  }
0x75: {  	_ =	shalt  }
0x76: {  	_ =	shalt  }
0x77: {  	_ =	shalt  }
0x78: {  	_ =	shalt  }
0x79: {  	_ =	shalt  }
0x7a: {  	_ =	shalt  }
0x7b: {  	_ =	shalt  }
0x7c: {  	_ =	shalt  }
0x7d: {  	_ =	shalt  }
0x7e: {  	_ =	shalt  }
0x7f: {  	_ =	shalt  }
0x80: {  	_ =	shalt  }
0x81: {  	_ =	shalt  }
0x82: {  	_ =	shalt  }
0x83: {  	_ =	shalt  }
0x84: {  	_ =	shalt  }
0x85: {  	_ =	shalt  }
0x86: {  	_ =	shalt  }
0x87: {  	_ =	shalt  }
.Lfunc_end0:
.L_simem_size_0:
called_computation.3_lowered:
.L_overlay_start_0:
0x88: {  	s2 =	sld [smem:$0x3FD9]  }
0x89: {  	s3 =	sld [smem:$0x3FFE];
	_ =	sdelay $0x1  }
0x8a: {  	s1 =	srdreg.scid  }
0x8b: {  	s0 =	sand.u32 $0x1, s1  }
0x8c: {  	s16 =	sshll.u32 s0, $0xA;
	s2 =	sadd.s32 s3, s2  }
0x8d: {  	s2 =	sadd.s32 s2, s16  }
0x8e: {  	[smem:$0x3FC2] =	sst s2  }
0x8f: {  	_ = 	snop  }
0x90: {  	(tm) =	ssettm $0x1  }
0x91: {  	s17 =	sld [smem:$0x3FFB];
	_ =	sdelay $0x3  }
0x92: {  	_ =	strace s17  }
0x93: {  	s2 =	sld [smem:$0x3FFC];
	_ =	sdelay $0x3  }
0x94: {  	_ =	strace s2  }
0x95: {  	s2 =	sld [smem:$0x3FFD];
	_ =	sdelay $0x3  }
0x96: {  	_ =	strace s2  }
0x97: {  	_ =	strace $0x8FFFFFFF  }
0x98: {  	s18 =	sld [smem:$0x3FDB];
	_ =	sdelay $0x1  }
0x99: {  	s19 =	simm.s32 $_scs_section_size  }
0x9a: {  	s4 =	simm.s32 $_size__tile_overlayer_lowered;
	s5 =	simm.s32 $_tile_overlayer_lowered  }
0x9b: {  	s22 =	simm.s32 $0x1BFF;
	s21 =	sshll.u32 s5, $0x1;
	s2 =	sadd.s32 s19, s18  }
0x9c: {  	s6 =	simm.s32 $0x0;
	s20 =	sshll.u32 s4, $0x1;
	s4 =	sadd.s32 s21, s2  }
0x9d: {  	[timem:s6], [sflag:s22] =	dma.local [hbm:s4], s20  }
0x9e: {  	_ =	swait.ge [sflag:s22], s20  }
0x9f: {  	s3 =	ssub.s32 $0x0, s20;
	[sflag:s22] =	ssyncset.done $0x0  }
0xa0: {  	[sflag:s22] =	ssyncadd.s32 s3;
	_ =	sdelay $0x1  }
0xa1: {  	s23 =	simm.s32 $0x1B8B  }
0xa2: {  	_ =	swait.ge [sflag:s23], $0x1  }
0xa3: {  	[sflag:s23] =	ssyncset.done $0x0  }
0xa4: {  	s25 =	simm.s32 $0x1B8E;
	s24 =	sld [smem:$0x3FFE];
	[sflag:s23] =	ssyncadd.s32 $0xFFFFFFFF  }
0xa5: {  	s26 =	simm.s32 $execute0_lowered;
	[smem:$0x3FD2] =	sst s25  }
0xa6: {  	s4 =	sshll.u32 s26, $0x1;
	_ =	strace $0x8000004F;
	[dreg:$0x1] =	wrdreg $0xFFFFFFFF  }
0xa7: {  	s28 =	simm.s32 $_size_execute0_lowered;
	s2 =	sadd.s32 s2, s4;
	[dreg:$0x0] =	wrdreg $0x0  }
0xa8: {  	s4 =	sshll.u32 s28, $0x1;
	[dreg:$0x2] =	wrdreg s2  }
0xa9: {  	[dreg:$0x3] =	wrdreg s4  }
0xaa: {  	[dreg:$0x4] =	wrdreg $0xC0  }
0xab: {  	_ =	task [dreg:s6], $0x5FFFF  }
0xac: {  	[dreg:$0x1] =	wrdreg $0xFFFFFFFF  }
0xad: {  	[dreg:$0x0] =	wrdreg $0x60  }
0xae: {  	[dreg:$0x2] =	wrdreg s24  }
0xaf: {  	[dreg:$0x3] =	wrdreg $0xA8000  }
0xb0: {  	[dreg:$0x4] =	wrdreg $0x9  }
0xb1: {  	_ =	task.clear_ibuf [dreg:s6], $0x5FFFF;
	_ =	strace $0x9000004F  }
0xb2: {  	s29 =	simm.s32 $0x9;
	_ =	strace $0x80000051  }
0xb3: {  	_ =	swait.ge [sflag:s29], $0x1  }
0xb4: {  	[sflag:s29] =	ssyncadd.s32 $0xFFFFFFFF  }
0xb5: {  	_ =	strace $0x90000051  }
0xb6: {  	_ =	sfence  }
0xb7: {  	s30 =	sld [smem:$0x0];
	_ =	sdelay $0x2  }
0xb8: {  	s31 =	sshll.u32 s1, $0xD;
	s1 =	sshrl.u32 s1, $0x2  }
0xb9: {  	s3 =	sand.u32 $0x4000, s31;
	s1 =	sadd.s32 s1, s30  }
0xba: {  	s0 =	sor.u32 s3, s0;
	s1 =	sshll.u32 s1, $0x11  }
0xbb: {  	s0 =	sor.u32 s1, s0  }
0xbc: {  	s0 =	sadd.s32 $0x8F2B, s0  }
0xbd: {  	[sflag:s0] =	ssyncadd.remote.s32 $0x1  }
0xbe: {  	_ =	sfence.sel $0xFFFF  }
0xbf: {  	[dreg:$0x0] =	wrdreg $0xFFFFFFFF;
	(pc) =	sbr.abs _section_cstart, $3  }
0xc0: {  	[dreg:$0x1] =	wrdreg $0xFFFFFFFF  }
0xc1: {  	_ =	task.clear_ibuf [dreg:s6], $0x2FFFF;
	_ =	strace $0x9FFFFFFF  }
0xc2: {  	(tm) =	ssettm $0x7FFFFFFF  }
0xc3: {  	_ =	shalt  }
tec
execute0_lowered:
.L_overlay_start_1:
0x0: {  	(tag) =	ssettag $0x1  }
0x1: {  	s0 =	rddreg [dreg:$0x0]  }
0x2: {  	s1 =	rddreg [dreg:$0x1]  }
0x3: {  	s2 =	simm.s32 $0x0;
	s3 =	srdreg.scid;
	s11 =	stileid.u32  }
0x4: {  	s25 =	simm.s32 $0x2;
	s28 =	simm.s32 $0x50;
	s29 =	simm.s32 $0x1  }
0x5: {  	s30 =	simm.s32 $0x0;
	[smem:$0x7FF] =	sst s2;
	s4 =	sadd.s32 $0x13600, s0  }
0x6: {  	s3 =	sand.u32 $0x1, s3;
	s6 =	sshll.u32 s11, $0xB;
	s8 =	smul.u32 $0x50000, s11  }
0x7: {  	s15 =	smul.u32 $0x14000, s11;
	_ =	strace $0x80000050;
	s5 =	sshll.u32 s3, $0xF  }
0x8: {  	s7 =	ssub.s32 $0x2, s3;
	s3 =	smul.u32 $0x140000, s3;
	s5 =	sor.u32 s6, s5  }
0x9: {  	s26 =	sshrl.u32 s7, $0x1;
	s31 =	sshrl.u32 s8, $0x2;
	s16 =	sor.u32 $0x2800, s15  }
0xa: {  	s18 =	sadd.s32 $0x5000, s15;
	s19 =	sadd.s32 $0x7800, s15;
	s20 =	sadd.s32 $0xA000, s15  }
0xb: {  	s21 =	sadd.s32 $0xC800, s15;
	s22 =	sadd.s32 $0xF000, s15;
	s23 =	sadd.s32 $0x11800, s15  }
0xc: {  	s9 =	sadd.s32 s5, s0;
	s0 =	sadd.s32 $0x83600, s0;
	s10 =	ssub.s32 s7, s26  }
0xd: {  	s7 =	sadd.s32 s31, s1;
	s11 =	sadd.s32 s19, s1;
	s12 =	sadd.s32 s20, s1  }
0xe: {  	s13 =	sadd.s32 s21, s1;
	s14 =	sadd.s32 s22, s1;
	s17 =	sadd.s32 s3, s15  }
0xf: {  	s15 =	sadd.s32 s23, s1;
	s19 =	sadd.s32 s3, s19;
	s20 =	sadd.s32 s3, s20  }
0x10: {  	s21 =	sadd.s32 s3, s21;
	s22 =	sadd.s32 s3, s22;
	s5 =	sadd.s32 $0x3600, s9  }
0x11: {  	s6 =	sadd.s32 $0x73600, s9;
	s8 =	smax.u32 s10, $0x1;
	s9 =	sadd.s32 s16, s1  }
0x12: {  	s10 =	sadd.s32 s18, s1;
	s16 =	sadd.s32 s3, s16;
	s17 =	sshrl.u32 s17, $0x3  }
0x13: {  	s18 =	sadd.s32 s3, s18;
	s19 =	sshrl.u32 s19, $0x3;
	s20 =	sshrl.u32 s20, $0x3  }
0x14: {  	s3 =	sadd.s32 s3, s23;
	s21 =	sshrl.u32 s21, $0x3;
	s22 =	sshrl.u32 s22, $0x3  }
0x15: {  	s24 =	sshrl.u32 s16, $0x3;
	s16 =	sadd.s32 s0, s17;
	s18 =	sshrl.u32 s18, $0x3  }
0x16: {  	s19 =	sadd.s32 s0, s19;
	s20 =	sadd.s32 s0, s20;
	s3 =	sshrl.u32 s3, $0x3  }
0x17: {  	s21 =	sadd.s32 s0, s21;
	s22 =	sadd.s32 s0, s22;
	s17 =	sadd.s32 s0, s24  }
0x18: {  	v0 =	vimm.f32 $0.0e+00;
	s18 =	sadd.s32 s0, s18;
	s23 =	sadd.s32 s0, s3;
	s24 =	simm.s32 $0x8000  }
.LBB2_1:
0x19: {  	s0 =	sand.u32 $0xFE00, s2  }
0x1a: {  	s3 =	sand.u32 $0x70, s2;
	s0 =	sshrl.u32 s0, $0x2  }
0x1b: {  	s31 =	simm.s32 $0x40;
	s3 =	sor.u32 s3, s0;
	s0 =	simm.s32 $0x0  }
.LBB2_2:
0x1c: {  	p0 =	sne.s32 s31, $0x9FC0  }
0x1d: {  	[tilespmem:s3+$0x8000] =	vst v0;
	s0 =	sadd.s32 $0x10, s0;
	s3 =	smov.u32 s31;
	s31 =	sadd.s32 $0x40, s31  }
.Ltmp0:
0x1e: {  	(pc) =	sbr.rel @p0 .LBB2_2-.Ltmp0, $4  }
0x1f: {  	_ = 	snop  }
0x20: {  	s3 =	sand.u32 $0xFE00, s3  }
0x21: {  	s26 =	sand.u32 $0x70, s0;
	s3 =	sshrl.u32 s3, $0x2  }
0x22: {  	s3 =	sor.u32 s26, s3  }
0x23: {  	[tilespmem:s3+$0x8000] =	vst v0  }
0x24: {  	[spmem:s7] =	stream.linear.scatter [tilespmem:s24], [sflag:$0x2], $0x2800, $0x38;
	[tilespmem:$0x1E800] =	vst v63  }
0x25: {  	_ =	swait.ge [sflag:s25], $0x2800  }
0x26: {  	[sflag:s25] =	ssyncset.done $0x0  }
0x27: {  	[sflag:s25] =	ssyncadd.s32 $0xFFFFD800  }
0x28: {  	[spmem:s9] =	stream.linear.scatter [tilespmem:s24], [sflag:$0x2], $0x2800, $0x38;
	[tilespmem:$0x1E800] =	vst v63  }
0x29: {  	_ =	swait.ge [sflag:s25], $0x2800  }
0x2a: {  	[sflag:s25] =	ssyncset.done $0x0  }
0x2b: {  	[sflag:s25] =	ssyncadd.s32 $0xFFFFD800  }
0x2c: {  	[spmem:s10] =	stream.linear.scatter [tilespmem:s24], [sflag:$0x2], $0x2800, $0x38;
	[tilespmem:$0x1E800] =	vst v63  }
0x2d: {  	_ =	swait.ge [sflag:s25], $0x2800  }
0x2e: {  	[sflag:s25] =	ssyncset.done $0x0  }
0x2f: {  	[sflag:s25] =	ssyncadd.s32 $0xFFFFD800  }
0x30: {  	[spmem:s11] =	stream.linear.scatter [tilespmem:s24], [sflag:$0x2], $0x2800, $0x38;
	[tilespmem:$0x1E800] =	vst v63  }
0x31: {  	_ =	swait.ge [sflag:s25], $0x2800  }
0x32: {  	[sflag:s25] =	ssyncset.done $0x0  }
0x33: {  	[sflag:s25] =	ssyncadd.s32 $0xFFFFD800  }
0x34: {  	[spmem:s12] =	stream.linear.scatter [tilespmem:s24], [sflag:$0x2], $0x2800, $0x38;
	[tilespmem:$0x1E800] =	vst v63  }
0x35: {  	_ =	swait.ge [sflag:s25], $0x2800  }
0x36: {  	[sflag:s25] =	ssyncset.done $0x0  }
0x37: {  	[sflag:s25] =	ssyncadd.s32 $0xFFFFD800  }
0x38: {  	[spmem:s13] =	stream.linear.scatter [tilespmem:s24], [sflag:$0x2], $0x2800, $0x38;
	[tilespmem:$0x1E800] =	vst v63  }
0x39: {  	_ =	swait.ge [sflag:s25], $0x2800  }
0x3a: {  	[sflag:s25] =	ssyncset.done $0x0  }
0x3b: {  	[sflag:s25] =	ssyncadd.s32 $0xFFFFD800  }
0x3c: {  	[spmem:s14] =	stream.linear.scatter [tilespmem:s24], [sflag:$0x2], $0x2800, $0x38;
	[tilespmem:$0x1E800] =	vst v63  }
0x3d: {  	_ =	swait.ge [sflag:s25], $0x2800  }
0x3e: {  	[sflag:s25] =	ssyncset.done $0x0  }
0x3f: {  	[sflag:s25] =	ssyncadd.s32 $0xFFFFD800  }
0x40: {  	[spmem:s15] =	stream.linear.scatter [tilespmem:s24], [sflag:$0x2], $0x2800, $0x38;
	[tilespmem:$0x1E800] =	vst v63  }
0x41: {  	_ =	swait.ge [sflag:s25], $0x2800  }
0x42: {  	[sflag:s25] =	ssyncset.done $0x0  }
0x43: {  	[sflag:s25] =	ssyncadd.s32 $0xFFFFD800  }
0x44: {  	s0 =	simm.s32 $0x0;
	[bflag:$0x0] =	sbarrier.arrive $0xFFFF  }
0x45: {  	[tilespmem:s0], [sflag:$0x2] =	stream.linear.gather [hbm4b:s5+s0], $0x3E80, $0x38;
	[tilespmem:$0x1E800] =	vst v63  }
0x46: {  	_ =	swait.ge [sflag:s25], $0x3E80  }
0x47: {  	[sflag:s25] =	ssyncset.done $0x0  }
0x48: {  	s26 =	simm.s32 $0x4000;
	[sflag:s25] =	ssyncadd.s32 $0xFFFFC180  }
0x49: {  	[tilespmem:s26], [sflag:$0x2] =	stream.linear.gather [hbm4b:s6+s0], $0x3E80, $0x38;
	[tilespmem:$0x1E800] =	vst v63  }
0x4a: {  	_ =	swait.ge [sflag:s25], $0x3E80  }
0x4b: {  	[sflag:s25] =	ssyncset.done $0x0  }
0x4c: {  	s3 =	simm.s32 $0x0;
	[sflag:s25] =	ssyncadd.s32 $0xFFFFC180  }
0x4d: {  	[tilespmem:s24], [sflag:$0x1] =	stream.indirect.gather [hbm4b:s4+s28], $0x80, s3, s28, $0xb8;
	[tilespmem:$0x1E800] =	vst v63  }
0x4e: {  	_ =	swait.ge [sflag:s29], $0x2800  }
0x4f: {  	[sflag:s29] =	ssyncset.done $0x0  }
0x50: {  	s26 =	simm.s32 $0x4000;
	[sflag:s29] =	ssyncadd.s32 $0xFFFFD800  }
0x51: {  	[spmem:s1] =	stream.indirect.scatter.add.f32 [tilespmem:s24], [sflag:$0x2], $0x80, s26, s28, $0xb8;
	[tilespmem:$0x1E800] =	vst v63  }
0x52: {  	_ =	swait.ge [sflag:s25], $0x2800  }
0x53: {  	s31 =	simm.s32 $0x200;
	s0 =	simm.s32 $0x400;
	[sflag:s25] =	ssyncset.done $0x0  }
.LBB2_4:
0x54: {  	s3 =	sshra.s32 s31, $0x2  }
0x55: {  	[sflag:s25] =	ssyncadd.s32 $0xFFFFD800;
	s31 =	smov.u32 s0;
	s26 =	sadd.s32 $0x200, s0  }
0x56: {  	[tilespmem:s24], [sflag:$0x1] =	stream.indirect.gather [hbm4b:s4+s28], $0x80, s3, s28, $0xb8;
	[tilespmem:$0x1E800] =	vst v63  }
0x57: {  	p0 =	sne.s32 s0, $0xF800;
	_ =	swait.ge [sflag:s29], $0x2800  }
.Ltmp1:
0x58: {  	[sflag:s29] =	ssyncset.done $0x0;
	(pc) =	sbr.rel @p0 .LBB2_4-.Ltmp1, $4  }
0x59: {  	s0 =	sadd.s32 $0x4000, s3;
	[sflag:s29] =	ssyncadd.s32 $0xFFFFD800  }
0x5a: {  	[spmem:s1] =	stream.indirect.scatter.add.f32 [tilespmem:s24], [sflag:$0x2], $0x80, s0, s28, $0xb8;
	[tilespmem:$0x1E800] =	vst v63  }
0x5b: {  	_ =	swait.ge [sflag:s25], $0x2800  }
0x5c: {  	s0 =	smov.u32 s26;
	[sflag:s25] =	ssyncset.done $0x0  }
0x5d: {  	s0 =	sshra.s32 s31, $0x2;
	[sflag:s25] =	ssyncadd.s32 $0xFFFFD800  }
0x5e: {  	[tilespmem:s24], [sflag:$0x1] =	stream.indirect.gather [hbm4b:s4+s28], $0x80, s0, s28, $0xb8;
	[tilespmem:$0x1E800] =	vst v63  }
0x5f: {  	_ =	swait.ge [sflag:s29], $0x2800  }
0x60: {  	[sflag:s29] =	ssyncset.done $0x0  }
0x61: {  	s0 =	sadd.s32 $0x4000, s0;
	[sflag:s29] =	ssyncadd.s32 $0xFFFFD800  }
0x62: {  	[spmem:s1] =	stream.indirect.scatter.add.f32 [tilespmem:s24], [sflag:$0x2], $0x80, s0, s28, $0xb8;
	[tilespmem:$0x1E800] =	vst v63  }
0x63: {  	_ =	swait.ge [sflag:s25], $0x2800  }
0x64: {  	[sflag:s25] =	ssyncset.done $0x0  }
0x65: {  	[sflag:s25] =	ssyncadd.s32 $0xFFFFD800  }
0x66: {  	[bflag:$0x0] =	sbarrier.arrive $0xFFFF  }
0x67: {  	[tilespmem:s24], [sflag:$0x2] =	stream.linear.gather [spmem:s7], $0x2800, $0x38;
	[tilespmem:$0x1E800] =	vst v63  }
0x68: {  	_ =	swait.ge [sflag:s25], $0x2800  }
0x69: {  	[sflag:s25] =	ssyncset.done $0x0  }
0x6a: {  	[sflag:s25] =	ssyncadd.s32 $0xFFFFD800  }
0x6b: {  	[hbm4b:s16+s2] =	stream.linear.scatter [tilespmem:s24], [sflag:$0x2], $0x2800, $0x38;
	[tilespmem:$0x1E800] =	vst v63  }
0x6c: {  	_ =	swait.ge [sflag:s25], $0x2800  }
0x6d: {  	[sflag:s25] =	ssyncset.done $0x0  }
0x6e: {  	[sflag:s25] =	ssyncadd.s32 $0xFFFFD800  }
0x6f: {  	[tilespmem:s24], [sflag:$0x2] =	stream.linear.gather [spmem:s9], $0x2800, $0x38;
	[tilespmem:$0x1E800] =	vst v63  }
0x70: {  	_ =	swait.ge [sflag:s25], $0x2800  }
0x71: {  	[sflag:s25] =	ssyncset.done $0x0  }
0x72: {  	[sflag:s25] =	ssyncadd.s32 $0xFFFFD800  }
0x73: {  	[hbm4b:s17+s2] =	stream.linear.scatter [tilespmem:s24], [sflag:$0x2], $0x2800, $0x38;
	[tilespmem:$0x1E800] =	vst v63  }
0x74: {  	_ =	swait.ge [sflag:s25], $0x2800  }
0x75: {  	[sflag:s25] =	ssyncset.done $0x0  }
0x76: {  	[sflag:s25] =	ssyncadd.s32 $0xFFFFD800  }
0x77: {  	[tilespmem:s24], [sflag:$0x2] =	stream.linear.gather [spmem:s10], $0x2800, $0x38;
	[tilespmem:$0x1E800] =	vst v63  }
0x78: {  	_ =	swait.ge [sflag:s25], $0x2800  }
0x79: {  	[sflag:s25] =	ssyncset.done $0x0  }
0x7a: {  	[sflag:s25] =	ssyncadd.s32 $0xFFFFD800  }
0x7b: {  	[hbm4b:s18+s2] =	stream.linear.scatter [tilespmem:s24], [sflag:$0x2], $0x2800, $0x38;
	[tilespmem:$0x1E800] =	vst v63  }
0x7c: {  	_ =	swait.ge [sflag:s25], $0x2800  }
0x7d: {  	[sflag:s25] =	ssyncset.done $0x0  }
0x7e: {  	[sflag:s25] =	ssyncadd.s32 $0xFFFFD800  }
0x7f: {  	[tilespmem:s24], [sflag:$0x2] =	stream.linear.gather [spmem:s11], $0x2800, $0x38;
	[tilespmem:$0x1E800] =	vst v63  }
0x80: {  	_ =	swait.ge [sflag:s25], $0x2800  }
0x81: {  	[sflag:s25] =	ssyncset.done $0x0  }
0x82: {  	[sflag:s25] =	ssyncadd.s32 $0xFFFFD800  }
0x83: {  	[hbm4b:s19+s2] =	stream.linear.scatter [tilespmem:s24], [sflag:$0x2], $0x2800, $0x38;
	[tilespmem:$0x1E800] =	vst v63  }
0x84: {  	_ =	swait.ge [sflag:s25], $0x2800  }
0x85: {  	[sflag:s25] =	ssyncset.done $0x0  }
0x86: {  	[sflag:s25] =	ssyncadd.s32 $0xFFFFD800  }
0x87: {  	[tilespmem:s24], [sflag:$0x2] =	stream.linear.gather [spmem:s12], $0x2800, $0x38;
	[tilespmem:$0x1E800] =	vst v63  }
0x88: {  	_ =	swait.ge [sflag:s25], $0x2800  }
0x89: {  	[sflag:s25] =	ssyncset.done $0x0  }
0x8a: {  	[sflag:s25] =	ssyncadd.s32 $0xFFFFD800  }
0x8b: {  	[hbm4b:s20+s2] =	stream.linear.scatter [tilespmem:s24], [sflag:$0x2], $0x2800, $0x38;
	[tilespmem:$0x1E800] =	vst v63  }
0x8c: {  	_ =	swait.ge [sflag:s25], $0x2800  }
0x8d: {  	[sflag:s25] =	ssyncset.done $0x0  }
0x8e: {  	[sflag:s25] =	ssyncadd.s32 $0xFFFFD800  }
0x8f: {  	[tilespmem:s24], [sflag:$0x2] =	stream.linear.gather [spmem:s13], $0x2800, $0x38;
	[tilespmem:$0x1E800] =	vst v63  }
0x90: {  	_ =	swait.ge [sflag:s25], $0x2800  }
0x91: {  	[sflag:s25] =	ssyncset.done $0x0  }
0x92: {  	[sflag:s25] =	ssyncadd.s32 $0xFFFFD800  }
0x93: {  	[hbm4b:s21+s2] =	stream.linear.scatter [tilespmem:s24], [sflag:$0x2], $0x2800, $0x38;
	[tilespmem:$0x1E800] =	vst v63  }
0x94: {  	_ =	swait.ge [sflag:s25], $0x2800  }
0x95: {  	[sflag:s25] =	ssyncset.done $0x0  }
0x96: {  	[sflag:s25] =	ssyncadd.s32 $0xFFFFD800  }
0x97: {  	[tilespmem:s24], [sflag:$0x2] =	stream.linear.gather [spmem:s14], $0x2800, $0x38;
	[tilespmem:$0x1E800] =	vst v63  }
0x98: {  	_ =	swait.ge [sflag:s25], $0x2800  }
0x99: {  	[sflag:s25] =	ssyncset.done $0x0  }
0x9a: {  	[sflag:s25] =	ssyncadd.s32 $0xFFFFD800  }
0x9b: {  	[hbm4b:s22+s2] =	stream.linear.scatter [tilespmem:s24], [sflag:$0x2], $0x2800, $0x38;
	[tilespmem:$0x1E800] =	vst v63  }
0x9c: {  	_ =	swait.ge [sflag:s25], $0x2800  }
0x9d: {  	[sflag:s25] =	ssyncset.done $0x0  }
0x9e: {  	[sflag:s25] =	ssyncadd.s32 $0xFFFFD800  }
0x9f: {  	[tilespmem:s24], [sflag:$0x2] =	stream.linear.gather [spmem:s15], $0x2800, $0x38;
	[tilespmem:$0x1E800] =	vst v63  }
0xa0: {  	s30 =	sadd.s32 $0x1, s30;
	_ =	swait.ge [sflag:s25], $0x2800  }
0xa1: {  	p0 =	sne.s32 s30, s8;
	[sflag:s25] =	ssyncset.done $0x0  }
.Ltmp2:
0xa2: {  	[sflag:s25] =	ssyncadd.s32 $0xFFFFD800;
	(pc) =	sbr.rel @p0 .LBB2_1-.Ltmp2, $4  }
0xa3: {  	[hbm4b:s23+s2] =	stream.linear.scatter [tilespmem:s24], [sflag:$0x2], $0x2800, $0x38;
	[tilespmem:$0x1E800] =	vst v63  }
0xa4: {  	_ =	swait.ge [sflag:s25], $0x2800  }
0xa5: {  	[sflag:s25] =	ssyncset.done $0x0  }
0xa6: {  	[sflag:s25] =	ssyncadd.s32 $0xFFFFD800  }
0xa7: {  	_ =	sfence.sel $0x180000  }
0xa8: {  	[bflag:$0x0] =	sbarrier.arrive $0xFFFF  }
0xa9: {  	_ =	strace $0x90000050  }
0xaa: {  	s0 =	stileid.u32;
	[bflag:$0x2] =	sbarrier.arrive $0xFFFF  }
0xab: {  	p0 =	sne.s32 s0, $0x0;
	s0 =	rddreg [dreg:$0x2]  }
0xac: {  	s0 =	sadd.s32 @!p0 $0x100000, s0  }
0xad: {  	[sflag:s0] =	ssyncadd.tile.s32 @!p0 $0x1;
	_ =	shalt  }
.Lfunc_end2:
_tile_overlayer_lowered:
.L_overlay_start_2:
0xae: {  	(tag) =	ssettag $0x2  }
0xaf: {  	s0 =	rddreg [dreg:$0x0];
	s2 =	stileid.u32  }
0xb0: {  	s1 =	rddreg [dreg:$0x1];
	p0 =	sne.s32 s2, $0x0  }
0xb1: {  	s3 =	rddreg [dreg:$0x2];
	[bflag:$0x3] =	sbarrier.arrive $0xFFFF;
	s2 =	simm.s32 @!p0 $0x1C02  }
0xb2: {  	[timem:s3], [sflag:s2] =	dma.local @!p0 [hbm:s0], s1  }
0xb3: {  	s0 =	simm.s32 @!p0 $0x2  }
0xb4: {  	_ =	swait.ge @!p0 [sflag:s0], s1  }
0xb5: {  	s1 =	ssub.s32 @!p0 $0x0, s1;
	[sflag:s0] =	ssyncset.done @!p0 $0x0  }
0xb6: {  	[sflag:s0] =	ssyncadd.s32 @!p0 s1  }
0xb7: {  	[bflag:$0x3] =	sbarrier.arrive $0xFFFF  }
0xb8: {  	_ =	shalt  }

// kernel: kernel.24.cloned.1.call-start
scs
__scs_entry_jumppad:
0x0: {  	(pc) =	sbr.rel $0x88, $3  }
0x1: {  	(tag) =	ssettag $0x0;
	lr =	simm.s32 $0x1  }
0x2: {  	[smem:$0x3F9B] =	sst lr;
	_ =	strace $0xD0000000  }
0x3: {  	_ = 	snop  }
0x4: {  	_ = 	snop  }
0x5: {  	_ = 	snop  }
0x6: {  	_ = 	snop  }
0x7: {  	_ = 	snop  }
__scs_overlays_trampoline_lowered:
0x8: {  	[smem:$0x3FAA] =	sst s0  }
0x9: {  	[smem:$0x3FAB] =	sst s1  }
0xa: {  	[smem:$0x3FAC] =	sst s2  }
0xb: {  	[smem:$0x3FAD] =	sst s3  }
0xc: {  	[smem:$0x3FAE] =	sst s4  }
0xd: {  	[smem:$0x3FAF] =	sst s5  }
0xe: {  	[smem:$0x3FB0] =	sst s6  }
0xf: {  	[smem:$0x3FB1] =	sst s7  }
0x10: {  	[smem:$0x3FB2] =	sst s8  }
0x11: {  	[smem:$0x3FB3] =	sst s9;
	s0 =	simm.s32 @!p0 $0x0  }
0x12: {  	s1 =	sld [smem:$0x3F99];
	s0 =	simm.s32 @p0 $0x1  }
0x13: {  	[smem:$0x3FB4] =	sst s0;
	s0 =	simm.s32 @!p1 $0x0  }
0x14: {  	s2 =	sld [smem:$0x3F98];
	s0 =	simm.s32 @p1 $0x1  }
0x15: {  	[smem:$0x3FB5] =	sst s0;
	s0 =	simm.s32 @!p2 $0x0  }
0x16: {  	s3 =	sld [smem:$0x3FDB];
	s0 =	simm.s32 @p2 $0x1  }
0x17: {  	s4 =	simm.s32 $0x1BF5;
	[smem:$0x3FB7] =	sst s0  }
0x18: {  	s0 =	sld [smem:$0x3F9A];
	_ =	swait.ge [sflag:s4], $0x0  }
0x19: {  	s7 =	sld [smem:$0x3F9B]  }
0x1a: {  	s8 =	sadd.s32 $0xFFFFE003, lr  }
0x1b: {  	s9 =	sadd.s32 $0xFFFFFEF7, lr;
	s5 =	simm.s32 $0xFFFFFFFF;
	p2 =	slt.u32 s8, $0xFFFFF086  }
0x1c: {  	p1 =	slt.u32 s9, $0xF7A;
	s5 =	simm.s32 @!p2 $0x0  }
0x1d: {  	s5 =	simm.s32 @p1 $0x1;
	p0 =	seq.s32 s7, s2  }
0x1e: {  	s7 =	smul.u32 @!p0 $0xF7A, s2;
	p2 =	seq.s32 @!p0 s5, $0x0  }
0x1f: {  	s9 =	smul.u32 $0xF7A, s1;
	s8 =	simm.s32 @!p0 $0x1BF5;
	p2 =	por !p2, p0  }
0x20: {  	[sflag:s8] =	ssyncset.s32 @!p0 $0xFFFFF086;
	s6 =	sadd.s32 @!p0 s3, s7;
	s7 =	simm.s32 @!p0 $0x108  }
0x21: {  	s3 =	sadd.s32 s3, s9;
	s6 =	sadd.s32 @!p0 $0x88, s6;
	s7 =	simm.s32 @p2 $0x1082  }
0x22: {  	[simem:s7], [sflag:s8] =	dma.local @!p0 [hbm:s6], $0xF7A  }
0x23: {  	s9 =	sor.u32 $0xD0000000, s2;
	s6 =	simm.s32 $0x108;
	_ =	swait.ge @!p0 [sflag:s8], $0x0  }
0x24: {  	s3 =	sadd.s32 $0x88, s3;
	s6 =	simm.s32 @!p1 $0x1082;
	[sflag:s4] =	ssyncset.s32 $0xFFFFF086  }
0x25: {  	[simem:s6], [sflag:s4] =	dma.local [hbm:s3], $0xF7A  }
0x26: {  	[smem:$0x3F9B] =	sst s1;
	(tag) =	ssettag s2;
	_ =	strace s9  }
0x27: {  	s1 =	sld [smem:$0x3FAB]  }
0x28: {  	s2 =	sld [smem:$0x3FAC]  }
0x29: {  	s4 =	sld [smem:$0x3FAE]  }
0x2a: {  	p0 =	seq.s32 s5, $0x0;
	s5 =	sld [smem:$0x3FAF]  }
0x2b: {  	s6 =	sld [smem:$0x3FB0]  }
0x2c: {  	s7 =	sld [smem:$0x3FB1]  }
0x2d: {  	s3 =	simm.s32 $0x108;
	s8 =	sld [smem:$0x3FB2]  }
0x2e: {  	s3 =	simm.s32 @!p0 $0x1082;
	s9 =	sld [smem:$0x3FB3]  }
0x2f: {  	lr =	sadd.s32 s0, s3;
	s0 =	sld [smem:$0x3FAA]  }
0x30: {  	s3 =	sld [smem:$0x3FAD]  }
0x31: {  	[smem:$0x3FB6] =	sst s10  }
0x32: {  	s10 =	sld [smem:$0x3FB4];
	_ =	sdelay $0x3  }
0x33: {  	p0 =	seq.s32 s10, $0x1;
	s10 =	sld [smem:$0x3FB6];
	_ =	sdelay $0x3  }
0x34: {  	[smem:$0x3FB6] =	sst s10  }
0x35: {  	s10 =	sld [smem:$0x3FB5];
	_ =	sdelay $0x3  }
0x36: {  	p1 =	seq.s32 s10, $0x1;
	s10 =	sld [smem:$0x3FB6];
	_ =	sdelay $0x3  }
0x37: {  	[smem:$0x3FB6] =	sst s10  }
0x38: {  	s10 =	sld [smem:$0x3FB7]  }
0x39: {  	_ = 	snop;
	(pc) =	sbr.ind lr, $3  }
0x3a: {  	_ = 	snop  }
0x3b: {  	_ = 	snop  }
0x3c: {  	p2 =	seq.s32 s10, $0x1;
	s10 =	sld [smem:$0x3FB6]  }
0x3d: {  	_ =	shalt  }
0x3e: {  	_ =	shalt  }
0x3f: {  	_ =	shalt  }
0x40: {  	_ =	shalt  }
0x41: {  	_ =	shalt  }
0x42: {  	_ =	shalt  }
0x43: {  	_ =	shalt  }
0x44: {  	_ =	shalt  }
0x45: {  	_ =	shalt  }
0x46: {  	_ =	shalt  }
0x47: {  	_ =	shalt  }
0x48: {  	_ =	shalt  }
0x49: {  	_ =	shalt  }
0x4a: {  	_ =	shalt  }
0x4b: {  	_ =	shalt  }
0x4c: {  	_ =	shalt  }
0x4d: {  	_ =	shalt  }
0x4e: {  	_ =	shalt  }
0x4f: {  	_ =	shalt  }
0x50: {  	_ =	shalt  }
0x51: {  	_ =	shalt  }
0x52: {  	_ =	shalt  }
0x53: {  	_ =	shalt  }
0x54: {  	_ =	shalt  }
0x55: {  	_ =	shalt  }
0x56: {  	_ =	shalt  }
0x57: {  	_ =	shalt  }
0x58: {  	_ =	shalt  }
0x59: {  	_ =	shalt  }
0x5a: {  	_ =	shalt  }
0x5b: {  	_ =	shalt  }
0x5c: {  	_ =	shalt  }
0x5d: {  	_ =	shalt  }
0x5e: {  	_ =	shalt  }
0x5f: {  	_ =	shalt  }
0x60: {  	_ =	shalt  }
0x61: {  	_ =	shalt  }
0x62: {  	_ =	shalt  }
0x63: {  	_ =	shalt  }
0x64: {  	_ =	shalt  }
0x65: {  	_ =	shalt  }
0x66: {  	_ =	shalt  }
0x67: {  	_ =	shalt  }
0x68: {  	_ =	shalt  }
0x69: {  	_ =	shalt  }
0x6a: {  	_ =	shalt  }
0x6b: {  	_ =	shalt  }
0x6c: {  	_ =	shalt  }
0x6d: {  	_ =	shalt  }
0x6e: {  	_ =	shalt  }
0x6f: {  	_ =	shalt  }
0x70: {  	_ =	shalt  }
0x71: {  	_ =	shalt  }
0x72: {  	_ =	shalt  }
0x73: {  	_ =	shalt  }
0x74: {  	_ =	shalt  }
0x75: {  	_ =	shalt  }
0x76: {  	_ =	shalt  }
0x77: {  	_ =	shalt  }
0x78: {  	_ =	shalt  }
0x79: {  	_ =	shalt  }
0x7a: {  	_ =	shalt  }
0x7b: {  	_ =	shalt  }
0x7c: {  	_ =	shalt  }
0x7d: {  	_ =	shalt  }
0x7e: {  	_ =	shalt  }
0x7f: {  	_ =	shalt  }
0x80: {  	_ =	shalt  }
0x81: {  	_ =	shalt  }
0x82: {  	_ =	shalt  }
0x83: {  	_ =	shalt  }
0x84: {  	_ =	shalt  }
0x85: {  	_ =	shalt  }
0x86: {  	_ =	shalt  }
0x87: {  	_ =	shalt  }
.Lfunc_end0:
.L_simem_size_0:
called_computation.4_lowered:
.L_overlay_start_0:
0x88: {  	s2 =	sld [smem:$0x3FD9]  }
0x89: {  	s3 =	sld [smem:$0x3FFE];
	_ =	sdelay $0x1  }
0x8a: {  	s1 =	srdreg.scid  }
0x8b: {  	s0 =	sand.u32 $0x1, s1  }
0x8c: {  	s16 =	sshll.u32 s0, $0xA;
	s2 =	sadd.s32 s3, s2  }
0x8d: {  	s2 =	sadd.s32 s2, s16  }
0x8e: {  	[smem:$0x3FC2] =	sst s2  }
0x8f: {  	_ = 	snop  }
0x90: {  	(tm) =	ssettm $0x1  }
0x91: {  	s17 =	sld [smem:$0x3FFB];
	_ =	sdelay $0x3  }
0x92: {  	_ =	strace s17  }
0x93: {  	s2 =	sld [smem:$0x3FFC];
	_ =	sdelay $0x3  }
0x94: {  	_ =	strace s2  }
0x95: {  	s2 =	sld [smem:$0x3FFD];
	_ =	sdelay $0x3  }
0x96: {  	_ =	strace s2  }
0x97: {  	_ =	strace $0x8FFFFFFF  }
0x98: {  	s18 =	sld [smem:$0x3FDB];
	_ =	sdelay $0x1  }
0x99: {  	s19 =	simm.s32 $_scs_section_size  }
0x9a: {  	s4 =	simm.s32 $_size__tile_overlayer_lowered;
	s5 =	simm.s32 $_tile_overlayer_lowered  }
0x9b: {  	s22 =	simm.s32 $0x1BFF;
	s21 =	sshll.u32 s5, $0x1;
	s2 =	sadd.s32 s19, s18  }
0x9c: {  	s6 =	simm.s32 $0x0;
	s20 =	sshll.u32 s4, $0x1;
	s4 =	sadd.s32 s21, s2  }
0x9d: {  	[timem:s6], [sflag:s22] =	dma.local [hbm:s4], s20  }
0x9e: {  	_ =	swait.ge [sflag:s22], s20  }
0x9f: {  	s3 =	ssub.s32 $0x0, s20;
	[sflag:s22] =	ssyncset.done $0x0  }
0xa0: {  	[sflag:s22] =	ssyncadd.s32 s3;
	_ =	sdelay $0x1  }
0xa1: {  	s23 =	simm.s32 $0x1B8B  }
0xa2: {  	_ =	swait.ge [sflag:s23], $0x1  }
0xa3: {  	[sflag:s23] =	ssyncset.done $0x0  }
0xa4: {  	s25 =	simm.s32 $0x1B8E;
	s24 =	sld [smem:$0x3FFE];
	[sflag:s23] =	ssyncadd.s32 $0xFFFFFFFF  }
0xa5: {  	s26 =	simm.s32 $execute0_lowered;
	[smem:$0x3FD2] =	sst s25  }
0xa6: {  	s4 =	sshll.u32 s26, $0x1;
	_ =	strace $0x80000052;
	[dreg:$0x1] =	wrdreg $0xFFFFFFFF  }
0xa7: {  	s28 =	simm.s32 $_size_execute0_lowered;
	s2 =	sadd.s32 s2, s4;
	[dreg:$0x0] =	wrdreg $0x0  }
0xa8: {  	s4 =	sshll.u32 s28, $0x1;
	[dreg:$0x2] =	wrdreg s2  }
0xa9: {  	[dreg:$0x3] =	wrdreg s4  }
0xaa: {  	[dreg:$0x4] =	wrdreg $0xC0  }
0xab: {  	_ =	task [dreg:s6], $0x5FFFF  }
0xac: {  	[dreg:$0x1] =	wrdreg $0xFFFFFFFF  }
0xad: {  	[dreg:$0x0] =	wrdreg $0x60  }
0xae: {  	[dreg:$0x2] =	wrdreg s24  }
0xaf: {  	[dreg:$0x3] =	wrdreg $0xA8000  }
0xb0: {  	[dreg:$0x4] =	wrdreg $0x9  }
0xb1: {  	_ =	task.clear_ibuf [dreg:s6], $0x5FFFF;
	_ =	strace $0x90000052  }
0xb2: {  	s29 =	simm.s32 $0x9;
	_ =	strace $0x80000054  }
0xb3: {  	_ =	swait.ge [sflag:s29], $0x1  }
0xb4: {  	[sflag:s29] =	ssyncadd.s32 $0xFFFFFFFF  }
0xb5: {  	_ =	strace $0x90000054  }
0xb6: {  	_ =	sfence  }
0xb7: {  	s30 =	sld [smem:$0x0];
	_ =	sdelay $0x2  }
0xb8: {  	s31 =	sshll.u32 s1, $0xD;
	s1 =	sshrl.u32 s1, $0x2  }
0xb9: {  	s3 =	sand.u32 $0x4000, s31;
	s1 =	sadd.s32 s1, s30  }
0xba: {  	s0 =	sor.u32 s3, s0;
	s1 =	sshll.u32 s1, $0x11  }
0xbb: {  	s0 =	sor.u32 s1, s0  }
0xbc: {  	s0 =	sadd.s32 $0x8F2B, s0  }
0xbd: {  	[sflag:s0] =	ssyncadd.remote.s32 $0x1  }
0xbe: {  	_ =	sfence.sel $0xFFFF  }
0xbf: {  	[dreg:$0x0] =	wrdreg $0xFFFFFFFF;
	(pc) =	sbr.abs _section_cstart, $3  }
0xc0: {  	[dreg:$0x1] =	wrdreg $0xFFFFFFFF  }
0xc1: {  	_ =	task.clear_ibuf [dreg:s6], $0x2FFFF;
	_ =	strace $0x9FFFFFFF  }
0xc2: {  	(tm) =	ssettm $0x7FFFFFFF  }
0xc3: {  	_ =	shalt  }
tec
execute0_lowered:
.L_overlay_start_1:
0x0: {  	(tag) =	ssettag $0x1  }
0x1: {  	s0 =	rddreg [dreg:$0x0]  }
0x2: {  	s1 =	rddreg [dreg:$0x1]  }
0x3: {  	s2 =	simm.s32 $0x0;
	s3 =	srdreg.scid;
	s11 =	stileid.u32  }
0x4: {  	s25 =	simm.s32 $0x2;
	s28 =	simm.s32 $0x50;
	s29 =	simm.s32 $0x1  }
0x5: {  	s30 =	simm.s32 $0x0;
	[smem:$0x7FF] =	sst s2;
	s4 =	sadd.s32 $0x13600, s0  }
0x6: {  	s3 =	sand.u32 $0x1, s3;
	s6 =	sshll.u32 s11, $0xB;
	s8 =	smul.u32 $0x50000, s11  }
0x7: {  	s15 =	smul.u32 $0x14000, s11;
	_ =	strace $0x80000053;
	s5 =	sshll.u32 s3, $0xF  }
0x8: {  	s7 =	ssub.s32 $0x2, s3;
	s3 =	smul.u32 $0x140000, s3;
	s5 =	sor.u32 s6, s5  }
0x9: {  	s26 =	sshrl.u32 s7, $0x1;
	s31 =	sshrl.u32 s8, $0x2;
	s16 =	sor.u32 $0x2800, s15  }
0xa: {  	s18 =	sadd.s32 $0x5000, s15;
	s19 =	sadd.s32 $0x7800, s15;
	s20 =	sadd.s32 $0xA000, s15  }
0xb: {  	s21 =	sadd.s32 $0xC800, s15;
	s22 =	sadd.s32 $0xF000, s15;
	s23 =	sadd.s32 $0x11800, s15  }
0xc: {  	s9 =	sadd.s32 s5, s0;
	s0 =	sadd.s32 $0x83600, s0;
	s10 =	ssub.s32 s7, s26  }
0xd: {  	s7 =	sadd.s32 s31, s1;
	s11 =	sadd.s32 s19, s1;
	s12 =	sadd.s32 s20, s1  }
0xe: {  	s13 =	sadd.s32 s21, s1;
	s14 =	sadd.s32 s22, s1;
	s17 =	sadd.s32 s3, s15  }
0xf: {  	s15 =	sadd.s32 s23, s1;
	s19 =	sadd.s32 s3, s19;
	s20 =	sadd.s32 s3, s20  }
0x10: {  	s21 =	sadd.s32 s3, s21;
	s22 =	sadd.s32 s3, s22;
	s5 =	sadd.s32 $0x3600, s9  }
0x11: {  	s6 =	sadd.s32 $0x73600, s9;
	s8 =	smax.u32 s10, $0x1;
	s9 =	sadd.s32 s16, s1  }
0x12: {  	s10 =	sadd.s32 s18, s1;
	s16 =	sadd.s32 s3, s16;
	s17 =	sshrl.u32 s17, $0x3  }
0x13: {  	s18 =	sadd.s32 s3, s18;
	s19 =	sshrl.u32 s19, $0x3;
	s20 =	sshrl.u32 s20, $0x3  }
0x14: {  	s3 =	sadd.s32 s3, s23;
	s21 =	sshrl.u32 s21, $0x3;
	s22 =	sshrl.u32 s22, $0x3  }
0x15: {  	s24 =	sshrl.u32 s16, $0x3;
	s16 =	sadd.s32 s0, s17;
	s18 =	sshrl.u32 s18, $0x3  }
0x16: {  	s19 =	sadd.s32 s0, s19;
	s20 =	sadd.s32 s0, s20;
	s3 =	sshrl.u32 s3, $0x3  }
0x17: {  	s21 =	sadd.s32 s0, s21;
	s22 =	sadd.s32 s0, s22;
	s17 =	sadd.s32 s0, s24  }
0x18: {  	v0 =	vimm.f32 $0.0e+00;
	s18 =	sadd.s32 s0, s18;
	s23 =	sadd.s32 s0, s3;
	s24 =	simm.s32 $0x8000  }
.LBB2_1:
0x19: {  	s0 =	sand.u32 $0xFE00, s2  }
0x1a: {  	s3 =	sand.u32 $0x70, s2;
	s0 =	sshrl.u32 s0, $0x2  }
0x1b: {  	s31 =	simm.s32 $0x40;
	s3 =	sor.u32 s3, s0;
	s0 =	simm.s32 $0x0  }
.LBB2_2:
0x1c: {  	p0 =	sne.s32 s31, $0x9FC0  }
0x1d: {  	[tilespmem:s3+$0x8000] =	vst v0;
	s0 =	sadd.s32 $0x10, s0;
	s3 =	smov.u32 s31;
	s31 =	sadd.s32 $0x40, s31  }
.Ltmp0:
0x1e: {  	(pc) =	sbr.rel @p0 .LBB2_2-.Ltmp0, $4  }
0x1f: {  	_ = 	snop  }
0x20: {  	s3 =	sand.u32 $0xFE00, s3  }
0x21: {  	s26 =	sand.u32 $0x70, s0;
	s3 =	sshrl.u32 s3, $0x2  }
0x22: {  	s3 =	sor.u32 s26, s3  }
0x23: {  	[tilespmem:s3+$0x8000] =	vst v0  }
0x24: {  	[spmem:s7] =	stream.linear.scatter [tilespmem:s24], [sflag:$0x2], $0x2800, $0x38;
	[tilespmem:$0x1E800] =	vst v63  }
0x25: {  	_ =	swait.ge [sflag:s25], $0x2800  }
0x26: {  	[sflag:s25] =	ssyncset.done $0x0  }
0x27: {  	[sflag:s25] =	ssyncadd.s32 $0xFFFFD800  }
0x28: {  	[spmem:s9] =	stream.linear.scatter [tilespmem:s24], [sflag:$0x2], $0x2800, $0x38;
	[tilespmem:$0x1E800] =	vst v63  }
0x29: {  	_ =	swait.ge [sflag:s25], $0x2800  }
0x2a: {  	[sflag:s25] =	ssyncset.done $0x0  }
0x2b: {  	[sflag:s25] =	ssyncadd.s32 $0xFFFFD800  }
0x2c: {  	[spmem:s10] =	stream.linear.scatter [tilespmem:s24], [sflag:$0x2], $0x2800, $0x38;
	[tilespmem:$0x1E800] =	vst v63  }
0x2d: {  	_ =	swait.ge [sflag:s25], $0x2800  }
0x2e: {  	[sflag:s25] =	ssyncset.done $0x0  }
0x2f: {  	[sflag:s25] =	ssyncadd.s32 $0xFFFFD800  }
0x30: {  	[spmem:s11] =	stream.linear.scatter [tilespmem:s24], [sflag:$0x2], $0x2800, $0x38;
	[tilespmem:$0x1E800] =	vst v63  }
0x31: {  	_ =	swait.ge [sflag:s25], $0x2800  }
0x32: {  	[sflag:s25] =	ssyncset.done $0x0  }
0x33: {  	[sflag:s25] =	ssyncadd.s32 $0xFFFFD800  }
0x34: {  	[spmem:s12] =	stream.linear.scatter [tilespmem:s24], [sflag:$0x2], $0x2800, $0x38;
	[tilespmem:$0x1E800] =	vst v63  }
0x35: {  	_ =	swait.ge [sflag:s25], $0x2800  }
0x36: {  	[sflag:s25] =	ssyncset.done $0x0  }
0x37: {  	[sflag:s25] =	ssyncadd.s32 $0xFFFFD800  }
0x38: {  	[spmem:s13] =	stream.linear.scatter [tilespmem:s24], [sflag:$0x2], $0x2800, $0x38;
	[tilespmem:$0x1E800] =	vst v63  }
0x39: {  	_ =	swait.ge [sflag:s25], $0x2800  }
0x3a: {  	[sflag:s25] =	ssyncset.done $0x0  }
0x3b: {  	[sflag:s25] =	ssyncadd.s32 $0xFFFFD800  }
0x3c: {  	[spmem:s14] =	stream.linear.scatter [tilespmem:s24], [sflag:$0x2], $0x2800, $0x38;
	[tilespmem:$0x1E800] =	vst v63  }
0x3d: {  	_ =	swait.ge [sflag:s25], $0x2800  }
0x3e: {  	[sflag:s25] =	ssyncset.done $0x0  }
0x3f: {  	[sflag:s25] =	ssyncadd.s32 $0xFFFFD800  }
0x40: {  	[spmem:s15] =	stream.linear.scatter [tilespmem:s24], [sflag:$0x2], $0x2800, $0x38;
	[tilespmem:$0x1E800] =	vst v63  }
0x41: {  	_ =	swait.ge [sflag:s25], $0x2800  }
0x42: {  	[sflag:s25] =	ssyncset.done $0x0  }
0x43: {  	[sflag:s25] =	ssyncadd.s32 $0xFFFFD800  }
0x44: {  	s0 =	simm.s32 $0x0;
	[bflag:$0x0] =	sbarrier.arrive $0xFFFF  }
0x45: {  	[tilespmem:s0], [sflag:$0x2] =	stream.linear.gather [hbm4b:s5+s0], $0x3E80, $0x38;
	[tilespmem:$0x1E800] =	vst v63  }
0x46: {  	_ =	swait.ge [sflag:s25], $0x3E80  }
0x47: {  	[sflag:s25] =	ssyncset.done $0x0  }
0x48: {  	s26 =	simm.s32 $0x4000;
	[sflag:s25] =	ssyncadd.s32 $0xFFFFC180  }
0x49: {  	[tilespmem:s26], [sflag:$0x2] =	stream.linear.gather [hbm4b:s6+s0], $0x3E80, $0x38;
	[tilespmem:$0x1E800] =	vst v63  }
0x4a: {  	_ =	swait.ge [sflag:s25], $0x3E80  }
0x4b: {  	[sflag:s25] =	ssyncset.done $0x0  }
0x4c: {  	s3 =	simm.s32 $0x0;
	[sflag:s25] =	ssyncadd.s32 $0xFFFFC180  }
0x4d: {  	[tilespmem:s24], [sflag:$0x1] =	stream.indirect.gather [hbm4b:s4+s28], $0x80, s3, s28, $0xb8;
	[tilespmem:$0x1E800] =	vst v63  }
0x4e: {  	_ =	swait.ge [sflag:s29], $0x2800  }
0x4f: {  	[sflag:s29] =	ssyncset.done $0x0  }
0x50: {  	s26 =	simm.s32 $0x4000;
	[sflag:s29] =	ssyncadd.s32 $0xFFFFD800  }
0x51: {  	[spmem:s1] =	stream.indirect.scatter.add.f32 [tilespmem:s24], [sflag:$0x2], $0x80, s26, s28, $0xb8;
	[tilespmem:$0x1E800] =	vst v63  }
0x52: {  	_ =	swait.ge [sflag:s25], $0x2800  }
0x53: {  	s31 =	simm.s32 $0x200;
	s0 =	simm.s32 $0x400;
	[sflag:s25] =	ssyncset.done $0x0  }
.LBB2_4:
0x54: {  	s3 =	sshra.s32 s31, $0x2  }
0x55: {  	[sflag:s25] =	ssyncadd.s32 $0xFFFFD800;
	s31 =	smov.u32 s0;
	s26 =	sadd.s32 $0x200, s0  }
0x56: {  	[tilespmem:s24], [sflag:$0x1] =	stream.indirect.gather [hbm4b:s4+s28], $0x80, s3, s28, $0xb8;
	[tilespmem:$0x1E800] =	vst v63  }
0x57: {  	p0 =	sne.s32 s0, $0xF800;
	_ =	swait.ge [sflag:s29], $0x2800  }
.Ltmp1:
0x58: {  	[sflag:s29] =	ssyncset.done $0x0;
	(pc) =	sbr.rel @p0 .LBB2_4-.Ltmp1, $4  }
0x59: {  	s0 =	sadd.s32 $0x4000, s3;
	[sflag:s29] =	ssyncadd.s32 $0xFFFFD800  }
0x5a: {  	[spmem:s1] =	stream.indirect.scatter.add.f32 [tilespmem:s24], [sflag:$0x2], $0x80, s0, s28, $0xb8;
	[tilespmem:$0x1E800] =	vst v63  }
0x5b: {  	_ =	swait.ge [sflag:s25], $0x2800  }
0x5c: {  	s0 =	smov.u32 s26;
	[sflag:s25] =	ssyncset.done $0x0  }
0x5d: {  	s0 =	sshra.s32 s31, $0x2;
	[sflag:s25] =	ssyncadd.s32 $0xFFFFD800  }
0x5e: {  	[tilespmem:s24], [sflag:$0x1] =	stream.indirect.gather [hbm4b:s4+s28], $0x80, s0, s28, $0xb8;
	[tilespmem:$0x1E800] =	vst v63  }
0x5f: {  	_ =	swait.ge [sflag:s29], $0x2800  }
0x60: {  	[sflag:s29] =	ssyncset.done $0x0  }
0x61: {  	s0 =	sadd.s32 $0x4000, s0;
	[sflag:s29] =	ssyncadd.s32 $0xFFFFD800  }
0x62: {  	[spmem:s1] =	stream.indirect.scatter.add.f32 [tilespmem:s24], [sflag:$0x2], $0x80, s0, s28, $0xb8;
	[tilespmem:$0x1E800] =	vst v63  }
0x63: {  	_ =	swait.ge [sflag:s25], $0x2800  }
0x64: {  	[sflag:s25] =	ssyncset.done $0x0  }
0x65: {  	[sflag:s25] =	ssyncadd.s32 $0xFFFFD800  }
0x66: {  	[bflag:$0x0] =	sbarrier.arrive $0xFFFF  }
0x67: {  	[tilespmem:s24], [sflag:$0x2] =	stream.linear.gather [spmem:s7], $0x2800, $0x38;
	[tilespmem:$0x1E800] =	vst v63  }
0x68: {  	_ =	swait.ge [sflag:s25], $0x2800  }
0x69: {  	[sflag:s25] =	ssyncset.done $0x0  }
0x6a: {  	[sflag:s25] =	ssyncadd.s32 $0xFFFFD800  }
0x6b: {  	[hbm4b:s16+s2] =	stream.linear.scatter [tilespmem:s24], [sflag:$0x2], $0x2800, $0x38;
	[tilespmem:$0x1E800] =	vst v63  }
0x6c: {  	_ =	swait.ge [sflag:s25], $0x2800  }
0x6d: {  	[sflag:s25] =	ssyncset.done $0x0  }
0x6e: {  	[sflag:s25] =	ssyncadd.s32 $0xFFFFD800  }
0x6f: {  	[tilespmem:s24], [sflag:$0x2] =	stream.linear.gather [spmem:s9], $0x2800, $0x38;
	[tilespmem:$0x1E800] =	vst v63  }
0x70: {  	_ =	swait.ge [sflag:s25], $0x2800  }
0x71: {  	[sflag:s25] =	ssyncset.done $0x0  }
0x72: {  	[sflag:s25] =	ssyncadd.s32 $0xFFFFD800  }
0x73: {  	[hbm4b:s17+s2] =	stream.linear.scatter [tilespmem:s24], [sflag:$0x2], $0x2800, $0x38;
	[tilespmem:$0x1E800] =	vst v63  }
0x74: {  	_ =	swait.ge [sflag:s25], $0x2800  }
0x75: {  	[sflag:s25] =	ssyncset.done $0x0  }
0x76: {  	[sflag:s25] =	ssyncadd.s32 $0xFFFFD800  }
0x77: {  	[tilespmem:s24], [sflag:$0x2] =	stream.linear.gather [spmem:s10], $0x2800, $0x38;
	[tilespmem:$0x1E800] =	vst v63  }
0x78: {  	_ =	swait.ge [sflag:s25], $0x2800  }
0x79: {  	[sflag:s25] =	ssyncset.done $0x0  }
0x7a: {  	[sflag:s25] =	ssyncadd.s32 $0xFFFFD800  }
0x7b: {  	[hbm4b:s18+s2] =	stream.linear.scatter [tilespmem:s24], [sflag:$0x2], $0x2800, $0x38;
	[tilespmem:$0x1E800] =	vst v63  }
0x7c: {  	_ =	swait.ge [sflag:s25], $0x2800  }
0x7d: {  	[sflag:s25] =	ssyncset.done $0x0  }
0x7e: {  	[sflag:s25] =	ssyncadd.s32 $0xFFFFD800  }
0x7f: {  	[tilespmem:s24], [sflag:$0x2] =	stream.linear.gather [spmem:s11], $0x2800, $0x38;
	[tilespmem:$0x1E800] =	vst v63  }
0x80: {  	_ =	swait.ge [sflag:s25], $0x2800  }
0x81: {  	[sflag:s25] =	ssyncset.done $0x0  }
0x82: {  	[sflag:s25] =	ssyncadd.s32 $0xFFFFD800  }
0x83: {  	[hbm4b:s19+s2] =	stream.linear.scatter [tilespmem:s24], [sflag:$0x2], $0x2800, $0x38;
	[tilespmem:$0x1E800] =	vst v63  }
0x84: {  	_ =	swait.ge [sflag:s25], $0x2800  }
0x85: {  	[sflag:s25] =	ssyncset.done $0x0  }
0x86: {  	[sflag:s25] =	ssyncadd.s32 $0xFFFFD800  }
0x87: {  	[tilespmem:s24], [sflag:$0x2] =	stream.linear.gather [spmem:s12], $0x2800, $0x38;
	[tilespmem:$0x1E800] =	vst v63  }
0x88: {  	_ =	swait.ge [sflag:s25], $0x2800  }
0x89: {  	[sflag:s25] =	ssyncset.done $0x0  }
0x8a: {  	[sflag:s25] =	ssyncadd.s32 $0xFFFFD800  }
0x8b: {  	[hbm4b:s20+s2] =	stream.linear.scatter [tilespmem:s24], [sflag:$0x2], $0x2800, $0x38;
	[tilespmem:$0x1E800] =	vst v63  }
0x8c: {  	_ =	swait.ge [sflag:s25], $0x2800  }
0x8d: {  	[sflag:s25] =	ssyncset.done $0x0  }
0x8e: {  	[sflag:s25] =	ssyncadd.s32 $0xFFFFD800  }
0x8f: {  	[tilespmem:s24], [sflag:$0x2] =	stream.linear.gather [spmem:s13], $0x2800, $0x38;
	[tilespmem:$0x1E800] =	vst v63  }
0x90: {  	_ =	swait.ge [sflag:s25], $0x2800  }
0x91: {  	[sflag:s25] =	ssyncset.done $0x0  }
0x92: {  	[sflag:s25] =	ssyncadd.s32 $0xFFFFD800  }
0x93: {  	[hbm4b:s21+s2] =	stream.linear.scatter [tilespmem:s24], [sflag:$0x2], $0x2800, $0x38;
	[tilespmem:$0x1E800] =	vst v63  }
0x94: {  	_ =	swait.ge [sflag:s25], $0x2800  }
0x95: {  	[sflag:s25] =	ssyncset.done $0x0  }
0x96: {  	[sflag:s25] =	ssyncadd.s32 $0xFFFFD800  }
0x97: {  	[tilespmem:s24], [sflag:$0x2] =	stream.linear.gather [spmem:s14], $0x2800, $0x38;
	[tilespmem:$0x1E800] =	vst v63  }
0x98: {  	_ =	swait.ge [sflag:s25], $0x2800  }
0x99: {  	[sflag:s25] =	ssyncset.done $0x0  }
0x9a: {  	[sflag:s25] =	ssyncadd.s32 $0xFFFFD800  }
0x9b: {  	[hbm4b:s22+s2] =	stream.linear.scatter [tilespmem:s24], [sflag:$0x2], $0x2800, $0x38;
	[tilespmem:$0x1E800] =	vst v63  }
0x9c: {  	_ =	swait.ge [sflag:s25], $0x2800  }
0x9d: {  	[sflag:s25] =	ssyncset.done $0x0  }
0x9e: {  	[sflag:s25] =	ssyncadd.s32 $0xFFFFD800  }
0x9f: {  	[tilespmem:s24], [sflag:$0x2] =	stream.linear.gather [spmem:s15], $0x2800, $0x38;
	[tilespmem:$0x1E800] =	vst v63  }
0xa0: {  	s30 =	sadd.s32 $0x1, s30;
	_ =	swait.ge [sflag:s25], $0x2800  }
0xa1: {  	p0 =	sne.s32 s30, s8;
	[sflag:s25] =	ssyncset.done $0x0  }
.Ltmp2:
0xa2: {  	[sflag:s25] =	ssyncadd.s32 $0xFFFFD800;
	(pc) =	sbr.rel @p0 .LBB2_1-.Ltmp2, $4  }
0xa3: {  	[hbm4b:s23+s2] =	stream.linear.scatter [tilespmem:s24], [sflag:$0x2], $0x2800, $0x38;
	[tilespmem:$0x1E800] =	vst v63  }
0xa4: {  	_ =	swait.ge [sflag:s25], $0x2800  }
0xa5: {  	[sflag:s25] =	ssyncset.done $0x0  }
0xa6: {  	[sflag:s25] =	ssyncadd.s32 $0xFFFFD800  }
0xa7: {  	_ =	sfence.sel $0x180000  }
0xa8: {  	[bflag:$0x0] =	sbarrier.arrive $0xFFFF  }
0xa9: {  	_ =	strace $0x90000053  }
0xaa: {  	s0 =	stileid.u32;
	[bflag:$0x2] =	sbarrier.arrive $0xFFFF  }
0xab: {  	p0 =	sne.s32 s0, $0x0;
	s0 =	rddreg [dreg:$0x2]  }
0xac: {  	s0 =	sadd.s32 @!p0 $0x100000, s0  }
0xad: {  	[sflag:s0] =	ssyncadd.tile.s32 @!p0 $0x1;
	_ =	shalt  }
.Lfunc_end2:
_tile_overlayer_lowered:
.L_overlay_start_2:
0xae: {  	(tag) =	ssettag $0x2  }
0xaf: {  	s0 =	rddreg [dreg:$0x0];
	s2 =	stileid.u32  }
0xb0: {  	s1 =	rddreg [dreg:$0x1];
	p0 =	sne.s32 s2, $0x0  }
0xb1: {  	s3 =	rddreg [dreg:$0x2];
	[bflag:$0x3] =	sbarrier.arrive $0xFFFF;
	s2 =	simm.s32 @!p0 $0x1C02  }
0xb2: {  	[timem:s3], [sflag:s2] =	dma.local @!p0 [hbm:s0], s1  }
0xb3: {  	s0 =	simm.s32 @!p0 $0x2  }
0xb4: {  	_ =	swait.ge @!p0 [sflag:s0], s1  }
0xb5: {  	s1 =	ssub.s32 @!p0 $0x0, s1;
	[sflag:s0] =	ssyncset.done @!p0 $0x0  }
0xb6: {  	[sflag:s0] =	ssyncadd.s32 @!p0 s1  }
0xb7: {  	[bflag:$0x3] =	sbarrier.arrive $0xFFFF  }
0xb8: {  	_ =	shalt  }

</sc_bundles>
